<compile_context>
chip_gen: v7x
topology: tpu7x:2x2x1
jax: 0.10.2.dev20260603
libtpu: 0.0.44.dev20260713+nightly
codegen_flags: <defaults>
</compile_context>

<pallas_src>
import functools

import jax
import jax.numpy as jnp
from jax import lax
from jax.experimental import pallas as pl
from jax.experimental.pallas import tpu as pltpu
from jax.experimental.pallas import tpu_sc as plsc

VOCAB = 100000
EMB = 300
NUM_CLASSES = 20
BATCH = 4096
TIME = 200

C_PAD = 32
NC, NS = 2, 16
NW = NC * NS
B_PER_W = BATCH // NW
T_HALF = TIME // 2
T_ROW = 104



_VBLK = 8192


def _proj_body(t_ref, w_ref, b_ref, out_ref):
    out_ref[:, 0:C_PAD] = lax.dot_general(
        t_ref[...], w_ref[...],
        (((0,), (1,)), ((), ())),
        preferred_element_type=jnp.float32,
    ) + b_ref[...]


def _project_table(emb_t, fc_w_pad, fc_b_pad):
    return pl.pallas_call(
        _proj_body,
        grid=((VOCAB + _VBLK - 1) // _VBLK,),
        in_specs=[
            pl.BlockSpec((EMB, _VBLK), lambda i: (0, i)),
            pl.BlockSpec((C_PAD, EMB), lambda i: (0, 0)),
            pl.BlockSpec((1, C_PAD), lambda i: (0, 0)),
        ],
        out_specs=pl.BlockSpec((_VBLK, 128), lambda i: (i, 0)),
        out_shape=jax.ShapeDtypeStruct((VOCAB, 128), jnp.float32),
    )(emb_t, fc_w_pad, fc_b_pad)




T_CHUNK = 8
N_CHUNKS = TIME // T_CHUNK


def _sc_body(xt_hbm, proj_hbm, out_hbm, raw_v, rows_v, out_v, sem0, sem1):
    wid = lax.axis_index("s") * NC + lax.axis_index("c")
    base = wid * B_PER_W
    sems = (sem0, sem1)

    pltpu.sync_copy(xt_hbm.at[:, pl.ds(base, B_PER_W)], raw_v)

    def fire(c, buf):
        for k in range(T_CHUNK):
            pltpu.async_copy(proj_hbm.at[raw_v.at[c * T_CHUNK + k]],
                             rows_v.at[buf, k], sems[buf])

    def drain(c, buf):
        for k in range(T_CHUNK):
            pltpu.make_async_copy(proj_hbm.at[raw_v.at[c * T_CHUNK + k]],
                                  rows_v.at[buf, k], sems[buf]).wait()

    def reduce(buf, first):
        def accum(b, _):
            if first:
                a0 = rows_v[buf, 0, b, 0:16]
                a1 = rows_v[buf, 0, b, 16:32]
                k0 = 1
            else:
                a0 = out_v[b, 0:16]
                a1 = out_v[b, 16:32]
                k0 = 0
            for k in range(k0, T_CHUNK):
                a0 = a0 + rows_v[buf, k, b, 0:16]
                a1 = a1 + rows_v[buf, k, b, 16:32]
            out_v[b, 0:16] = a0
            out_v[b, 16:32] = a1
            return 0

        lax.fori_loop(0, B_PER_W, accum, 0, unroll=2)

    fire(0, 0)
    fire(1, 1)
    drain(0, 0)
    reduce(0, True)

    def step_even(g, _):
        fire(2 * g + 2, 0)
        drain(2 * g + 1, 1)
        reduce(1, False)
        fire(2 * g + 3, 1)
        drain(2 * g + 2, 0)
        reduce(0, False)
        return 0

    lax.fori_loop(0, (N_CHUNKS - 2) // 2, step_even, 0)
    fire(N_CHUNKS - 1, 0)
    drain(N_CHUNKS - 2, 1)
    reduce(1, False)
    drain(N_CHUNKS - 1, 0)
    reduce(0, False)

    pltpu.sync_copy(out_v, out_hbm.at[pl.ds(base, B_PER_W)])


@functools.cache
def _make_sc_kernel():
    return pl.kernel(
        _sc_body,
        out_type=jax.ShapeDtypeStruct((BATCH, C_PAD), jnp.float32),
        mesh=plsc.VectorSubcoreMesh(core_axis_name="c", subcore_axis_name="s"),
        scratch_types=[
            pltpu.VMEM((TIME, B_PER_W), jnp.int32),
            pltpu.VMEM((2, T_CHUNK, B_PER_W, C_PAD), jnp.float32),
            pltpu.VMEM((B_PER_W, C_PAD), jnp.float32),
            pltpu.SemaphoreType.DMA,
            pltpu.SemaphoreType.DMA,
        ],
        compiler_params=pltpu.CompilerParams(use_tc_tiling_on_sc=False,
                                             needs_layout_passes=False),
    )




def kernel(x, emb_table, fc_w, fc_b):
    fc_w_pad = jnp.zeros((C_PAD, EMB), jnp.float32).at[:NUM_CLASSES].set(fc_w)
    fc_w_pad = fc_w_pad * (1.0 / TIME)
    fc_b_pad = jnp.zeros((1, C_PAD), jnp.float32).at[0, :NUM_CLASSES].set(
        fc_b * (1.0 / TIME))
    proj = _project_table(emb_table.T, fc_w_pad, fc_b_pad)
    proj4 = proj.reshape(4 * VOCAB, C_PAD)
    out = _make_sc_kernel()(x.T * 4, proj4)
    return out[:, :NUM_CLASSES]

# --- scband reference (transcript-rebuilt; emitter-appended) ---
"""Pipeline reference for scband-baseline-classifier-17016660427469 (READ-ONLY COPY).

The authoritative reference and input builder live on the scoring server;
editing this copy changes nothing except your own understanding.
"""

import jax, jax.numpy as jnp
import numpy as np

VOCAB = 100000
EMB = 300
NUM_CLASSES = 20
BATCH = 4096
TIME = 200

def setup_inputs(seed: int = 0) -> dict:
    key = jax.random.key(seed)
    k1, k2, k3, k4 = jax.random.split(key, 4)
    x = jax.random.randint(k1, (BATCH, TIME), 0, VOCAB, dtype=jnp.int64 if jax.config.read('jax_enable_x64') else jnp.int32)
    emb_table = jax.random.normal(k2, (VOCAB, EMB), dtype=jnp.float32) * 0.02
    fc_w = jax.random.normal(k3, (NUM_CLASSES, EMB), dtype=jnp.float32) * 0.05
    fc_b = jax.random.normal(k4, (NUM_CLASSES,), dtype=jnp.float32) * 0.01
    return {"x": x, "emb_table": emb_table, "fc_w": fc_w, "fc_b": fc_b}

def reference(x, emb_table, fc_w, fc_b):
    # Embedding lookup: (B, T) -> (B, T, E)
    emb = jnp.take(emb_table, x, axis=0)
    # Global mean pooling over time: (B, E)
    pooled = jnp.mean(emb, axis=1)
    # Linear to class logits: (B, num_classes)
    logits = pooled @ fc_w.T + fc_b
    return logits

if __name__ == "__main__":
    import jax
    _d = setup_inputs()
    print(jax.jit(kernel)(*tuple(_d.values())))

</pallas_src>

<mosaic_0001>
#map = affine_map<(d0, d1) -> (0, 0)>
module attributes {stable_mosaic.version = 14 : i64} {
  func.func @_sc_body(%arg0: i32, %arg1: i32, %arg2: memref<200x4096xi32, #tpu.memory_space<hbm>>, %arg3: memref<400000x32xf32, #tpu.memory_space<hbm>>, %arg4: memref<4096x32xf32, #tpu.memory_space<hbm>>, %arg5: memref<200x128xi32, #tpu.memory_space<vmem>>, %arg6: memref<2x8x128x32xf32, #tpu.memory_space<vmem>>, %arg7: memref<128x32xf32, #tpu.memory_space<vmem>>, %arg8: memref<!tpu.dma_semaphore, #tpu.memory_space<semaphore_mem>>, %arg9: memref<!tpu.dma_semaphore, #tpu.memory_space<semaphore_mem>>) attributes {dimension_semantics = [#tpu.dimension_semantics<core_parallel>, #tpu.dimension_semantics<subcore_parallel>], iteration_bounds = array<i64: 2, 16>, scalar_prefetch = 0 : i64, scratch_operands = 5 : i64, tpu.core_type = #tpu.core_type<sc_vector_subcore>, window_params = [{transform_indices = #map}, {transform_indices = #map}, {transform_indices = #map}]} {
    %mul3A = arith.constant 2 : i32
    %mul3A_0 = arith.muli %arg1, %mul3A : i32
    %add3A = arith.addi %mul3A_0, %arg0 : i32
    %mul3A_1 = arith.constant 128 : i32
    %mul3A_2 = arith.muli %add3A, %mul3A_1 : i32
    "tpu.region"() ({
      %run_scoped3A = tpu.sem_alloc : memref<!tpu.dma_semaphore, #tpu.memory_space<semaphore_mem>>
      %dma_start3A_652 = arith.constant 0 : i32
      %dma_start3A_653 = tpu.memref_slice %arg2[%dma_start3A_652, %mul3A_2] : memref<200x4096xi32, #tpu.memory_space<hbm>> -> memref<200x128xi32, #tpu.memory_space<hbm>>
      %dma_start3A_654 = arith.constant 0 : i32
      %dma_start3A_655 = tpu.memref_slice %arg2[%dma_start3A_654, %mul3A_2] : memref<200x4096xi32, #tpu.memory_space<hbm>> -> memref<200x128xi32, #tpu.memory_space<hbm>>
      tpu.enqueue_dma source(%dma_start3A_655 : memref<200x128xi32, #tpu.memory_space<hbm>>) target(%arg5 : memref<200x128xi32, #tpu.memory_space<vmem>>) target_semaphore(%run_scoped3A : memref<!tpu.dma_semaphore, #tpu.memory_space<semaphore_mem>>)
      %dma_wait3A_656 = arith.constant 0 : i32
      %dma_wait3A_657 = tpu.memref_slice %arg2[%dma_wait3A_656, %mul3A_2] : memref<200x4096xi32, #tpu.memory_space<hbm>> -> memref<200x128xi32, #tpu.memory_space<hbm>>
      %dma_wait3A_658 = arith.constant 0 : i32
      %dma_wait3A_659 = tpu.memref_slice %arg2[%dma_wait3A_658, %mul3A_2] : memref<200x4096xi32, #tpu.memory_space<hbm>> -> memref<200x128xi32, #tpu.memory_space<hbm>>
      tpu.wait_dma2 semaphore(%run_scoped3A : memref<!tpu.dma_semaphore, #tpu.memory_space<semaphore_mem>>) src(%dma_wait3A_659 : memref<200x128xi32, #tpu.memory_space<hbm>>) dst(%arg5 : memref<200x128xi32, #tpu.memory_space<vmem>>)
      tpu.yield
    }) : () -> ()
    %dma_start3A = arith.constant 0 : i32
    %dma_start3A_3 = arith.constant 0 : i32
    %dma_start3A_4 = arith.constant 0 : i32
    %dma_start3A_5 = arith.constant 0 : i32
    %dma_start3A_6 = arith.constant 0 : i32
    %dma_start3A_7 = tpu.memref_slice %arg6[%dma_start3A_3, %dma_start3A_4, %dma_start3A_5, %dma_start3A_6] : memref<2x8x128x32xf32, #tpu.memory_space<vmem>> -> memref<1x1x128x32xf32, #tpu.memory_space<vmem>>
    %dma_start3A_8 = tpu.memref_squeeze %dma_start3A_7 : memref<1x1x128x32xf32, #tpu.memory_space<vmem>> -> memref<128x32xf32, #tpu.memory_space<vmem>>
    %dma_start3A_9 = arith.constant 0 : i32
    %dma_start3A_10 = tpu.memref_slice %arg5[%dma_start3A, %dma_start3A_9] : memref<200x128xi32, #tpu.memory_space<vmem>> -> memref<1x128xi32, #tpu.memory_space<vmem>>
    %dma_start3A_11 = tpu.memref_squeeze %dma_start3A_10 : memref<1x128xi32, #tpu.memory_space<vmem>> -> memref<128xi32, #tpu.memory_space<vmem>>
    %dma_start3A_12 = arith.constant 0 : i32
    %dma_start3A_13 = arith.constant 0 : i32
    %dma_start3A_14 = tpu.memref_slice %arg3[%dma_start3A_12, %dma_start3A_13] : memref<400000x32xf32, #tpu.memory_space<hbm>> -> memref<400000x32xf32, #tpu.memory_space<hbm>>
    tpu.enqueue_indirect_dma source(%dma_start3A_14 : memref<400000x32xf32, #tpu.memory_space<hbm>>) target(%dma_start3A_8 : memref<128x32xf32, #tpu.memory_space<vmem>>) offsets(%dma_start3A_11 : memref<128xi32, #tpu.memory_space<vmem>>) semaphore(%arg8 : memref<!tpu.dma_semaphore, #tpu.memory_space<semaphore_mem>>)
    %dma_start3A_15 = arith.constant 1 : i32
    %dma_start3A_16 = arith.constant 0 : i32
    %dma_start3A_17 = arith.constant 1 : i32
    %dma_start3A_18 = arith.constant 0 : i32
    %dma_start3A_19 = arith.constant 0 : i32
    %dma_start3A_20 = tpu.memref_slice %arg6[%dma_start3A_16, %dma_start3A_17, %dma_start3A_18, %dma_start3A_19] : memref<2x8x128x32xf32, #tpu.memory_space<vmem>> -> memref<1x1x128x32xf32, #tpu.memory_space<vmem>>
    %dma_start3A_21 = tpu.memref_squeeze %dma_start3A_20 : memref<1x1x128x32xf32, #tpu.memory_space<vmem>> -> memref<128x32xf32, #tpu.memory_space<vmem>>
    %dma_start3A_22 = arith.constant 0 : i32
    %dma_start3A_23 = tpu.memref_slice %arg5[%dma_start3A_15, %dma_start3A_22] : memref<200x128xi32, #tpu.memory_space<vmem>> -> memref<1x128xi32, #tpu.memory_space<vmem>>
    %dma_start3A_24 = tpu.memref_squeeze %dma_start3A_23 : memref<1x128xi32, #tpu.memory_space<vmem>> -> memref<128xi32, #tpu.memory_space<vmem>>
    %dma_start3A_25 = arith.constant 0 : i32
    %dma_start3A_26 = arith.constant 0 : i32
    %dma_start3A_27 = tpu.memref_slice %arg3[%dma_start3A_25, %dma_start3A_26] : memref<400000x32xf32, #tpu.memory_space<hbm>> -> memref<400000x32xf32, #tpu.memory_space<hbm>>
    tpu.enqueue_indirect_dma source(%dma_start3A_27 : memref<400000x32xf32, #tpu.memory_space<hbm>>) target(%dma_start3A_21 : memref<128x32xf32, #tpu.memory_space<vmem>>) offsets(%dma_start3A_24 : memref<128xi32, #tpu.memory_space<vmem>>) semaphore(%arg8 : memref<!tpu.dma_semaphore, #tpu.memory_space<semaphore_mem>>)
    %dma_start3A_28 = arith.constant 2 : i32
    %dma_start3A_29 = arith.constant 0 : i32
    %dma_start3A_30 = arith.constant 2 : i32
    %dma_start3A_31 = arith.constant 0 : i32
    %dma_start3A_32 = arith.constant 0 : i32
    %dma_start3A_33 = tpu.memref_slice %arg6[%dma_start3A_29, %dma_start3A_30, %dma_start3A_31, %dma_start3A_32] : memref<2x8x128x32xf32, #tpu.memory_space<vmem>> -> memref<1x1x128x32xf32, #tpu.memory_space<vmem>>
    %dma_start3A_34 = tpu.memref_squeeze %dma_start3A_33 : memref<1x1x128x32xf32, #tpu.memory_space<vmem>> -> memref<128x32xf32, #tpu.memory_space<vmem>>
    %dma_start3A_35 = arith.constant 0 : i32
    %dma_start3A_36 = tpu.memref_slice %arg5[%dma_start3A_28, %dma_start3A_35] : memref<200x128xi32, #tpu.memory_space<vmem>> -> memref<1x128xi32, #tpu.memory_space<vmem>>
    %dma_start3A_37 = tpu.memref_squeeze %dma_start3A_36 : memref<1x128xi32, #tpu.memory_space<vmem>> -> memref<128xi32, #tpu.memory_space<vmem>>
    %dma_start3A_38 = arith.constant 0 : i32
    %dma_start3A_39 = arith.constant 0 : i32
    %dma_start3A_40 = tpu.memref_slice %arg3[%dma_start3A_38, %dma_start3A_39] : memref<400000x32xf32, #tpu.memory_space<hbm>> -> memref<400000x32xf32, #tpu.memory_space<hbm>>
    tpu.enqueue_indirect_dma source(%dma_start3A_40 : memref<400000x32xf32, #tpu.memory_space<hbm>>) target(%dma_start3A_34 : memref<128x32xf32, #tpu.memory_space<vmem>>) offsets(%dma_start3A_37 : memref<128xi32, #tpu.memory_space<vmem>>) semaphore(%arg8 : memref<!tpu.dma_semaphore, #tpu.memory_space<semaphore_mem>>)
    %dma_start3A_41 = arith.constant 3 : i32
    %dma_start3A_42 = arith.constant 0 : i32
    %dma_start3A_43 = arith.constant 3 : i32
    %dma_start3A_44 = arith.constant 0 : i32
    %dma_start3A_45 = arith.constant 0 : i32
    %dma_start3A_46 = tpu.memref_slice %arg6[%dma_start3A_42, %dma_start3A_43, %dma_start3A_44, %dma_start3A_45] : memref<2x8x128x32xf32, #tpu.memory_space<vmem>> -> memref<1x1x128x32xf32, #tpu.memory_space<vmem>>
    %dma_start3A_47 = tpu.memref_squeeze %dma_start3A_46 : memref<1x1x128x32xf32, #tpu.memory_space<vmem>> -> memref<128x32xf32, #tpu.memory_space<vmem>>
    %dma_start3A_48 = arith.constant 0 : i32
    %dma_start3A_49 = tpu.memref_slice %arg5[%dma_start3A_41, %dma_start3A_48] : memref<200x128xi32, #tpu.memory_space<vmem>> -> memref<1x128xi32, #tpu.memory_space<vmem>>
    %dma_start3A_50 = tpu.memref_squeeze %dma_start3A_49 : memref<1x128xi32, #tpu.memory_space<vmem>> -> memref<128xi32, #tpu.memory_space<vmem>>
    %dma_start3A_51 = arith.constant 0 : i32
    %dma_start3A_52 = arith.constant 0 : i32
    %dma_start3A_53 = tpu.memref_slice %arg3[%dma_start3A_51, %dma_start3A_52] : memref<400000x32xf32, #tpu.memory_space<hbm>> -> memref<400000x32xf32, #tpu.memory_space<hbm>>
    tpu.enqueue_indirect_dma source(%dma_start3A_53 : memref<400000x32xf32, #tpu.memory_space<hbm>>) target(%dma_start3A_47 : memref<128x32xf32, #tpu.memory_space<vmem>>) offsets(%dma_start3A_50 : memref<128xi32, #tpu.memory_space<vmem>>) semaphore(%arg8 : memref<!tpu.dma_semaphore, #tpu.memory_space<semaphore_mem>>)
    %dma_start3A_54 = arith.constant 4 : i32
    %dma_start3A_55 = arith.constant 0 : i32
    %dma_start3A_56 = arith.constant 4 : i32
    %dma_start3A_57 = arith.constant 0 : i32
    %dma_start3A_58 = arith.constant 0 : i32
    %dma_start3A_59 = tpu.memref_slice %arg6[%dma_start3A_55, %dma_start3A_56, %dma_start3A_57, %dma_start3A_58] : memref<2x8x128x32xf32, #tpu.memory_space<vmem>> -> memref<1x1x128x32xf32, #tpu.memory_space<vmem>>
    %dma_start3A_60 = tpu.memref_squeeze %dma_start3A_59 : memref<1x1x128x32xf32, #tpu.memory_space<vmem>> -> memref<128x32xf32, #tpu.memory_space<vmem>>
    %dma_start3A_61 = arith.constant 0 : i32
    %dma_start3A_62 = tpu.memref_slice %arg5[%dma_start3A_54, %dma_start3A_61] : memref<200x128xi32, #tpu.memory_space<vmem>> -> memref<1x128xi32, #tpu.memory_space<vmem>>
    %dma_start3A_63 = tpu.memref_squeeze %dma_start3A_62 : memref<1x128xi32, #tpu.memory_space<vmem>> -> memref<128xi32, #tpu.memory_space<vmem>>
    %dma_start3A_64 = arith.constant 0 : i32
    %dma_start3A_65 = arith.constant 0 : i32
    %dma_start3A_66 = tpu.memref_slice %arg3[%dma_start3A_64, %dma_start3A_65] : memref<400000x32xf32, #tpu.memory_space<hbm>> -> memref<400000x32xf32, #tpu.memory_space<hbm>>
    tpu.enqueue_indirect_dma source(%dma_start3A_66 : memref<400000x32xf32, #tpu.memory_space<hbm>>) target(%dma_start3A_60 : memref<128x32xf32, #tpu.memory_space<vmem>>) offsets(%dma_start3A_63 : memref<128xi32, #tpu.memory_space<vmem>>) semaphore(%arg8 : memref<!tpu.dma_semaphore, #tpu.memory_space<semaphore_mem>>)
    %dma_start3A_67 = arith.constant 5 : i32
    %dma_start3A_68 = arith.constant 0 : i32
    %dma_start3A_69 = arith.constant 5 : i32
    %dma_start3A_70 = arith.constant 0 : i32
    %dma_start3A_71 = arith.constant 0 : i32
    %dma_start3A_72 = tpu.memref_slice %arg6[%dma_start3A_68, %dma_start3A_69, %dma_start3A_70, %dma_start3A_71] : memref<2x8x128x32xf32, #tpu.memory_space<vmem>> -> memref<1x1x128x32xf32, #tpu.memory_space<vmem>>
    %dma_start3A_73 = tpu.memref_squeeze %dma_start3A_72 : memref<1x1x128x32xf32, #tpu.memory_space<vmem>> -> memref<128x32xf32, #tpu.memory_space<vmem>>
    %dma_start3A_74 = arith.constant 0 : i32
    %dma_start3A_75 = tpu.memref_slice %arg5[%dma_start3A_67, %dma_start3A_74] : memref<200x128xi32, #tpu.memory_space<vmem>> -> memref<1x128xi32, #tpu.memory_space<vmem>>
    %dma_start3A_76 = tpu.memref_squeeze %dma_start3A_75 : memref<1x128xi32, #tpu.memory_space<vmem>> -> memref<128xi32, #tpu.memory_space<vmem>>
    %dma_start3A_77 = arith.constant 0 : i32
    %dma_start3A_78 = arith.constant 0 : i32
    %dma_start3A_79 = tpu.memref_slice %arg3[%dma_start3A_77, %dma_start3A_78] : memref<400000x32xf32, #tpu.memory_space<hbm>> -> memref<400000x32xf32, #tpu.memory_space<hbm>>
    tpu.enqueue_indirect_dma source(%dma_start3A_79 : memref<400000x32xf32, #tpu.memory_space<hbm>>) target(%dma_start3A_73 : memref<128x32xf32, #tpu.memory_space<vmem>>) offsets(%dma_start3A_76 : memref<128xi32, #tpu.memory_space<vmem>>) semaphore(%arg8 : memref<!tpu.dma_semaphore, #tpu.memory_space<semaphore_mem>>)
    %dma_start3A_80 = arith.constant 6 : i32
    %dma_start3A_81 = arith.constant 0 : i32
    %dma_start3A_82 = arith.constant 6 : i32
    %dma_start3A_83 = arith.constant 0 : i32
    %dma_start3A_84 = arith.constant 0 : i32
    %dma_start3A_85 = tpu.memref_slice %arg6[%dma_start3A_81, %dma_start3A_82, %dma_start3A_83, %dma_start3A_84] : memref<2x8x128x32xf32, #tpu.memory_space<vmem>> -> memref<1x1x128x32xf32, #tpu.memory_space<vmem>>
    %dma_start3A_86 = tpu.memref_squeeze %dma_start3A_85 : memref<1x1x128x32xf32, #tpu.memory_space<vmem>> -> memref<128x32xf32, #tpu.memory_space<vmem>>
    %dma_start3A_87 = arith.constant 0 : i32
    %dma_start3A_88 = tpu.memref_slice %arg5[%dma_start3A_80, %dma_start3A_87] : memref<200x128xi32, #tpu.memory_space<vmem>> -> memref<1x128xi32, #tpu.memory_space<vmem>>
    %dma_start3A_89 = tpu.memref_squeeze %dma_start3A_88 : memref<1x128xi32, #tpu.memory_space<vmem>> -> memref<128xi32, #tpu.memory_space<vmem>>
    %dma_start3A_90 = arith.constant 0 : i32
    %dma_start3A_91 = arith.constant 0 : i32
    %dma_start3A_92 = tpu.memref_slice %arg3[%dma_start3A_90, %dma_start3A_91] : memref<400000x32xf32, #tpu.memory_space<hbm>> -> memref<400000x32xf32, #tpu.memory_space<hbm>>
    tpu.enqueue_indirect_dma source(%dma_start3A_92 : memref<400000x32xf32, #tpu.memory_space<hbm>>) target(%dma_start3A_86 : memref<128x32xf32, #tpu.memory_space<vmem>>) offsets(%dma_start3A_89 : memref<128xi32, #tpu.memory_space<vmem>>) semaphore(%arg8 : memref<!tpu.dma_semaphore, #tpu.memory_space<semaphore_mem>>)
    %dma_start3A_93 = arith.constant 7 : i32
    %dma_start3A_94 = arith.constant 0 : i32
    %dma_start3A_95 = arith.constant 7 : i32
    %dma_start3A_96 = arith.constant 0 : i32
    %dma_start3A_97 = arith.constant 0 : i32
    %dma_start3A_98 = tpu.memref_slice %arg6[%dma_start3A_94, %dma_start3A_95, %dma_start3A_96, %dma_start3A_97] : memref<2x8x128x32xf32, #tpu.memory_space<vmem>> -> memref<1x1x128x32xf32, #tpu.memory_space<vmem>>
    %dma_start3A_99 = tpu.memref_squeeze %dma_start3A_98 : memref<1x1x128x32xf32, #tpu.memory_space<vmem>> -> memref<128x32xf32, #tpu.memory_space<vmem>>
    %dma_start3A_100 = arith.constant 0 : i32
    %dma_start3A_101 = tpu.memref_slice %arg5[%dma_start3A_93, %dma_start3A_100] : memref<200x128xi32, #tpu.memory_space<vmem>> -> memref<1x128xi32, #tpu.memory_space<vmem>>
    %dma_start3A_102 = tpu.memref_squeeze %dma_start3A_101 : memref<1x128xi32, #tpu.memory_space<vmem>> -> memref<128xi32, #tpu.memory_space<vmem>>
    %dma_start3A_103 = arith.constant 0 : i32
    %dma_start3A_104 = arith.constant 0 : i32
    %dma_start3A_105 = tpu.memref_slice %arg3[%dma_start3A_103, %dma_start3A_104] : memref<400000x32xf32, #tpu.memory_space<hbm>> -> memref<400000x32xf32, #tpu.memory_space<hbm>>
    tpu.enqueue_indirect_dma source(%dma_start3A_105 : memref<400000x32xf32, #tpu.memory_space<hbm>>) target(%dma_start3A_99 : memref<128x32xf32, #tpu.memory_space<vmem>>) offsets(%dma_start3A_102 : memref<128xi32, #tpu.memory_space<vmem>>) semaphore(%arg8 : memref<!tpu.dma_semaphore, #tpu.memory_space<semaphore_mem>>)
    %dma_start3A_106 = arith.constant 8 : i32
    %dma_start3A_107 = arith.constant 1 : i32
    %dma_start3A_108 = arith.constant 0 : i32
    %dma_start3A_109 = arith.constant 0 : i32
    %dma_start3A_110 = arith.constant 0 : i32
    %dma_start3A_111 = tpu.memref_slice %arg6[%dma_start3A_107, %dma_start3A_108, %dma_start3A_109, %dma_start3A_110] : memref<2x8x128x32xf32, #tpu.memory_space<vmem>> -> memref<1x1x128x32xf32, #tpu.memory_space<vmem>>
    %dma_start3A_112 = tpu.memref_squeeze %dma_start3A_111 : memref<1x1x128x32xf32, #tpu.memory_space<vmem>> -> memref<128x32xf32, #tpu.memory_space<vmem>>
    %dma_start3A_113 = arith.constant 0 : i32
    %dma_start3A_114 = tpu.memref_slice %arg5[%dma_start3A_106, %dma_start3A_113] : memref<200x128xi32, #tpu.memory_space<vmem>> -> memref<1x128xi32, #tpu.memory_space<vmem>>
    %dma_start3A_115 = tpu.memref_squeeze %dma_start3A_114 : memref<1x128xi32, #tpu.memory_space<vmem>> -> memref<128xi32, #tpu.memory_space<vmem>>
    %dma_start3A_116 = arith.constant 0 : i32
    %dma_start3A_117 = arith.constant 0 : i32
    %dma_start3A_118 = tpu.memref_slice %arg3[%dma_start3A_116, %dma_start3A_117] : memref<400000x32xf32, #tpu.memory_space<hbm>> -> memref<400000x32xf32, #tpu.memory_space<hbm>>
    tpu.enqueue_indirect_dma source(%dma_start3A_118 : memref<400000x32xf32, #tpu.memory_space<hbm>>) target(%dma_start3A_112 : memref<128x32xf32, #tpu.memory_space<vmem>>) offsets(%dma_start3A_115 : memref<128xi32, #tpu.memory_space<vmem>>) semaphore(%arg9 : memref<!tpu.dma_semaphore, #tpu.memory_space<semaphore_mem>>)
    %dma_start3A_119 = arith.constant 9 : i32
    %dma_start3A_120 = arith.constant 1 : i32
    %dma_start3A_121 = arith.constant 1 : i32
    %dma_start3A_122 = arith.constant 0 : i32
    %dma_start3A_123 = arith.constant 0 : i32
    %dma_start3A_124 = tpu.memref_slice %arg6[%dma_start3A_120, %dma_start3A_121, %dma_start3A_122, %dma_start3A_123] : memref<2x8x128x32xf32, #tpu.memory_space<vmem>> -> memref<1x1x128x32xf32, #tpu.memory_space<vmem>>
    %dma_start3A_125 = tpu.memref_squeeze %dma_start3A_124 : memref<1x1x128x32xf32, #tpu.memory_space<vmem>> -> memref<128x32xf32, #tpu.memory_space<vmem>>
    %dma_start3A_126 = arith.constant 0 : i32
    %dma_start3A_127 = tpu.memref_slice %arg5[%dma_start3A_119, %dma_start3A_126] : memref<200x128xi32, #tpu.memory_space<vmem>> -> memref<1x128xi32, #tpu.memory_space<vmem>>
    %dma_start3A_128 = tpu.memref_squeeze %dma_start3A_127 : memref<1x128xi32, #tpu.memory_space<vmem>> -> memref<128xi32, #tpu.memory_space<vmem>>
    %dma_start3A_129 = arith.constant 0 : i32
    %dma_start3A_130 = arith.constant 0 : i32
    %dma_start3A_131 = tpu.memref_slice %arg3[%dma_start3A_129, %dma_start3A_130] : memref<400000x32xf32, #tpu.memory_space<hbm>> -> memref<400000x32xf32, #tpu.memory_space<hbm>>
    tpu.enqueue_indirect_dma source(%dma_start3A_131 : memref<400000x32xf32, #tpu.memory_space<hbm>>) target(%dma_start3A_125 : memref<128x32xf32, #tpu.memory_space<vmem>>) offsets(%dma_start3A_128 : memref<128xi32, #tpu.memory_space<vmem>>) semaphore(%arg9 : memref<!tpu.dma_semaphore, #tpu.memory_space<semaphore_mem>>)
    %dma_start3A_132 = arith.constant 10 : i32
    %dma_start3A_133 = arith.constant 1 : i32
    %dma_start3A_134 = arith.constant 2 : i32
    %dma_start3A_135 = arith.constant 0 : i32
    %dma_start3A_136 = arith.constant 0 : i32
    %dma_start3A_137 = tpu.memref_slice %arg6[%dma_start3A_133, %dma_start3A_134, %dma_start3A_135, %dma_start3A_136] : memref<2x8x128x32xf32, #tpu.memory_space<vmem>> -> memref<1x1x128x32xf32, #tpu.memory_space<vmem>>
    %dma_start3A_138 = tpu.memref_squeeze %dma_start3A_137 : memref<1x1x128x32xf32, #tpu.memory_space<vmem>> -> memref<128x32xf32, #tpu.memory_space<vmem>>
    %dma_start3A_139 = arith.constant 0 : i32
    %dma_start3A_140 = tpu.memref_slice %arg5[%dma_start3A_132, %dma_start3A_139] : memref<200x128xi32, #tpu.memory_space<vmem>> -> memref<1x128xi32, #tpu.memory_space<vmem>>
    %dma_start3A_141 = tpu.memref_squeeze %dma_start3A_140 : memref<1x128xi32, #tpu.memory_space<vmem>> -> memref<128xi32, #tpu.memory_space<vmem>>
    %dma_start3A_142 = arith.constant 0 : i32
    %dma_start3A_143 = arith.constant 0 : i32
    %dma_start3A_144 = tpu.memref_slice %arg3[%dma_start3A_142, %dma_start3A_143] : memref<400000x32xf32, #tpu.memory_space<hbm>> -> memref<400000x32xf32, #tpu.memory_space<hbm>>
    tpu.enqueue_indirect_dma source(%dma_start3A_144 : memref<400000x32xf32, #tpu.memory_space<hbm>>) target(%dma_start3A_138 : memref<128x32xf32, #tpu.memory_space<vmem>>) offsets(%dma_start3A_141 : memref<128xi32, #tpu.memory_space<vmem>>) semaphore(%arg9 : memref<!tpu.dma_semaphore, #tpu.memory_space<semaphore_mem>>)
    %dma_start3A_145 = arith.constant 11 : i32
    %dma_start3A_146 = arith.constant 1 : i32
    %dma_start3A_147 = arith.constant 3 : i32
    %dma_start3A_148 = arith.constant 0 : i32
    %dma_start3A_149 = arith.constant 0 : i32
    %dma_start3A_150 = tpu.memref_slice %arg6[%dma_start3A_146, %dma_start3A_147, %dma_start3A_148, %dma_start3A_149] : memref<2x8x128x32xf32, #tpu.memory_space<vmem>> -> memref<1x1x128x32xf32, #tpu.memory_space<vmem>>
    %dma_start3A_151 = tpu.memref_squeeze %dma_start3A_150 : memref<1x1x128x32xf32, #tpu.memory_space<vmem>> -> memref<128x32xf32, #tpu.memory_space<vmem>>
    %dma_start3A_152 = arith.constant 0 : i32
    %dma_start3A_153 = tpu.memref_slice %arg5[%dma_start3A_145, %dma_start3A_152] : memref<200x128xi32, #tpu.memory_space<vmem>> -> memref<1x128xi32, #tpu.memory_space<vmem>>
    %dma_start3A_154 = tpu.memref_squeeze %dma_start3A_153 : memref<1x128xi32, #tpu.memory_space<vmem>> -> memref<128xi32, #tpu.memory_space<vmem>>
    %dma_start3A_155 = arith.constant 0 : i32
    %dma_start3A_156 = arith.constant 0 : i32
    %dma_start3A_157 = tpu.memref_slice %arg3[%dma_start3A_155, %dma_start3A_156] : memref<400000x32xf32, #tpu.memory_space<hbm>> -> memref<400000x32xf32, #tpu.memory_space<hbm>>
    tpu.enqueue_indirect_dma source(%dma_start3A_157 : memref<400000x32xf32, #tpu.memory_space<hbm>>) target(%dma_start3A_151 : memref<128x32xf32, #tpu.memory_space<vmem>>) offsets(%dma_start3A_154 : memref<128xi32, #tpu.memory_space<vmem>>) semaphore(%arg9 : memref<!tpu.dma_semaphore, #tpu.memory_space<semaphore_mem>>)
    %dma_start3A_158 = arith.constant 12 : i32
    %dma_start3A_159 = arith.constant 1 : i32
    %dma_start3A_160 = arith.constant 4 : i32
    %dma_start3A_161 = arith.constant 0 : i32
    %dma_start3A_162 = arith.constant 0 : i32
    %dma_start3A_163 = tpu.memref_slice %arg6[%dma_start3A_159, %dma_start3A_160, %dma_start3A_161, %dma_start3A_162] : memref<2x8x128x32xf32, #tpu.memory_space<vmem>> -> memref<1x1x128x32xf32, #tpu.memory_space<vmem>>
    %dma_start3A_164 = tpu.memref_squeeze %dma_start3A_163 : memref<1x1x128x32xf32, #tpu.memory_space<vmem>> -> memref<128x32xf32, #tpu.memory_space<vmem>>
    %dma_start3A_165 = arith.constant 0 : i32
    %dma_start3A_166 = tpu.memref_slice %arg5[%dma_start3A_158, %dma_start3A_165] : memref<200x128xi32, #tpu.memory_space<vmem>> -> memref<1x128xi32, #tpu.memory_space<vmem>>
    %dma_start3A_167 = tpu.memref_squeeze %dma_start3A_166 : memref<1x128xi32, #tpu.memory_space<vmem>> -> memref<128xi32, #tpu.memory_space<vmem>>
    %dma_start3A_168 = arith.constant 0 : i32
    %dma_start3A_169 = arith.constant 0 : i32
    %dma_start3A_170 = tpu.memref_slice %arg3[%dma_start3A_168, %dma_start3A_169] : memref<400000x32xf32, #tpu.memory_space<hbm>> -> memref<400000x32xf32, #tpu.memory_space<hbm>>
    tpu.enqueue_indirect_dma source(%dma_start3A_170 : memref<400000x32xf32, #tpu.memory_space<hbm>>) target(%dma_start3A_164 : memref<128x32xf32, #tpu.memory_space<vmem>>) offsets(%dma_start3A_167 : memref<128xi32, #tpu.memory_space<vmem>>) semaphore(%arg9 : memref<!tpu.dma_semaphore, #tpu.memory_space<semaphore_mem>>)
    %dma_start3A_171 = arith.constant 13 : i32
    %dma_start3A_172 = arith.constant 1 : i32
    %dma_start3A_173 = arith.constant 5 : i32
    %dma_start3A_174 = arith.constant 0 : i32
    %dma_start3A_175 = arith.constant 0 : i32
    %dma_start3A_176 = tpu.memref_slice %arg6[%dma_start3A_172, %dma_start3A_173, %dma_start3A_174, %dma_start3A_175] : memref<2x8x128x32xf32, #tpu.memory_space<vmem>> -> memref<1x1x128x32xf32, #tpu.memory_space<vmem>>
    %dma_start3A_177 = tpu.memref_squeeze %dma_start3A_176 : memref<1x1x128x32xf32, #tpu.memory_space<vmem>> -> memref<128x32xf32, #tpu.memory_space<vmem>>
    %dma_start3A_178 = arith.constant 0 : i32
    %dma_start3A_179 = tpu.memref_slice %arg5[%dma_start3A_171, %dma_start3A_178] : memref<200x128xi32, #tpu.memory_space<vmem>> -> memref<1x128xi32, #tpu.memory_space<vmem>>
    %dma_start3A_180 = tpu.memref_squeeze %dma_start3A_179 : memref<1x128xi32, #tpu.memory_space<vmem>> -> memref<128xi32, #tpu.memory_space<vmem>>
    %dma_start3A_181 = arith.constant 0 : i32
    %dma_start3A_182 = arith.constant 0 : i32
    %dma_start3A_183 = tpu.memref_slice %arg3[%dma_start3A_181, %dma_start3A_182] : memref<400000x32xf32, #tpu.memory_space<hbm>> -> memref<400000x32xf32, #tpu.memory_space<hbm>>
    tpu.enqueue_indirect_dma source(%dma_start3A_183 : memref<400000x32xf32, #tpu.memory_space<hbm>>) target(%dma_start3A_177 : memref<128x32xf32, #tpu.memory_space<vmem>>) offsets(%dma_start3A_180 : memref<128xi32, #tpu.memory_space<vmem>>) semaphore(%arg9 : memref<!tpu.dma_semaphore, #tpu.memory_space<semaphore_mem>>)
    %dma_start3A_184 = arith.constant 14 : i32
    %dma_start3A_185 = arith.constant 1 : i32
    %dma_start3A_186 = arith.constant 6 : i32
    %dma_start3A_187 = arith.constant 0 : i32
    %dma_start3A_188 = arith.constant 0 : i32
    %dma_start3A_189 = tpu.memref_slice %arg6[%dma_start3A_185, %dma_start3A_186, %dma_start3A_187, %dma_start3A_188] : memref<2x8x128x32xf32, #tpu.memory_space<vmem>> -> memref<1x1x128x32xf32, #tpu.memory_space<vmem>>
    %dma_start3A_190 = tpu.memref_squeeze %dma_start3A_189 : memref<1x1x128x32xf32, #tpu.memory_space<vmem>> -> memref<128x32xf32, #tpu.memory_space<vmem>>
    %dma_start3A_191 = arith.constant 0 : i32
    %dma_start3A_192 = tpu.memref_slice %arg5[%dma_start3A_184, %dma_start3A_191] : memref<200x128xi32, #tpu.memory_space<vmem>> -> memref<1x128xi32, #tpu.memory_space<vmem>>
    %dma_start3A_193 = tpu.memref_squeeze %dma_start3A_192 : memref<1x128xi32, #tpu.memory_space<vmem>> -> memref<128xi32, #tpu.memory_space<vmem>>
    %dma_start3A_194 = arith.constant 0 : i32
    %dma_start3A_195 = arith.constant 0 : i32
    %dma_start3A_196 = tpu.memref_slice %arg3[%dma_start3A_194, %dma_start3A_195] : memref<400000x32xf32, #tpu.memory_space<hbm>> -> memref<400000x32xf32, #tpu.memory_space<hbm>>
    tpu.enqueue_indirect_dma source(%dma_start3A_196 : memref<400000x32xf32, #tpu.memory_space<hbm>>) target(%dma_start3A_190 : memref<128x32xf32, #tpu.memory_space<vmem>>) offsets(%dma_start3A_193 : memref<128xi32, #tpu.memory_space<vmem>>) semaphore(%arg9 : memref<!tpu.dma_semaphore, #tpu.memory_space<semaphore_mem>>)
    %dma_start3A_197 = arith.constant 15 : i32
    %dma_start3A_198 = arith.constant 1 : i32
    %dma_start3A_199 = arith.constant 7 : i32
    %dma_start3A_200 = arith.constant 0 : i32
    %dma_start3A_201 = arith.constant 0 : i32
    %dma_start3A_202 = tpu.memref_slice %arg6[%dma_start3A_198, %dma_start3A_199, %dma_start3A_200, %dma_start3A_201] : memref<2x8x128x32xf32, #tpu.memory_space<vmem>> -> memref<1x1x128x32xf32, #tpu.memory_space<vmem>>
    %dma_start3A_203 = tpu.memref_squeeze %dma_start3A_202 : memref<1x1x128x32xf32, #tpu.memory_space<vmem>> -> memref<128x32xf32, #tpu.memory_space<vmem>>
    %dma_start3A_204 = arith.constant 0 : i32
    %dma_start3A_205 = tpu.memref_slice %arg5[%dma_start3A_197, %dma_start3A_204] : memref<200x128xi32, #tpu.memory_space<vmem>> -> memref<1x128xi32, #tpu.memory_space<vmem>>
    %dma_start3A_206 = tpu.memref_squeeze %dma_start3A_205 : memref<1x128xi32, #tpu.memory_space<vmem>> -> memref<128xi32, #tpu.memory_space<vmem>>
    %dma_start3A_207 = arith.constant 0 : i32
    %dma_start3A_208 = arith.constant 0 : i32
    %dma_start3A_209 = tpu.memref_slice %arg3[%dma_start3A_207, %dma_start3A_208] : memref<400000x32xf32, #tpu.memory_space<hbm>> -> memref<400000x32xf32, #tpu.memory_space<hbm>>
    tpu.enqueue_indirect_dma source(%dma_start3A_209 : memref<400000x32xf32, #tpu.memory_space<hbm>>) target(%dma_start3A_203 : memref<128x32xf32, #tpu.memory_space<vmem>>) offsets(%dma_start3A_206 : memref<128xi32, #tpu.memory_space<vmem>>) semaphore(%arg9 : memref<!tpu.dma_semaphore, #tpu.memory_space<semaphore_mem>>)
    %dma_wait3A = arith.constant 0 : i32
    %dma_wait3A_210 = arith.constant 0 : i32
    %dma_wait3A_211 = arith.constant 0 : i32
    %dma_wait3A_212 = arith.constant 0 : i32
    %dma_wait3A_213 = arith.constant 0 : i32
    %dma_wait3A_214 = tpu.memref_slice %arg6[%dma_wait3A_210, %dma_wait3A_211, %dma_wait3A_212, %dma_wait3A_213] : memref<2x8x128x32xf32, #tpu.memory_space<vmem>> -> memref<1x1x128x32xf32, #tpu.memory_space<vmem>>
    %dma_wait3A_215 = tpu.memref_squeeze %dma_wait3A_214 : memref<1x1x128x32xf32, #tpu.memory_space<vmem>> -> memref<128x32xf32, #tpu.memory_space<vmem>>
    %dma_wait3A_216 = arith.constant 0 : i32
    %dma_wait3A_217 = tpu.memref_slice %arg5[%dma_wait3A, %dma_wait3A_216] : memref<200x128xi32, #tpu.memory_space<vmem>> -> memref<1x128xi32, #tpu.memory_space<vmem>>
    %dma_wait3A_218 = tpu.memref_squeeze %dma_wait3A_217 : memref<1x128xi32, #tpu.memory_space<vmem>> -> memref<128xi32, #tpu.memory_space<vmem>>
    %dma_wait3A_219 = arith.constant 0 : i32
    %dma_wait3A_220 = arith.constant 0 : i32
    %dma_wait3A_221 = tpu.memref_slice %arg3[%dma_wait3A_219, %dma_wait3A_220] : memref<400000x32xf32, #tpu.memory_space<hbm>> -> memref<400000x32xf32, #tpu.memory_space<hbm>>
    tpu.wait_indirect_dma semaphore(%arg8 : memref<!tpu.dma_semaphore, #tpu.memory_space<semaphore_mem>>) src(%dma_wait3A_221 : memref<400000x32xf32, #tpu.memory_space<hbm>>) dst(%dma_wait3A_215 : memref<128x32xf32, #tpu.memory_space<vmem>>)
    %dma_wait3A_222 = arith.constant 1 : i32
    %dma_wait3A_223 = arith.constant 0 : i32
    %dma_wait3A_224 = arith.constant 1 : i32
    %dma_wait3A_225 = arith.constant 0 : i32
    %dma_wait3A_226 = arith.constant 0 : i32
    %dma_wait3A_227 = tpu.memref_slice %arg6[%dma_wait3A_223, %dma_wait3A_224, %dma_wait3A_225, %dma_wait3A_226] : memref<2x8x128x32xf32, #tpu.memory_space<vmem>> -> memref<1x1x128x32xf32, #tpu.memory_space<vmem>>
    %dma_wait3A_228 = tpu.memref_squeeze %dma_wait3A_227 : memref<1x1x128x32xf32, #tpu.memory_space<vmem>> -> memref<128x32xf32, #tpu.memory_space<vmem>>
    %dma_wait3A_229 = arith.constant 0 : i32
    %dma_wait3A_230 = tpu.memref_slice %arg5[%dma_wait3A_222, %dma_wait3A_229] : memref<200x128xi32, #tpu.memory_space<vmem>> -> memref<1x128xi32, #tpu.memory_space<vmem>>
    %dma_wait3A_231 = tpu.memref_squeeze %dma_wait3A_230 : memref<1x128xi32, #tpu.memory_space<vmem>> -> memref<128xi32, #tpu.memory_space<vmem>>
    %dma_wait3A_232 = arith.constant 0 : i32
    %dma_wait3A_233 = arith.constant 0 : i32
    %dma_wait3A_234 = tpu.memref_slice %arg3[%dma_wait3A_232, %dma_wait3A_233] : memref<400000x32xf32, #tpu.memory_space<hbm>> -> memref<400000x32xf32, #tpu.memory_space<hbm>>
    tpu.wait_indirect_dma semaphore(%arg8 : memref<!tpu.dma_semaphore, #tpu.memory_space<semaphore_mem>>) src(%dma_wait3A_234 : memref<400000x32xf32, #tpu.memory_space<hbm>>) dst(%dma_wait3A_228 : memref<128x32xf32, #tpu.memory_space<vmem>>)
    %dma_wait3A_235 = arith.constant 2 : i32
    %dma_wait3A_236 = arith.constant 0 : i32
    %dma_wait3A_237 = arith.constant 2 : i32
    %dma_wait3A_238 = arith.constant 0 : i32
    %dma_wait3A_239 = arith.constant 0 : i32
    %dma_wait3A_240 = tpu.memref_slice %arg6[%dma_wait3A_236, %dma_wait3A_237, %dma_wait3A_238, %dma_wait3A_239] : memref<2x8x128x32xf32, #tpu.memory_space<vmem>> -> memref<1x1x128x32xf32, #tpu.memory_space<vmem>>
    %dma_wait3A_241 = tpu.memref_squeeze %dma_wait3A_240 : memref<1x1x128x32xf32, #tpu.memory_space<vmem>> -> memref<128x32xf32, #tpu.memory_space<vmem>>
    %dma_wait3A_242 = arith.constant 0 : i32
    %dma_wait3A_243 = tpu.memref_slice %arg5[%dma_wait3A_235, %dma_wait3A_242] : memref<200x128xi32, #tpu.memory_space<vmem>> -> memref<1x128xi32, #tpu.memory_space<vmem>>
    %dma_wait3A_244 = tpu.memref_squeeze %dma_wait3A_243 : memref<1x128xi32, #tpu.memory_space<vmem>> -> memref<128xi32, #tpu.memory_space<vmem>>
    %dma_wait3A_245 = arith.constant 0 : i32
    %dma_wait3A_246 = arith.constant 0 : i32
    %dma_wait3A_247 = tpu.memref_slice %arg3[%dma_wait3A_245, %dma_wait3A_246] : memref<400000x32xf32, #tpu.memory_space<hbm>> -> memref<400000x32xf32, #tpu.memory_space<hbm>>
    tpu.wait_indirect_dma semaphore(%arg8 : memref<!tpu.dma_semaphore, #tpu.memory_space<semaphore_mem>>) src(%dma_wait3A_247 : memref<400000x32xf32, #tpu.memory_space<hbm>>) dst(%dma_wait3A_241 : memref<128x32xf32, #tpu.memory_space<vmem>>)
    %dma_wait3A_248 = arith.constant 3 : i32
    %dma_wait3A_249 = arith.constant 0 : i32
    %dma_wait3A_250 = arith.constant 3 : i32
    %dma_wait3A_251 = arith.constant 0 : i32
    %dma_wait3A_252 = arith.constant 0 : i32
    %dma_wait3A_253 = tpu.memref_slice %arg6[%dma_wait3A_249, %dma_wait3A_250, %dma_wait3A_251, %dma_wait3A_252] : memref<2x8x128x32xf32, #tpu.memory_space<vmem>> -> memref<1x1x128x32xf32, #tpu.memory_space<vmem>>
    %dma_wait3A_254 = tpu.memref_squeeze %dma_wait3A_253 : memref<1x1x128x32xf32, #tpu.memory_space<vmem>> -> memref<128x32xf32, #tpu.memory_space<vmem>>
    %dma_wait3A_255 = arith.constant 0 : i32
    %dma_wait3A_256 = tpu.memref_slice %arg5[%dma_wait3A_248, %dma_wait3A_255] : memref<200x128xi32, #tpu.memory_space<vmem>> -> memref<1x128xi32, #tpu.memory_space<vmem>>
    %dma_wait3A_257 = tpu.memref_squeeze %dma_wait3A_256 : memref<1x128xi32, #tpu.memory_space<vmem>> -> memref<128xi32, #tpu.memory_space<vmem>>
    %dma_wait3A_258 = arith.constant 0 : i32
    %dma_wait3A_259 = arith.constant 0 : i32
    %dma_wait3A_260 = tpu.memref_slice %arg3[%dma_wait3A_258, %dma_wait3A_259] : memref<400000x32xf32, #tpu.memory_space<hbm>> -> memref<400000x32xf32, #tpu.memory_space<hbm>>
    tpu.wait_indirect_dma semaphore(%arg8 : memref<!tpu.dma_semaphore, #tpu.memory_space<semaphore_mem>>) src(%dma_wait3A_260 : memref<400000x32xf32, #tpu.memory_space<hbm>>) dst(%dma_wait3A_254 : memref<128x32xf32, #tpu.memory_space<vmem>>)
    %dma_wait3A_261 = arith.constant 4 : i32
    %dma_wait3A_262 = arith.constant 0 : i32
    %dma_wait3A_263 = arith.constant 4 : i32
    %dma_wait3A_264 = arith.constant 0 : i32
    %dma_wait3A_265 = arith.constant 0 : i32
    %dma_wait3A_266 = tpu.memref_slice %arg6[%dma_wait3A_262, %dma_wait3A_263, %dma_wait3A_264, %dma_wait3A_265] : memref<2x8x128x32xf32, #tpu.memory_space<vmem>> -> memref<1x1x128x32xf32, #tpu.memory_space<vmem>>
    %dma_wait3A_267 = tpu.memref_squeeze %dma_wait3A_266 : memref<1x1x128x32xf32, #tpu.memory_space<vmem>> -> memref<128x32xf32, #tpu.memory_space<vmem>>
    %dma_wait3A_268 = arith.constant 0 : i32
    %dma_wait3A_269 = tpu.memref_slice %arg5[%dma_wait3A_261, %dma_wait3A_268] : memref<200x128xi32, #tpu.memory_space<vmem>> -> memref<1x128xi32, #tpu.memory_space<vmem>>
    %dma_wait3A_270 = tpu.memref_squeeze %dma_wait3A_269 : memref<1x128xi32, #tpu.memory_space<vmem>> -> memref<128xi32, #tpu.memory_space<vmem>>
    %dma_wait3A_271 = arith.constant 0 : i32
    %dma_wait3A_272 = arith.constant 0 : i32
    %dma_wait3A_273 = tpu.memref_slice %arg3[%dma_wait3A_271, %dma_wait3A_272] : memref<400000x32xf32, #tpu.memory_space<hbm>> -> memref<400000x32xf32, #tpu.memory_space<hbm>>
    tpu.wait_indirect_dma semaphore(%arg8 : memref<!tpu.dma_semaphore, #tpu.memory_space<semaphore_mem>>) src(%dma_wait3A_273 : memref<400000x32xf32, #tpu.memory_space<hbm>>) dst(%dma_wait3A_267 : memref<128x32xf32, #tpu.memory_space<vmem>>)
    %dma_wait3A_274 = arith.constant 5 : i32
    %dma_wait3A_275 = arith.constant 0 : i32
    %dma_wait3A_276 = arith.constant 5 : i32
    %dma_wait3A_277 = arith.constant 0 : i32
    %dma_wait3A_278 = arith.constant 0 : i32
    %dma_wait3A_279 = tpu.memref_slice %arg6[%dma_wait3A_275, %dma_wait3A_276, %dma_wait3A_277, %dma_wait3A_278] : memref<2x8x128x32xf32, #tpu.memory_space<vmem>> -> memref<1x1x128x32xf32, #tpu.memory_space<vmem>>
    %dma_wait3A_280 = tpu.memref_squeeze %dma_wait3A_279 : memref<1x1x128x32xf32, #tpu.memory_space<vmem>> -> memref<128x32xf32, #tpu.memory_space<vmem>>
    %dma_wait3A_281 = arith.constant 0 : i32
    %dma_wait3A_282 = tpu.memref_slice %arg5[%dma_wait3A_274, %dma_wait3A_281] : memref<200x128xi32, #tpu.memory_space<vmem>> -> memref<1x128xi32, #tpu.memory_space<vmem>>
    %dma_wait3A_283 = tpu.memref_squeeze %dma_wait3A_282 : memref<1x128xi32, #tpu.memory_space<vmem>> -> memref<128xi32, #tpu.memory_space<vmem>>
    %dma_wait3A_284 = arith.constant 0 : i32
    %dma_wait3A_285 = arith.constant 0 : i32
    %dma_wait3A_286 = tpu.memref_slice %arg3[%dma_wait3A_284, %dma_wait3A_285] : memref<400000x32xf32, #tpu.memory_space<hbm>> -> memref<400000x32xf32, #tpu.memory_space<hbm>>
    tpu.wait_indirect_dma semaphore(%arg8 : memref<!tpu.dma_semaphore, #tpu.memory_space<semaphore_mem>>) src(%dma_wait3A_286 : memref<400000x32xf32, #tpu.memory_space<hbm>>) dst(%dma_wait3A_280 : memref<128x32xf32, #tpu.memory_space<vmem>>)
    %dma_wait3A_287 = arith.constant 6 : i32
    %dma_wait3A_288 = arith.constant 0 : i32
    %dma_wait3A_289 = arith.constant 6 : i32
    %dma_wait3A_290 = arith.constant 0 : i32
    %dma_wait3A_291 = arith.constant 0 : i32
    %dma_wait3A_292 = tpu.memref_slice %arg6[%dma_wait3A_288, %dma_wait3A_289, %dma_wait3A_290, %dma_wait3A_291] : memref<2x8x128x32xf32, #tpu.memory_space<vmem>> -> memref<1x1x128x32xf32, #tpu.memory_space<vmem>>
    %dma_wait3A_293 = tpu.memref_squeeze %dma_wait3A_292 : memref<1x1x128x32xf32, #tpu.memory_space<vmem>> -> memref<128x32xf32, #tpu.memory_space<vmem>>
    %dma_wait3A_294 = arith.constant 0 : i32
    %dma_wait3A_295 = tpu.memref_slice %arg5[%dma_wait3A_287, %dma_wait3A_294] : memref<200x128xi32, #tpu.memory_space<vmem>> -> memref<1x128xi32, #tpu.memory_space<vmem>>
    %dma_wait3A_296 = tpu.memref_squeeze %dma_wait3A_295 : memref<1x128xi32, #tpu.memory_space<vmem>> -> memref<128xi32, #tpu.memory_space<vmem>>
    %dma_wait3A_297 = arith.constant 0 : i32
    %dma_wait3A_298 = arith.constant 0 : i32
    %dma_wait3A_299 = tpu.memref_slice %arg3[%dma_wait3A_297, %dma_wait3A_298] : memref<400000x32xf32, #tpu.memory_space<hbm>> -> memref<400000x32xf32, #tpu.memory_space<hbm>>
    tpu.wait_indirect_dma semaphore(%arg8 : memref<!tpu.dma_semaphore, #tpu.memory_space<semaphore_mem>>) src(%dma_wait3A_299 : memref<400000x32xf32, #tpu.memory_space<hbm>>) dst(%dma_wait3A_293 : memref<128x32xf32, #tpu.memory_space<vmem>>)
    %dma_wait3A_300 = arith.constant 7 : i32
    %dma_wait3A_301 = arith.constant 0 : i32
    %dma_wait3A_302 = arith.constant 7 : i32
    %dma_wait3A_303 = arith.constant 0 : i32
    %dma_wait3A_304 = arith.constant 0 : i32
    %dma_wait3A_305 = tpu.memref_slice %arg6[%dma_wait3A_301, %dma_wait3A_302, %dma_wait3A_303, %dma_wait3A_304] : memref<2x8x128x32xf32, #tpu.memory_space<vmem>> -> memref<1x1x128x32xf32, #tpu.memory_space<vmem>>
    %dma_wait3A_306 = tpu.memref_squeeze %dma_wait3A_305 : memref<1x1x128x32xf32, #tpu.memory_space<vmem>> -> memref<128x32xf32, #tpu.memory_space<vmem>>
    %dma_wait3A_307 = arith.constant 0 : i32
    %dma_wait3A_308 = tpu.memref_slice %arg5[%dma_wait3A_300, %dma_wait3A_307] : memref<200x128xi32, #tpu.memory_space<vmem>> -> memref<1x128xi32, #tpu.memory_space<vmem>>
    %dma_wait3A_309 = tpu.memref_squeeze %dma_wait3A_308 : memref<1x128xi32, #tpu.memory_space<vmem>> -> memref<128xi32, #tpu.memory_space<vmem>>
    %dma_wait3A_310 = arith.constant 0 : i32
    %dma_wait3A_311 = arith.constant 0 : i32
    %dma_wait3A_312 = tpu.memref_slice %arg3[%dma_wait3A_310, %dma_wait3A_311] : memref<400000x32xf32, #tpu.memory_space<hbm>> -> memref<400000x32xf32, #tpu.memory_space<hbm>>
    tpu.wait_indirect_dma semaphore(%arg8 : memref<!tpu.dma_semaphore, #tpu.memory_space<semaphore_mem>>) src(%dma_wait3A_312 : memref<400000x32xf32, #tpu.memory_space<hbm>>) dst(%dma_wait3A_306 : memref<128x32xf32, #tpu.memory_space<vmem>>)
    %scan3A = arith.constant 0 : i32
    %scan3A_313 = arith.constant 0 : i32
    %scan3A_314 = arith.constant 128 : i32
    %scan3A_315 = arith.addi %scan3A_313, %scan3A_314 : i32
    %scan3A_316 = arith.constant 2 : i32
    %scan3A_317 = scf.for %scan3A_652 = %scan3A_313 to %scan3A_315 step %scan3A_316 iter_args(%scan3A_653 = %scan3A) -> (i32)  : i32 {
      %get3A = arith.constant 0 : i32
      %get3A_654 = arith.constant 0 : i32
      %get3A_655 = arith.index_cast %get3A : i32 to index
      %get3A_656 = arith.index_cast %get3A_654 : i32 to index
      %get3A_657 = arith.index_cast %scan3A_652 : i32 to index
      %get3A_658 = arith.constant 0 : index
      %get3A_659 = tpu.vector_load %arg6[%get3A_655, %get3A_656, %get3A_657, %get3A_658] {strides = array<i32>} : memref<2x8x128x32xf32, #tpu.memory_space<vmem>>, vector<16xf32>,
      %get3A_660 = arith.constant 0 : i32
      %get3A_661 = arith.constant 0 : i32
      %get3A_662 = arith.index_cast %get3A_660 : i32 to index
      %get3A_663 = arith.index_cast %get3A_661 : i32 to index
      %get3A_664 = arith.index_cast %scan3A_652 : i32 to index
      %get3A_665 = arith.constant 16 : index
      %get3A_666 = tpu.vector_load %arg6[%get3A_662, %get3A_663, %get3A_664, %get3A_665] {strides = array<i32>} : memref<2x8x128x32xf32, #tpu.memory_space<vmem>>, vector<16xf32>,
      %get3A_667 = arith.constant 0 : i32
      %get3A_668 = arith.constant 1 : i32
      %get3A_669 = arith.index_cast %get3A_667 : i32 to index
      %get3A_670 = arith.index_cast %get3A_668 : i32 to index
      %get3A_671 = arith.index_cast %scan3A_652 : i32 to index
      %get3A_672 = arith.constant 0 : index
      %get3A_673 = tpu.vector_load %arg6[%get3A_669, %get3A_670, %get3A_671, %get3A_672] {strides = array<i32>} : memref<2x8x128x32xf32, #tpu.memory_space<vmem>>, vector<16xf32>,
      %add3A_674 = arith.addf %get3A_659, %get3A_673 : vector<16xf32>
      %get3A_675 = arith.constant 0 : i32
      %get3A_676 = arith.constant 1 : i32
      %get3A_677 = arith.index_cast %get3A_675 : i32 to index
      %get3A_678 = arith.index_cast %get3A_676 : i32 to index
      %get3A_679 = arith.index_cast %scan3A_652 : i32 to index
      %get3A_680 = arith.constant 16 : index
      %get3A_681 = tpu.vector_load %arg6[%get3A_677, %get3A_678, %get3A_679, %get3A_680] {strides = array<i32>} : memref<2x8x128x32xf32, #tpu.memory_space<vmem>>, vector<16xf32>,
      %add3A_682 = arith.addf %get3A_666, %get3A_681 : vector<16xf32>
      %get3A_683 = arith.constant 0 : i32
      %get3A_684 = arith.constant 2 : i32
      %get3A_685 = arith.index_cast %get3A_683 : i32 to index
      %get3A_686 = arith.index_cast %get3A_684 : i32 to index
      %get3A_687 = arith.index_cast %scan3A_652 : i32 to index
      %get3A_688 = arith.constant 0 : index
      %get3A_689 = tpu.vector_load %arg6[%get3A_685, %get3A_686, %get3A_687, %get3A_688] {strides = array<i32>} : memref<2x8x128x32xf32, #tpu.memory_space<vmem>>, vector<16xf32>,
      %add3A_690 = arith.addf %add3A_674, %get3A_689 : vector<16xf32>
      %get3A_691 = arith.constant 0 : i32
      %get3A_692 = arith.constant 2 : i32
      %get3A_693 = arith.index_cast %get3A_691 : i32 to index
      %get3A_694 = arith.index_cast %get3A_692 : i32 to index
      %get3A_695 = arith.index_cast %scan3A_652 : i32 to index
      %get3A_696 = arith.constant 16 : index
      %get3A_697 = tpu.vector_load %arg6[%get3A_693, %get3A_694, %get3A_695, %get3A_696] {strides = array<i32>} : memref<2x8x128x32xf32, #tpu.memory_space<vmem>>, vector<16xf32>,
      %add3A_698 = arith.addf %add3A_682, %get3A_697 : vector<16xf32>
      %get3A_699 = arith.constant 0 : i32
      %get3A_700 = arith.constant 3 : i32
      %get3A_701 = arith.index_cast %get3A_699 : i32 to index
      %get3A_702 = arith.index_cast %get3A_700 : i32 to index
      %get3A_703 = arith.index_cast %scan3A_652 : i32 to index
      %get3A_704 = arith.constant 0 : index
      %get3A_705 = tpu.vector_load %arg6[%get3A_701, %get3A_702, %get3A_703, %get3A_704] {strides = array<i32>} : memref<2x8x128x32xf32, #tpu.memory_space<vmem>>, vector<16xf32>,
      %add3A_706 = arith.addf %add3A_690, %get3A_705 : vector<16xf32>
      %get3A_707 = arith.constant 0 : i32
      %get3A_708 = arith.constant 3 : i32
      %get3A_709 = arith.index_cast %get3A_707 : i32 to index
      %get3A_710 = arith.index_cast %get3A_708 : i32 to index
      %get3A_711 = arith.index_cast %scan3A_652 : i32 to index
      %get3A_712 = arith.constant 16 : index
      %get3A_713 = tpu.vector_load %arg6[%get3A_709, %get3A_710, %get3A_711, %get3A_712] {strides = array<i32>} : memref<2x8x128x32xf32, #tpu.memory_space<vmem>>, vector<16xf32>,
      %add3A_714 = arith.addf %add3A_698, %get3A_713 : vector<16xf32>
      %get3A_715 = arith.constant 0 : i32
      %get3A_716 = arith.constant 4 : i32
      %get3A_717 = arith.index_cast %get3A_715 : i32 to index
      %get3A_718 = arith.index_cast %get3A_716 : i32 to index
      %get3A_719 = arith.index_cast %scan3A_652 : i32 to index
      %get3A_720 = arith.constant 0 : index
      %get3A_721 = tpu.vector_load %arg6[%get3A_717, %get3A_718, %get3A_719, %get3A_720] {strides = array<i32>} : memref<2x8x128x32xf32, #tpu.memory_space<vmem>>, vector<16xf32>,
      %add3A_722 = arith.addf %add3A_706, %get3A_721 : vector<16xf32>
      %get3A_723 = arith.constant 0 : i32
      %get3A_724 = arith.constant 4 : i32
      %get3A_725 = arith.index_cast %get3A_723 : i32 to index
      %get3A_726 = arith.index_cast %get3A_724 : i32 to index
      %get3A_727 = arith.index_cast %scan3A_652 : i32 to index
      %get3A_728 = arith.constant 16 : index
      %get3A_729 = tpu.vector_load %arg6[%get3A_725, %get3A_726, %get3A_727, %get3A_728] {strides = array<i32>} : memref<2x8x128x32xf32, #tpu.memory_space<vmem>>, vector<16xf32>,
      %add3A_730 = arith.addf %add3A_714, %get3A_729 : vector<16xf32>
      %get3A_731 = arith.constant 0 : i32
      %get3A_732 = arith.constant 5 : i32
      %get3A_733 = arith.index_cast %get3A_731 : i32 to index
      %get3A_734 = arith.index_cast %get3A_732 : i32 to index
      %get3A_735 = arith.index_cast %scan3A_652 : i32 to index
      %get3A_736 = arith.constant 0 : index
      %get3A_737 = tpu.vector_load %arg6[%get3A_733, %get3A_734, %get3A_735, %get3A_736] {strides = array<i32>} : memref<2x8x128x32xf32, #tpu.memory_space<vmem>>, vector<16xf32>,
      %add3A_738 = arith.addf %add3A_722, %get3A_737 : vector<16xf32>
      %get3A_739 = arith.constant 0 : i32
      %get3A_740 = arith.constant 5 : i32
      %get3A_741 = arith.index_cast %get3A_739 : i32 to index
      %get3A_742 = arith.index_cast %get3A_740 : i32 to index
      %get3A_743 = arith.index_cast %scan3A_652 : i32 to index
      %get3A_744 = arith.constant 16 : index
      %get3A_745 = tpu.vector_load %arg6[%get3A_741, %get3A_742, %get3A_743, %get3A_744] {strides = array<i32>} : memref<2x8x128x32xf32, #tpu.memory_space<vmem>>, vector<16xf32>,
      %add3A_746 = arith.addf %add3A_730, %get3A_745 : vector<16xf32>
      %get3A_747 = arith.constant 0 : i32
      %get3A_748 = arith.constant 6 : i32
      %get3A_749 = arith.index_cast %get3A_747 : i32 to index
      %get3A_750 = arith.index_cast %get3A_748 : i32 to index
      %get3A_751 = arith.index_cast %scan3A_652 : i32 to index
      %get3A_752 = arith.constant 0 : index
      %get3A_753 = tpu.vector_load %arg6[%get3A_749, %get3A_750, %get3A_751, %get3A_752] {strides = array<i32>} : memref<2x8x128x32xf32, #tpu.memory_space<vmem>>, vector<16xf32>,
      %add3A_754 = arith.addf %add3A_738, %get3A_753 : vector<16xf32>
      %get3A_755 = arith.constant 0 : i32
      %get3A_756 = arith.constant 6 : i32
      %get3A_757 = arith.index_cast %get3A_755 : i32 to index
      %get3A_758 = arith.index_cast %get3A_756 : i32 to index
      %get3A_759 = arith.index_cast %scan3A_652 : i32 to index
      %get3A_760 = arith.constant 16 : index
      %get3A_761 = tpu.vector_load %arg6[%get3A_757, %get3A_758, %get3A_759, %get3A_760] {strides = array<i32>} : memref<2x8x128x32xf32, #tpu.memory_space<vmem>>, vector<16xf32>,
      %add3A_762 = arith.addf %add3A_746, %get3A_761 : vector<16xf32>
      %get3A_763 = arith.constant 0 : i32
      %get3A_764 = arith.constant 7 : i32
      %get3A_765 = arith.index_cast %get3A_763 : i32 to index
      %get3A_766 = arith.index_cast %get3A_764 : i32 to index
      %get3A_767 = arith.index_cast %scan3A_652 : i32 to index
      %get3A_768 = arith.constant 0 : index
      %get3A_769 = tpu.vector_load %arg6[%get3A_765, %get3A_766, %get3A_767, %get3A_768] {strides = array<i32>} : memref<2x8x128x32xf32, #tpu.memory_space<vmem>>, vector<16xf32>,
      %add3A_770 = arith.addf %add3A_754, %get3A_769 : vector<16xf32>
      %get3A_771 = arith.constant 0 : i32
      %get3A_772 = arith.constant 7 : i32
      %get3A_773 = arith.index_cast %get3A_771 : i32 to index
      %get3A_774 = arith.index_cast %get3A_772 : i32 to index
      %get3A_775 = arith.index_cast %scan3A_652 : i32 to index
      %get3A_776 = arith.constant 16 : index
      %get3A_777 = tpu.vector_load %arg6[%get3A_773, %get3A_774, %get3A_775, %get3A_776] {strides = array<i32>} : memref<2x8x128x32xf32, #tpu.memory_space<vmem>>, vector<16xf32>,
      %add3A_778 = arith.addf %add3A_762, %get3A_777 : vector<16xf32>
      %swap3A = arith.index_cast %scan3A_652 : i32 to index
      %swap3A_779 = arith.constant 0 : index
      %swap3A_780 = tpu.vector_load %arg7[%swap3A, %swap3A_779] {strides = array<i32>} : memref<128x32xf32, #tpu.memory_space<vmem>>, vector<16xf32>,
      tpu.vector_store %arg7[%swap3A, %swap3A_779], %add3A_770 {strides = array<i32>} : memref<128x32xf32, #tpu.memory_space<vmem>>, vector<16xf32>,
      %swap3A_781 = arith.index_cast %scan3A_652 : i32 to index
      %swap3A_782 = arith.constant 16 : index
      %swap3A_783 = tpu.vector_load %arg7[%swap3A_781, %swap3A_782] {strides = array<i32>} : memref<128x32xf32, #tpu.memory_space<vmem>>, vector<16xf32>,
      tpu.vector_store %arg7[%swap3A_781, %swap3A_782], %add3A_778 {strides = array<i32>} : memref<128x32xf32, #tpu.memory_space<vmem>>, vector<16xf32>,
      %scan3A_784 = arith.constant 0 : i32
      %scan3A_785 = arith.constant 1 : i32
      %scan3A_786 = arith.addi %scan3A_652, %scan3A_785 : i32
      %get3A_787 = arith.constant 0 : i32
      %get3A_788 = arith.constant 0 : i32
      %get3A_789 = arith.index_cast %get3A_787 : i32 to index
      %get3A_790 = arith.index_cast %get3A_788 : i32 to index
      %get3A_791 = arith.index_cast %scan3A_786 : i32 to index
      %get3A_792 = arith.constant 0 : index
      %get3A_793 = tpu.vector_load %arg6[%get3A_789, %get3A_790, %get3A_791, %get3A_792] {strides = array<i32>} : memref<2x8x128x32xf32, #tpu.memory_space<vmem>>, vector<16xf32>,
      %get3A_794 = arith.constant 0 : i32
      %get3A_795 = arith.constant 0 : i32
      %get3A_796 = arith.index_cast %get3A_794 : i32 to index
      %get3A_797 = arith.index_cast %get3A_795 : i32 to index
      %get3A_798 = arith.index_cast %scan3A_786 : i32 to index
      %get3A_799 = arith.constant 16 : index
      %get3A_800 = tpu.vector_load %arg6[%get3A_796, %get3A_797, %get3A_798, %get3A_799] {strides = array<i32>} : memref<2x8x128x32xf32, #tpu.memory_space<vmem>>, vector<16xf32>,
      %get3A_801 = arith.constant 0 : i32
      %get3A_802 = arith.constant 1 : i32
      %get3A_803 = arith.index_cast %get3A_801 : i32 to index
      %get3A_804 = arith.index_cast %get3A_802 : i32 to index
      %get3A_805 = arith.index_cast %scan3A_786 : i32 to index
      %get3A_806 = arith.constant 0 : index
      %get3A_807 = tpu.vector_load %arg6[%get3A_803, %get3A_804, %get3A_805, %get3A_806] {strides = array<i32>} : memref<2x8x128x32xf32, #tpu.memory_space<vmem>>, vector<16xf32>,
      %add3A_808 = arith.addf %get3A_793, %get3A_807 : vector<16xf32>
      %get3A_809 = arith.constant 0 : i32
      %get3A_810 = arith.constant 1 : i32
      %get3A_811 = arith.index_cast %get3A_809 : i32 to index
      %get3A_812 = arith.index_cast %get3A_810 : i32 to index
      %get3A_813 = arith.index_cast %scan3A_786 : i32 to index
      %get3A_814 = arith.constant 16 : index
      %get3A_815 = tpu.vector_load %arg6[%get3A_811, %get3A_812, %get3A_813, %get3A_814] {strides = array<i32>} : memref<2x8x128x32xf32, #tpu.memory_space<vmem>>, vector<16xf32>,
      %add3A_816 = arith.addf %get3A_800, %get3A_815 : vector<16xf32>
      %get3A_817 = arith.constant 0 : i32
      %get3A_818 = arith.constant 2 : i32
      %get3A_819 = arith.index_cast %get3A_817 : i32 to index
      %get3A_820 = arith.index_cast %get3A_818 : i32 to index
      %get3A_821 = arith.index_cast %scan3A_786 : i32 to index
      %get3A_822 = arith.constant 0 : index
      %get3A_823 = tpu.vector_load %arg6[%get3A_819, %get3A_820, %get3A_821, %get3A_822] {strides = array<i32>} : memref<2x8x128x32xf32, #tpu.memory_space<vmem>>, vector<16xf32>,
      %add3A_824 = arith.addf %add3A_808, %get3A_823 : vector<16xf32>
      %get3A_825 = arith.constant 0 : i32
      %get3A_826 = arith.constant 2 : i32
      %get3A_827 = arith.index_cast %get3A_825 : i32 to index
      %get3A_828 = arith.index_cast %get3A_826 : i32 to index
      %get3A_829 = arith.index_cast %scan3A_786 : i32 to index
      %get3A_830 = arith.constant 16 : index
      %get3A_831 = tpu.vector_load %arg6[%get3A_827, %get3A_828, %get3A_829, %get3A_830] {strides = array<i32>} : memref<2x8x128x32xf32, #tpu.memory_space<vmem>>, vector<16xf32>,
      %add3A_832 = arith.addf %add3A_816, %get3A_831 : vector<16xf32>
      %get3A_833 = arith.constant 0 : i32
      %get3A_834 = arith.constant 3 : i32
      %get3A_835 = arith.index_cast %get3A_833 : i32 to index
      %get3A_836 = arith.index_cast %get3A_834 : i32 to index
      %get3A_837 = arith.index_cast %scan3A_786 : i32 to index
      %get3A_838 = arith.constant 0 : index
      %get3A_839 = tpu.vector_load %arg6[%get3A_835, %get3A_836, %get3A_837, %get3A_838] {strides = array<i32>} : memref<2x8x128x32xf32, #tpu.memory_space<vmem>>, vector<16xf32>,
      %add3A_840 = arith.addf %add3A_824, %get3A_839 : vector<16xf32>
      %get3A_841 = arith.constant 0 : i32
      %get3A_842 = arith.constant 3 : i32
      %get3A_843 = arith.index_cast %get3A_841 : i32 to index
      %get3A_844 = arith.index_cast %get3A_842 : i32 to index
      %get3A_845 = arith.index_cast %scan3A_786 : i32 to index
      %get3A_846 = arith.constant 16 : index
      %get3A_847 = tpu.vector_load %arg6[%get3A_843, %get3A_844, %get3A_845, %get3A_846] {strides = array<i32>} : memref<2x8x128x32xf32, #tpu.memory_space<vmem>>, vector<16xf32>,
      %add3A_848 = arith.addf %add3A_832, %get3A_847 : vector<16xf32>
      %get3A_849 = arith.constant 0 : i32
      %get3A_850 = arith.constant 4 : i32
      %get3A_851 = arith.index_cast %get3A_849 : i32 to index
      %get3A_852 = arith.index_cast %get3A_850 : i32 to index
      %get3A_853 = arith.index_cast %scan3A_786 : i32 to index
      %get3A_854 = arith.constant 0 : index
      %get3A_855 = tpu.vector_load %arg6[%get3A_851, %get3A_852, %get3A_853, %get3A_854] {strides = array<i32>} : memref<2x8x128x32xf32, #tpu.memory_space<vmem>>, vector<16xf32>,
      %add3A_856 = arith.addf %add3A_840, %get3A_855 : vector<16xf32>
      %get3A_857 = arith.constant 0 : i32
      %get3A_858 = arith.constant 4 : i32
      %get3A_859 = arith.index_cast %get3A_857 : i32 to index
      %get3A_860 = arith.index_cast %get3A_858 : i32 to index
      %get3A_861 = arith.index_cast %scan3A_786 : i32 to index
      %get3A_862 = arith.constant 16 : index
      %get3A_863 = tpu.vector_load %arg6[%get3A_859, %get3A_860, %get3A_861, %get3A_862] {strides = array<i32>} : memref<2x8x128x32xf32, #tpu.memory_space<vmem>>, vector<16xf32>,
      %add3A_864 = arith.addf %add3A_848, %get3A_863 : vector<16xf32>
      %get3A_865 = arith.constant 0 : i32
      %get3A_866 = arith.constant 5 : i32
      %get3A_867 = arith.index_cast %get3A_865 : i32 to index
      %get3A_868 = arith.index_cast %get3A_866 : i32 to index
      %get3A_869 = arith.index_cast %scan3A_786 : i32 to index
      %get3A_870 = arith.constant 0 : index
      %get3A_871 = tpu.vector_load %arg6[%get3A_867, %get3A_868, %get3A_869, %get3A_870] {strides = array<i32>} : memref<2x8x128x32xf32, #tpu.memory_space<vmem>>, vector<16xf32>,
      %add3A_872 = arith.addf %add3A_856, %get3A_871 : vector<16xf32>
      %get3A_873 = arith.constant 0 : i32
      %get3A_874 = arith.constant 5 : i32
      %get3A_875 = arith.index_cast %get3A_873 : i32 to index
      %get3A_876 = arith.index_cast %get3A_874 : i32 to index
      %get3A_877 = arith.index_cast %scan3A_786 : i32 to index
      %get3A_878 = arith.constant 16 : index
      %get3A_879 = tpu.vector_load %arg6[%get3A_875, %get3A_876, %get3A_877, %get3A_878] {strides = array<i32>} : memref<2x8x128x32xf32, #tpu.memory_space<vmem>>, vector<16xf32>,
      %add3A_880 = arith.addf %add3A_864, %get3A_879 : vector<16xf32>
      %get3A_881 = arith.constant 0 : i32
      %get3A_882 = arith.constant 6 : i32
      %get3A_883 = arith.index_cast %get3A_881 : i32 to index
      %get3A_884 = arith.index_cast %get3A_882 : i32 to index
      %get3A_885 = arith.index_cast %scan3A_786 : i32 to index
      %get3A_886 = arith.constant 0 : index
      %get3A_887 = tpu.vector_load %arg6[%get3A_883, %get3A_884, %get3A_885, %get3A_886] {strides = array<i32>} : memref<2x8x128x32xf32, #tpu.memory_space<vmem>>, vector<16xf32>,
      %add3A_888 = arith.addf %add3A_872, %get3A_887 : vector<16xf32>
      %get3A_889 = arith.constant 0 : i32
      %get3A_890 = arith.constant 6 : i32
      %get3A_891 = arith.index_cast %get3A_889 : i32 to index
      %get3A_892 = arith.index_cast %get3A_890 : i32 to index
      %get3A_893 = arith.index_cast %scan3A_786 : i32 to index
      %get3A_894 = arith.constant 16 : index
      %get3A_895 = tpu.vector_load %arg6[%get3A_891, %get3A_892, %get3A_893, %get3A_894] {strides = array<i32>} : memref<2x8x128x32xf32, #tpu.memory_space<vmem>>, vector<16xf32>,
      %add3A_896 = arith.addf %add3A_880, %get3A_895 : vector<16xf32>
      %get3A_897 = arith.constant 0 : i32
      %get3A_898 = arith.constant 7 : i32
      %get3A_899 = arith.index_cast %get3A_897 : i32 to index
      %get3A_900 = arith.index_cast %get3A_898 : i32 to index
      %get3A_901 = arith.index_cast %scan3A_786 : i32 to index
      %get3A_902 = arith.constant 0 : index
      %get3A_903 = tpu.vector_load %arg6[%get3A_899, %get3A_900, %get3A_901, %get3A_902] {strides = array<i32>} : memref<2x8x128x32xf32, #tpu.memory_space<vmem>>, vector<16xf32>,
      %add3A_904 = arith.addf %add3A_888, %get3A_903 : vector<16xf32>
      %get3A_905 = arith.constant 0 : i32
      %get3A_906 = arith.constant 7 : i32
      %get3A_907 = arith.index_cast %get3A_905 : i32 to index
      %get3A_908 = arith.index_cast %get3A_906 : i32 to index
      %get3A_909 = arith.index_cast %scan3A_786 : i32 to index
      %get3A_910 = arith.constant 16 : index
      %get3A_911 = tpu.vector_load %arg6[%get3A_907, %get3A_908, %get3A_909, %get3A_910] {strides = array<i32>} : memref<2x8x128x32xf32, #tpu.memory_space<vmem>>, vector<16xf32>,
      %add3A_912 = arith.addf %add3A_896, %get3A_911 : vector<16xf32>
      %swap3A_913 = arith.index_cast %scan3A_786 : i32 to index
      %swap3A_914 = arith.constant 0 : index
      %swap3A_915 = tpu.vector_load %arg7[%swap3A_913, %swap3A_914] {strides = array<i32>} : memref<128x32xf32, #tpu.memory_space<vmem>>, vector<16xf32>,
      tpu.vector_store %arg7[%swap3A_913, %swap3A_914], %add3A_904 {strides = array<i32>} : memref<128x32xf32, #tpu.memory_space<vmem>>, vector<16xf32>,
      %swap3A_916 = arith.index_cast %scan3A_786 : i32 to index
      %swap3A_917 = arith.constant 16 : index
      %swap3A_918 = tpu.vector_load %arg7[%swap3A_916, %swap3A_917] {strides = array<i32>} : memref<128x32xf32, #tpu.memory_space<vmem>>, vector<16xf32>,
      tpu.vector_store %arg7[%swap3A_916, %swap3A_917], %add3A_912 {strides = array<i32>} : memref<128x32xf32, #tpu.memory_space<vmem>>, vector<16xf32>,
      %scan3A_919 = arith.constant 0 : i32
      scf.yield %scan3A_919 : i32
    }
    %scan3A_318 = arith.constant 128 : i32
    %scan3A_319 = arith.constant 0 : i32
    %scan3A_320 = arith.constant 0 : i32
    %scan3A_321 = arith.constant 11 : i32
    %scan3A_322 = arith.addi %scan3A_320, %scan3A_321 : i32
    %scan3A_323 = arith.constant 1 : i32
    %scan3A_324 = scf.for %scan3A_652 = %scan3A_320 to %scan3A_322 step %scan3A_323 iter_args(%scan3A_653 = %scan3A_319) -> (i32)  : i32 {
      %mul3A_654 = arith.constant 2 : i32
      %mul3A_655 = arith.muli %mul3A_654, %scan3A_652 : i32
      %add3A_656 = arith.constant 2 : i32
      %add3A_657 = arith.addi %mul3A_655, %add3A_656 : i32
      %mul3A_658 = arith.constant 8 : i32
      %mul3A_659 = arith.muli %add3A_657, %mul3A_658 : i32
      %add3A_660 = arith.constant 0 : i32
      %add3A_661 = arith.addi %mul3A_659, %add3A_660 : i32
      %dma_start3A_662 = arith.constant 0 : i32
      %dma_start3A_663 = arith.constant 0 : i32
      %dma_start3A_664 = arith.constant 0 : i32
      %dma_start3A_665 = arith.constant 0 : i32
      %dma_start3A_666 = tpu.memref_slice %arg6[%dma_start3A_662, %dma_start3A_663, %dma_start3A_664, %dma_start3A_665] : memref<2x8x128x32xf32, #tpu.memory_space<vmem>> -> memref<1x1x128x32xf32, #tpu.memory_space<vmem>>
      %dma_start3A_667 = tpu.memref_squeeze %dma_start3A_666 : memref<1x1x128x32xf32, #tpu.memory_space<vmem>> -> memref<128x32xf32, #tpu.memory_space<vmem>>
      %dma_start3A_668 = arith.constant 0 : i32
      %dma_start3A_669 = tpu.memref_slice %arg5[%add3A_661, %dma_start3A_668] : memref<200x128xi32, #tpu.memory_space<vmem>> -> memref<1x128xi32, #tpu.memory_space<vmem>>
      %dma_start3A_670 = tpu.memref_squeeze %dma_start3A_669 : memref<1x128xi32, #tpu.memory_space<vmem>> -> memref<128xi32, #tpu.memory_space<vmem>>
      %dma_start3A_671 = arith.constant 0 : i32
      %dma_start3A_672 = arith.constant 0 : i32
      %dma_start3A_673 = tpu.memref_slice %arg3[%dma_start3A_671, %dma_start3A_672] : memref<400000x32xf32, #tpu.memory_space<hbm>> -> memref<400000x32xf32, #tpu.memory_space<hbm>>
      tpu.enqueue_indirect_dma source(%dma_start3A_673 : memref<400000x32xf32, #tpu.memory_space<hbm>>) target(%dma_start3A_667 : memref<128x32xf32, #tpu.memory_space<vmem>>) offsets(%dma_start3A_670 : memref<128xi32, #tpu.memory_space<vmem>>) semaphore(%arg8 : memref<!tpu.dma_semaphore, #tpu.memory_space<semaphore_mem>>)
      %mul3A_674 = arith.constant 8 : i32
      %mul3A_675 = arith.muli %add3A_657, %mul3A_674 : i32
      %add3A_676 = arith.constant 1 : i32
      %add3A_677 = arith.addi %mul3A_675, %add3A_676 : i32
      %dma_start3A_678 = arith.constant 0 : i32
      %dma_start3A_679 = arith.constant 1 : i32
      %dma_start3A_680 = arith.constant 0 : i32
      %dma_start3A_681 = arith.constant 0 : i32
      %dma_start3A_682 = tpu.memref_slice %arg6[%dma_start3A_678, %dma_start3A_679, %dma_start3A_680, %dma_start3A_681] : memref<2x8x128x32xf32, #tpu.memory_space<vmem>> -> memref<1x1x128x32xf32, #tpu.memory_space<vmem>>
      %dma_start3A_683 = tpu.memref_squeeze %dma_start3A_682 : memref<1x1x128x32xf32, #tpu.memory_space<vmem>> -> memref<128x32xf32, #tpu.memory_space<vmem>>
      %dma_start3A_684 = arith.constant 0 : i32
      %dma_start3A_685 = tpu.memref_slice %arg5[%add3A_677, %dma_start3A_684] : memref<200x128xi32, #tpu.memory_space<vmem>> -> memref<1x128xi32, #tpu.memory_space<vmem>>
      %dma_start3A_686 = tpu.memref_squeeze %dma_start3A_685 : memref<1x128xi32, #tpu.memory_space<vmem>> -> memref<128xi32, #tpu.memory_space<vmem>>
      %dma_start3A_687 = arith.constant 0 : i32
      %dma_start3A_688 = arith.constant 0 : i32
      %dma_start3A_689 = tpu.memref_slice %arg3[%dma_start3A_687, %dma_start3A_688] : memref<400000x32xf32, #tpu.memory_space<hbm>> -> memref<400000x32xf32, #tpu.memory_space<hbm>>
      tpu.enqueue_indirect_dma source(%dma_start3A_689 : memref<400000x32xf32, #tpu.memory_space<hbm>>) target(%dma_start3A_683 : memref<128x32xf32, #tpu.memory_space<vmem>>) offsets(%dma_start3A_686 : memref<128xi32, #tpu.memory_space<vmem>>) semaphore(%arg8 : memref<!tpu.dma_semaphore, #tpu.memory_space<semaphore_mem>>)
      %mul3A_690 = arith.constant 8 : i32
      %mul3A_691 = arith.muli %add3A_657, %mul3A_690 : i32
      %add3A_692 = arith.constant 2 : i32
      %add3A_693 = arith.addi %mul3A_691, %add3A_692 : i32
      %dma_start3A_694 = arith.constant 0 : i32
      %dma_start3A_695 = arith.constant 2 : i32
      %dma_start3A_696 = arith.constant 0 : i32
      %dma_start3A_697 = arith.constant 0 : i32
      %dma_start3A_698 = tpu.memref_slice %arg6[%dma_start3A_694, %dma_start3A_695, %dma_start3A_696, %dma_start3A_697] : memref<2x8x128x32xf32, #tpu.memory_space<vmem>> -> memref<1x1x128x32xf32, #tpu.memory_space<vmem>>
      %dma_start3A_699 = tpu.memref_squeeze %dma_start3A_698 : memref<1x1x128x32xf32, #tpu.memory_space<vmem>> -> memref<128x32xf32, #tpu.memory_space<vmem>>
      %dma_start3A_700 = arith.constant 0 : i32
      %dma_start3A_701 = tpu.memref_slice %arg5[%add3A_693, %dma_start3A_700] : memref<200x128xi32, #tpu.memory_space<vmem>> -> memref<1x128xi32, #tpu.memory_space<vmem>>
      %dma_start3A_702 = tpu.memref_squeeze %dma_start3A_701 : memref<1x128xi32, #tpu.memory_space<vmem>> -> memref<128xi32, #tpu.memory_space<vmem>>
      %dma_start3A_703 = arith.constant 0 : i32
      %dma_start3A_704 = arith.constant 0 : i32
      %dma_start3A_705 = tpu.memref_slice %arg3[%dma_start3A_703, %dma_start3A_704] : memref<400000x32xf32, #tpu.memory_space<hbm>> -> memref<400000x32xf32, #tpu.memory_space<hbm>>
      tpu.enqueue_indirect_dma source(%dma_start3A_705 : memref<400000x32xf32, #tpu.memory_space<hbm>>) target(%dma_start3A_699 : memref<128x32xf32, #tpu.memory_space<vmem>>) offsets(%dma_start3A_702 : memref<128xi32, #tpu.memory_space<vmem>>) semaphore(%arg8 : memref<!tpu.dma_semaphore, #tpu.memory_space<semaphore_mem>>)
      %mul3A_706 = arith.constant 8 : i32
      %mul3A_707 = arith.muli %add3A_657, %mul3A_706 : i32
      %add3A_708 = arith.constant 3 : i32
      %add3A_709 = arith.addi %mul3A_707, %add3A_708 : i32
      %dma_start3A_710 = arith.constant 0 : i32
      %dma_start3A_711 = arith.constant 3 : i32
      %dma_start3A_712 = arith.constant 0 : i32
      %dma_start3A_713 = arith.constant 0 : i32
      %dma_start3A_714 = tpu.memref_slice %arg6[%dma_start3A_710, %dma_start3A_711, %dma_start3A_712, %dma_start3A_713] : memref<2x8x128x32xf32, #tpu.memory_space<vmem>> -> memref<1x1x128x32xf32, #tpu.memory_space<vmem>>
      %dma_start3A_715 = tpu.memref_squeeze %dma_start3A_714 : memref<1x1x128x32xf32, #tpu.memory_space<vmem>> -> memref<128x32xf32, #tpu.memory_space<vmem>>
      %dma_start3A_716 = arith.constant 0 : i32
      %dma_start3A_717 = tpu.memref_slice %arg5[%add3A_709, %dma_start3A_716] : memref<200x128xi32, #tpu.memory_space<vmem>> -> memref<1x128xi32, #tpu.memory_space<vmem>>
      %dma_start3A_718 = tpu.memref_squeeze %dma_start3A_717 : memref<1x128xi32, #tpu.memory_space<vmem>> -> memref<128xi32, #tpu.memory_space<vmem>>
      %dma_start3A_719 = arith.constant 0 : i32
      %dma_start3A_720 = arith.constant 0 : i32
      %dma_start3A_721 = tpu.memref_slice %arg3[%dma_start3A_719, %dma_start3A_720] : memref<400000x32xf32, #tpu.memory_space<hbm>> -> memref<400000x32xf32, #tpu.memory_space<hbm>>
      tpu.enqueue_indirect_dma source(%dma_start3A_721 : memref<400000x32xf32, #tpu.memory_space<hbm>>) target(%dma_start3A_715 : memref<128x32xf32, #tpu.memory_space<vmem>>) offsets(%dma_start3A_718 : memref<128xi32, #tpu.memory_space<vmem>>) semaphore(%arg8 : memref<!tpu.dma_semaphore, #tpu.memory_space<semaphore_mem>>)
      %mul3A_722 = arith.constant 8 : i32
      %mul3A_723 = arith.muli %add3A_657, %mul3A_722 : i32
      %add3A_724 = arith.constant 4 : i32
      %add3A_725 = arith.addi %mul3A_723, %add3A_724 : i32
      %dma_start3A_726 = arith.constant 0 : i32
      %dma_start3A_727 = arith.constant 4 : i32
      %dma_start3A_728 = arith.constant 0 : i32
      %dma_start3A_729 = arith.constant 0 : i32
      %dma_start3A_730 = tpu.memref_slice %arg6[%dma_start3A_726, %dma_start3A_727, %dma_start3A_728, %dma_start3A_729] : memref<2x8x128x32xf32, #tpu.memory_space<vmem>> -> memref<1x1x128x32xf32, #tpu.memory_space<vmem>>
      %dma_start3A_731 = tpu.memref_squeeze %dma_start3A_730 : memref<1x1x128x32xf32, #tpu.memory_space<vmem>> -> memref<128x32xf32, #tpu.memory_space<vmem>>
      %dma_start3A_732 = arith.constant 0 : i32
      %dma_start3A_733 = tpu.memref_slice %arg5[%add3A_725, %dma_start3A_732] : memref<200x128xi32, #tpu.memory_space<vmem>> -> memref<1x128xi32, #tpu.memory_space<vmem>>
      %dma_start3A_734 = tpu.memref_squeeze %dma_start3A_733 : memref<1x128xi32, #tpu.memory_space<vmem>> -> memref<128xi32, #tpu.memory_space<vmem>>
      %dma_start3A_735 = arith.constant 0 : i32
      %dma_start3A_736 = arith.constant 0 : i32
      %dma_start3A_737 = tpu.memref_slice %arg3[%dma_start3A_735, %dma_start3A_736] : memref<400000x32xf32, #tpu.memory_space<hbm>> -> memref<400000x32xf32, #tpu.memory_space<hbm>>
      tpu.enqueue_indirect_dma source(%dma_start3A_737 : memref<400000x32xf32, #tpu.memory_space<hbm>>) target(%dma_start3A_731 : memref<128x32xf32, #tpu.memory_space<vmem>>) offsets(%dma_start3A_734 : memref<128xi32, #tpu.memory_space<vmem>>) semaphore(%arg8 : memref<!tpu.dma_semaphore, #tpu.memory_space<semaphore_mem>>)
      %mul3A_738 = arith.constant 8 : i32
      %mul3A_739 = arith.muli %add3A_657, %mul3A_738 : i32
      %add3A_740 = arith.constant 5 : i32
      %add3A_741 = arith.addi %mul3A_739, %add3A_740 : i32
      %dma_start3A_742 = arith.constant 0 : i32
      %dma_start3A_743 = arith.constant 5 : i32
      %dma_start3A_744 = arith.constant 0 : i32
      %dma_start3A_745 = arith.constant 0 : i32
      %dma_start3A_746 = tpu.memref_slice %arg6[%dma_start3A_742, %dma_start3A_743, %dma_start3A_744, %dma_start3A_745] : memref<2x8x128x32xf32, #tpu.memory_space<vmem>> -> memref<1x1x128x32xf32, #tpu.memory_space<vmem>>
      %dma_start3A_747 = tpu.memref_squeeze %dma_start3A_746 : memref<1x1x128x32xf32, #tpu.memory_space<vmem>> -> memref<128x32xf32, #tpu.memory_space<vmem>>
      %dma_start3A_748 = arith.constant 0 : i32
      %dma_start3A_749 = tpu.memref_slice %arg5[%add3A_741, %dma_start3A_748] : memref<200x128xi32, #tpu.memory_space<vmem>> -> memref<1x128xi32, #tpu.memory_space<vmem>>
      %dma_start3A_750 = tpu.memref_squeeze %dma_start3A_749 : memref<1x128xi32, #tpu.memory_space<vmem>> -> memref<128xi32, #tpu.memory_space<vmem>>
      %dma_start3A_751 = arith.constant 0 : i32
      %dma_start3A_752 = arith.constant 0 : i32
      %dma_start3A_753 = tpu.memref_slice %arg3[%dma_start3A_751, %dma_start3A_752] : memref<400000x32xf32, #tpu.memory_space<hbm>> -> memref<400000x32xf32, #tpu.memory_space<hbm>>
      tpu.enqueue_indirect_dma source(%dma_start3A_753 : memref<400000x32xf32, #tpu.memory_space<hbm>>) target(%dma_start3A_747 : memref<128x32xf32, #tpu.memory_space<vmem>>) offsets(%dma_start3A_750 : memref<128xi32, #tpu.memory_space<vmem>>) semaphore(%arg8 : memref<!tpu.dma_semaphore, #tpu.memory_space<semaphore_mem>>)
      %mul3A_754 = arith.constant 8 : i32
      %mul3A_755 = arith.muli %add3A_657, %mul3A_754 : i32
      %add3A_756 = arith.constant 6 : i32
      %add3A_757 = arith.addi %mul3A_755, %add3A_756 : i32
      %dma_start3A_758 = arith.constant 0 : i32
      %dma_start3A_759 = arith.constant 6 : i32
      %dma_start3A_760 = arith.constant 0 : i32
      %dma_start3A_761 = arith.constant 0 : i32
      %dma_start3A_762 = tpu.memref_slice %arg6[%dma_start3A_758, %dma_start3A_759, %dma_start3A_760, %dma_start3A_761] : memref<2x8x128x32xf32, #tpu.memory_space<vmem>> -> memref<1x1x128x32xf32, #tpu.memory_space<vmem>>
      %dma_start3A_763 = tpu.memref_squeeze %dma_start3A_762 : memref<1x1x128x32xf32, #tpu.memory_space<vmem>> -> memref<128x32xf32, #tpu.memory_space<vmem>>
      %dma_start3A_764 = arith.constant 0 : i32
      %dma_start3A_765 = tpu.memref_slice %arg5[%add3A_757, %dma_start3A_764] : memref<200x128xi32, #tpu.memory_space<vmem>> -> memref<1x128xi32, #tpu.memory_space<vmem>>
      %dma_start3A_766 = tpu.memref_squeeze %dma_start3A_765 : memref<1x128xi32, #tpu.memory_space<vmem>> -> memref<128xi32, #tpu.memory_space<vmem>>
      %dma_start3A_767 = arith.constant 0 : i32
      %dma_start3A_768 = arith.constant 0 : i32
      %dma_start3A_769 = tpu.memref_slice %arg3[%dma_start3A_767, %dma_start3A_768] : memref<400000x32xf32, #tpu.memory_space<hbm>> -> memref<400000x32xf32, #tpu.memory_space<hbm>>
      tpu.enqueue_indirect_dma source(%dma_start3A_769 : memref<400000x32xf32, #tpu.memory_space<hbm>>) target(%dma_start3A_763 : memref<128x32xf32, #tpu.memory_space<vmem>>) offsets(%dma_start3A_766 : memref<128xi32, #tpu.memory_space<vmem>>) semaphore(%arg8 : memref<!tpu.dma_semaphore, #tpu.memory_space<semaphore_mem>>)
      %mul3A_770 = arith.constant 8 : i32
      %mul3A_771 = arith.muli %add3A_657, %mul3A_770 : i32
      %add3A_772 = arith.constant 7 : i32
      %add3A_773 = arith.addi %mul3A_771, %add3A_772 : i32
      %dma_start3A_774 = arith.constant 0 : i32
      %dma_start3A_775 = arith.constant 7 : i32
      %dma_start3A_776 = arith.constant 0 : i32
      %dma_start3A_777 = arith.constant 0 : i32
      %dma_start3A_778 = tpu.memref_slice %arg6[%dma_start3A_774, %dma_start3A_775, %dma_start3A_776, %dma_start3A_777] : memref<2x8x128x32xf32, #tpu.memory_space<vmem>> -> memref<1x1x128x32xf32, #tpu.memory_space<vmem>>
      %dma_start3A_779 = tpu.memref_squeeze %dma_start3A_778 : memref<1x1x128x32xf32, #tpu.memory_space<vmem>> -> memref<128x32xf32, #tpu.memory_space<vmem>>
      %dma_start3A_780 = arith.constant 0 : i32
      %dma_start3A_781 = tpu.memref_slice %arg5[%add3A_773, %dma_start3A_780] : memref<200x128xi32, #tpu.memory_space<vmem>> -> memref<1x128xi32, #tpu.memory_space<vmem>>
      %dma_start3A_782 = tpu.memref_squeeze %dma_start3A_781 : memref<1x128xi32, #tpu.memory_space<vmem>> -> memref<128xi32, #tpu.memory_space<vmem>>
      %dma_start3A_783 = arith.constant 0 : i32
      %dma_start3A_784 = arith.constant 0 : i32
      %dma_start3A_785 = tpu.memref_slice %arg3[%dma_start3A_783, %dma_start3A_784] : memref<400000x32xf32, #tpu.memory_space<hbm>> -> memref<400000x32xf32, #tpu.memory_space<hbm>>
      tpu.enqueue_indirect_dma source(%dma_start3A_785 : memref<400000x32xf32, #tpu.memory_space<hbm>>) target(%dma_start3A_779 : memref<128x32xf32, #tpu.memory_space<vmem>>) offsets(%dma_start3A_782 : memref<128xi32, #tpu.memory_space<vmem>>) semaphore(%arg8 : memref<!tpu.dma_semaphore, #tpu.memory_space<semaphore_mem>>)
      %mul3A_786 = arith.constant 2 : i32
      %mul3A_787 = arith.muli %mul3A_786, %scan3A_652 : i32
      %add3A_788 = arith.constant 1 : i32
      %add3A_789 = arith.addi %mul3A_787, %add3A_788 : i32
      %mul3A_790 = arith.constant 8 : i32
      %mul3A_791 = arith.muli %add3A_789, %mul3A_790 : i32
      %add3A_792 = arith.constant 0 : i32
      %add3A_793 = arith.addi %mul3A_791, %add3A_792 : i32
      %dma_wait3A_794 = arith.constant 1 : i32
      %dma_wait3A_795 = arith.constant 0 : i32
      %dma_wait3A_796 = arith.constant 0 : i32
      %dma_wait3A_797 = arith.constant 0 : i32
      %dma_wait3A_798 = tpu.memref_slice %arg6[%dma_wait3A_794, %dma_wait3A_795, %dma_wait3A_796, %dma_wait3A_797] : memref<2x8x128x32xf32, #tpu.memory_space<vmem>> -> memref<1x1x128x32xf32, #tpu.memory_space<vmem>>
      %dma_wait3A_799 = tpu.memref_squeeze %dma_wait3A_798 : memref<1x1x128x32xf32, #tpu.memory_space<vmem>> -> memref<128x32xf32, #tpu.memory_space<vmem>>
      %dma_wait3A_800 = arith.constant 0 : i32
      %dma_wait3A_801 = tpu.memref_slice %arg5[%add3A_793, %dma_wait3A_800] : memref<200x128xi32, #tpu.memory_space<vmem>> -> memref<1x128xi32, #tpu.memory_space<vmem>>
      %dma_wait3A_802 = tpu.memref_squeeze %dma_wait3A_801 : memref<1x128xi32, #tpu.memory_space<vmem>> -> memref<128xi32, #tpu.memory_space<vmem>>
      %dma_wait3A_803 = arith.constant 0 : i32
      %dma_wait3A_804 = arith.constant 0 : i32
      %dma_wait3A_805 = tpu.memref_slice %arg3[%dma_wait3A_803, %dma_wait3A_804] : memref<400000x32xf32, #tpu.memory_space<hbm>> -> memref<400000x32xf32, #tpu.memory_space<hbm>>
      tpu.wait_indirect_dma semaphore(%arg9 : memref<!tpu.dma_semaphore, #tpu.memory_space<semaphore_mem>>) src(%dma_wait3A_805 : memref<400000x32xf32, #tpu.memory_space<hbm>>) dst(%dma_wait3A_799 : memref<128x32xf32, #tpu.memory_space<vmem>>)
      %mul3A_806 = arith.constant 8 : i32
      %mul3A_807 = arith.muli %add3A_789, %mul3A_806 : i32
      %add3A_808 = arith.constant 1 : i32
      %add3A_809 = arith.addi %mul3A_807, %add3A_808 : i32
      %dma_wait3A_810 = arith.constant 1 : i32
      %dma_wait3A_811 = arith.constant 1 : i32
      %dma_wait3A_812 = arith.constant 0 : i32
      %dma_wait3A_813 = arith.constant 0 : i32
      %dma_wait3A_814 = tpu.memref_slice %arg6[%dma_wait3A_810, %dma_wait3A_811, %dma_wait3A_812, %dma_wait3A_813] : memref<2x8x128x32xf32, #tpu.memory_space<vmem>> -> memref<1x1x128x32xf32, #tpu.memory_space<vmem>>
      %dma_wait3A_815 = tpu.memref_squeeze %dma_wait3A_814 : memref<1x1x128x32xf32, #tpu.memory_space<vmem>> -> memref<128x32xf32, #tpu.memory_space<vmem>>
      %dma_wait3A_816 = arith.constant 0 : i32
      %dma_wait3A_817 = tpu.memref_slice %arg5[%add3A_809, %dma_wait3A_816] : memref<200x128xi32, #tpu.memory_space<vmem>> -> memref<1x128xi32, #tpu.memory_space<vmem>>
      %dma_wait3A_818 = tpu.memref_squeeze %dma_wait3A_817 : memref<1x128xi32, #tpu.memory_space<vmem>> -> memref<128xi32, #tpu.memory_space<vmem>>
      %dma_wait3A_819 = arith.constant 0 : i32
      %dma_wait3A_820 = arith.constant 0 : i32
      %dma_wait3A_821 = tpu.memref_slice %arg3[%dma_wait3A_819, %dma_wait3A_820] : memref<400000x32xf32, #tpu.memory_space<hbm>> -> memref<400000x32xf32, #tpu.memory_space<hbm>>
      tpu.wait_indirect_dma semaphore(%arg9 : memref<!tpu.dma_semaphore, #tpu.memory_space<semaphore_mem>>) src(%dma_wait3A_821 : memref<400000x32xf32, #tpu.memory_space<hbm>>) dst(%dma_wait3A_815 : memref<128x32xf32, #tpu.memory_space<vmem>>)
      %mul3A_822 = arith.constant 8 : i32
      %mul3A_823 = arith.muli %add3A_789, %mul3A_822 : i32
      %add3A_824 = arith.constant 2 : i32
      %add3A_825 = arith.addi %mul3A_823, %add3A_824 : i32
      %dma_wait3A_826 = arith.constant 1 : i32
      %dma_wait3A_827 = arith.constant 2 : i32
      %dma_wait3A_828 = arith.constant 0 : i32
      %dma_wait3A_829 = arith.constant 0 : i32
      %dma_wait3A_830 = tpu.memref_slice %arg6[%dma_wait3A_826, %dma_wait3A_827, %dma_wait3A_828, %dma_wait3A_829] : memref<2x8x128x32xf32, #tpu.memory_space<vmem>> -> memref<1x1x128x32xf32, #tpu.memory_space<vmem>>
      %dma_wait3A_831 = tpu.memref_squeeze %dma_wait3A_830 : memref<1x1x128x32xf32, #tpu.memory_space<vmem>> -> memref<128x32xf32, #tpu.memory_space<vmem>>
      %dma_wait3A_832 = arith.constant 0 : i32
      %dma_wait3A_833 = tpu.memref_slice %arg5[%add3A_825, %dma_wait3A_832] : memref<200x128xi32, #tpu.memory_space<vmem>> -> memref<1x128xi32, #tpu.memory_space<vmem>>
      %dma_wait3A_834 = tpu.memref_squeeze %dma_wait3A_833 : memref<1x128xi32, #tpu.memory_space<vmem>> -> memref<128xi32, #tpu.memory_space<vmem>>
      %dma_wait3A_835 = arith.constant 0 : i32
      %dma_wait3A_836 = arith.constant 0 : i32
      %dma_wait3A_837 = tpu.memref_slice %arg3[%dma_wait3A_835, %dma_wait3A_836] : memref<400000x32xf32, #tpu.memory_space<hbm>> -> memref<400000x32xf32, #tpu.memory_space<hbm>>
      tpu.wait_indirect_dma semaphore(%arg9 : memref<!tpu.dma_semaphore, #tpu.memory_space<semaphore_mem>>) src(%dma_wait3A_837 : memref<400000x32xf32, #tpu.memory_space<hbm>>) dst(%dma_wait3A_831 : memref<128x32xf32, #tpu.memory_space<vmem>>)
      %mul3A_838 = arith.constant 8 : i32
      %mul3A_839 = arith.muli %add3A_789, %mul3A_838 : i32
      %add3A_840 = arith.constant 3 : i32
      %add3A_841 = arith.addi %mul3A_839, %add3A_840 : i32
      %dma_wait3A_842 = arith.constant 1 : i32
      %dma_wait3A_843 = arith.constant 3 : i32
      %dma_wait3A_844 = arith.constant 0 : i32
      %dma_wait3A_845 = arith.constant 0 : i32
      %dma_wait3A_846 = tpu.memref_slice %arg6[%dma_wait3A_842, %dma_wait3A_843, %dma_wait3A_844, %dma_wait3A_845] : memref<2x8x128x32xf32, #tpu.memory_space<vmem>> -> memref<1x1x128x32xf32, #tpu.memory_space<vmem>>
      %dma_wait3A_847 = tpu.memref_squeeze %dma_wait3A_846 : memref<1x1x128x32xf32, #tpu.memory_space<vmem>> -> memref<128x32xf32, #tpu.memory_space<vmem>>
      %dma_wait3A_848 = arith.constant 0 : i32
      %dma_wait3A_849 = tpu.memref_slice %arg5[%add3A_841, %dma_wait3A_848] : memref<200x128xi32, #tpu.memory_space<vmem>> -> memref<1x128xi32, #tpu.memory_space<vmem>>
      %dma_wait3A_850 = tpu.memref_squeeze %dma_wait3A_849 : memref<1x128xi32, #tpu.memory_space<vmem>> -> memref<128xi32, #tpu.memory_space<vmem>>
      %dma_wait3A_851 = arith.constant 0 : i32
      %dma_wait3A_852 = arith.constant 0 : i32
      %dma_wait3A_853 = tpu.memref_slice %arg3[%dma_wait3A_851, %dma_wait3A_852] : memref<400000x32xf32, #tpu.memory_space<hbm>> -> memref<400000x32xf32, #tpu.memory_space<hbm>>
      tpu.wait_indirect_dma semaphore(%arg9 : memref<!tpu.dma_semaphore, #tpu.memory_space<semaphore_mem>>) src(%dma_wait3A_853 : memref<400000x32xf32, #tpu.memory_space<hbm>>) dst(%dma_wait3A_847 : memref<128x32xf32, #tpu.memory_space<vmem>>)
      %mul3A_854 = arith.constant 8 : i32
      %mul3A_855 = arith.muli %add3A_789, %mul3A_854 : i32
      %add3A_856 = arith.constant 4 : i32
      %add3A_857 = arith.addi %mul3A_855, %add3A_856 : i32
      %dma_wait3A_858 = arith.constant 1 : i32
      %dma_wait3A_859 = arith.constant 4 : i32
      %dma_wait3A_860 = arith.constant 0 : i32
      %dma_wait3A_861 = arith.constant 0 : i32
      %dma_wait3A_862 = tpu.memref_slice %arg6[%dma_wait3A_858, %dma_wait3A_859, %dma_wait3A_860, %dma_wait3A_861] : memref<2x8x128x32xf32, #tpu.memory_space<vmem>> -> memref<1x1x128x32xf32, #tpu.memory_space<vmem>>
      %dma_wait3A_863 = tpu.memref_squeeze %dma_wait3A_862 : memref<1x1x128x32xf32, #tpu.memory_space<vmem>> -> memref<128x32xf32, #tpu.memory_space<vmem>>
      %dma_wait3A_864 = arith.constant 0 : i32
      %dma_wait3A_865 = tpu.memref_slice %arg5[%add3A_857, %dma_wait3A_864] : memref<200x128xi32, #tpu.memory_space<vmem>> -> memref<1x128xi32, #tpu.memory_space<vmem>>
      %dma_wait3A_866 = tpu.memref_squeeze %dma_wait3A_865 : memref<1x128xi32, #tpu.memory_space<vmem>> -> memref<128xi32, #tpu.memory_space<vmem>>
      %dma_wait3A_867 = arith.constant 0 : i32
      %dma_wait3A_868 = arith.constant 0 : i32
      %dma_wait3A_869 = tpu.memref_slice %arg3[%dma_wait3A_867, %dma_wait3A_868] : memref<400000x32xf32, #tpu.memory_space<hbm>> -> memref<400000x32xf32, #tpu.memory_space<hbm>>
      tpu.wait_indirect_dma semaphore(%arg9 : memref<!tpu.dma_semaphore, #tpu.memory_space<semaphore_mem>>) src(%dma_wait3A_869 : memref<400000x32xf32, #tpu.memory_space<hbm>>) dst(%dma_wait3A_863 : memref<128x32xf32, #tpu.memory_space<vmem>>)
      %mul3A_870 = arith.constant 8 : i32
      %mul3A_871 = arith.muli %add3A_789, %mul3A_870 : i32
      %add3A_872 = arith.constant 5 : i32
      %add3A_873 = arith.addi %mul3A_871, %add3A_872 : i32
      %dma_wait3A_874 = arith.constant 1 : i32
      %dma_wait3A_875 = arith.constant 5 : i32
      %dma_wait3A_876 = arith.constant 0 : i32
      %dma_wait3A_877 = arith.constant 0 : i32
      %dma_wait3A_878 = tpu.memref_slice %arg6[%dma_wait3A_874, %dma_wait3A_875, %dma_wait3A_876, %dma_wait3A_877] : memref<2x8x128x32xf32, #tpu.memory_space<vmem>> -> memref<1x1x128x32xf32, #tpu.memory_space<vmem>>
      %dma_wait3A_879 = tpu.memref_squeeze %dma_wait3A_878 : memref<1x1x128x32xf32, #tpu.memory_space<vmem>> -> memref<128x32xf32, #tpu.memory_space<vmem>>
      %dma_wait3A_880 = arith.constant 0 : i32
      %dma_wait3A_881 = tpu.memref_slice %arg5[%add3A_873, %dma_wait3A_880] : memref<200x128xi32, #tpu.memory_space<vmem>> -> memref<1x128xi32, #tpu.memory_space<vmem>>
      %dma_wait3A_882 = tpu.memref_squeeze %dma_wait3A_881 : memref<1x128xi32, #tpu.memory_space<vmem>> -> memref<128xi32, #tpu.memory_space<vmem>>
      %dma_wait3A_883 = arith.constant 0 : i32
      %dma_wait3A_884 = arith.constant 0 : i32
      %dma_wait3A_885 = tpu.memref_slice %arg3[%dma_wait3A_883, %dma_wait3A_884] : memref<400000x32xf32, #tpu.memory_space<hbm>> -> memref<400000x32xf32, #tpu.memory_space<hbm>>
      tpu.wait_indirect_dma semaphore(%arg9 : memref<!tpu.dma_semaphore, #tpu.memory_space<semaphore_mem>>) src(%dma_wait3A_885 : memref<400000x32xf32, #tpu.memory_space<hbm>>) dst(%dma_wait3A_879 : memref<128x32xf32, #tpu.memory_space<vmem>>)
      %mul3A_886 = arith.constant 8 : i32
      %mul3A_887 = arith.muli %add3A_789, %mul3A_886 : i32
      %add3A_888 = arith.constant 6 : i32
      %add3A_889 = arith.addi %mul3A_887, %add3A_888 : i32
      %dma_wait3A_890 = arith.constant 1 : i32
      %dma_wait3A_891 = arith.constant 6 : i32
      %dma_wait3A_892 = arith.constant 0 : i32
      %dma_wait3A_893 = arith.constant 0 : i32
      %dma_wait3A_894 = tpu.memref_slice %arg6[%dma_wait3A_890, %dma_wait3A_891, %dma_wait3A_892, %dma_wait3A_893] : memref<2x8x128x32xf32, #tpu.memory_space<vmem>> -> memref<1x1x128x32xf32, #tpu.memory_space<vmem>>
      %dma_wait3A_895 = tpu.memref_squeeze %dma_wait3A_894 : memref<1x1x128x32xf32, #tpu.memory_space<vmem>> -> memref<128x32xf32, #tpu.memory_space<vmem>>
      %dma_wait3A_896 = arith.constant 0 : i32
      %dma_wait3A_897 = tpu.memref_slice %arg5[%add3A_889, %dma_wait3A_896] : memref<200x128xi32, #tpu.memory_space<vmem>> -> memref<1x128xi32, #tpu.memory_space<vmem>>
      %dma_wait3A_898 = tpu.memref_squeeze %dma_wait3A_897 : memref<1x128xi32, #tpu.memory_space<vmem>> -> memref<128xi32, #tpu.memory_space<vmem>>
      %dma_wait3A_899 = arith.constant 0 : i32
      %dma_wait3A_900 = arith.constant 0 : i32
      %dma_wait3A_901 = tpu.memref_slice %arg3[%dma_wait3A_899, %dma_wait3A_900] : memref<400000x32xf32, #tpu.memory_space<hbm>> -> memref<400000x32xf32, #tpu.memory_space<hbm>>
      tpu.wait_indirect_dma semaphore(%arg9 : memref<!tpu.dma_semaphore, #tpu.memory_space<semaphore_mem>>) src(%dma_wait3A_901 : memref<400000x32xf32, #tpu.memory_space<hbm>>) dst(%dma_wait3A_895 : memref<128x32xf32, #tpu.memory_space<vmem>>)
      %mul3A_902 = arith.constant 8 : i32
      %mul3A_903 = arith.muli %add3A_789, %mul3A_902 : i32
      %add3A_904 = arith.constant 7 : i32
      %add3A_905 = arith.addi %mul3A_903, %add3A_904 : i32
      %dma_wait3A_906 = arith.constant 1 : i32
      %dma_wait3A_907 = arith.constant 7 : i32
      %dma_wait3A_908 = arith.constant 0 : i32
      %dma_wait3A_909 = arith.constant 0 : i32
      %dma_wait3A_910 = tpu.memref_slice %arg6[%dma_wait3A_906, %dma_wait3A_907, %dma_wait3A_908, %dma_wait3A_909] : memref<2x8x128x32xf32, #tpu.memory_space<vmem>> -> memref<1x1x128x32xf32, #tpu.memory_space<vmem>>
      %dma_wait3A_911 = tpu.memref_squeeze %dma_wait3A_910 : memref<1x1x128x32xf32, #tpu.memory_space<vmem>> -> memref<128x32xf32, #tpu.memory_space<vmem>>
      %dma_wait3A_912 = arith.constant 0 : i32
      %dma_wait3A_913 = tpu.memref_slice %arg5[%add3A_905, %dma_wait3A_912] : memref<200x128xi32, #tpu.memory_space<vmem>> -> memref<1x128xi32, #tpu.memory_space<vmem>>
      %dma_wait3A_914 = tpu.memref_squeeze %dma_wait3A_913 : memref<1x128xi32, #tpu.memory_space<vmem>> -> memref<128xi32, #tpu.memory_space<vmem>>
      %dma_wait3A_915 = arith.constant 0 : i32
      %dma_wait3A_916 = arith.constant 0 : i32
      %dma_wait3A_917 = tpu.memref_slice %arg3[%dma_wait3A_915, %dma_wait3A_916] : memref<400000x32xf32, #tpu.memory_space<hbm>> -> memref<400000x32xf32, #tpu.memory_space<hbm>>
      tpu.wait_indirect_dma semaphore(%arg9 : memref<!tpu.dma_semaphore, #tpu.memory_space<semaphore_mem>>) src(%dma_wait3A_917 : memref<400000x32xf32, #tpu.memory_space<hbm>>) dst(%dma_wait3A_911 : memref<128x32xf32, #tpu.memory_space<vmem>>)
      %scan3A_918 = arith.constant 0 : i32
      %scan3A_919 = arith.constant 0 : i32
      %scan3A_920 = arith.constant 128 : i32
      %scan3A_921 = arith.addi %scan3A_919, %scan3A_920 : i32
      %scan3A_922 = arith.constant 2 : i32
      %scan3A_923 = scf.for %scan3A_1197 = %scan3A_919 to %scan3A_921 step %scan3A_922 iter_args(%scan3A_1198 = %scan3A_918) -> (i32)  : i32 {
        %get3A = arith.index_cast %scan3A_1197 : i32 to index
        %get3A_1199 = arith.constant 0 : index
        %get3A_1200 = tpu.vector_load %arg7[%get3A, %get3A_1199] {strides = array<i32>} : memref<128x32xf32, #tpu.memory_space<vmem>>, vector<16xf32>,
        %get3A_1201 = arith.index_cast %scan3A_1197 : i32 to index
        %get3A_1202 = arith.constant 16 : index
        %get3A_1203 = tpu.vector_load %arg7[%get3A_1201, %get3A_1202] {strides = array<i32>} : memref<128x32xf32, #tpu.memory_space<vmem>>, vector<16xf32>,
        %get3A_1204 = arith.constant 1 : i32
        %get3A_1205 = arith.constant 0 : i32
        %get3A_1206 = arith.index_cast %get3A_1204 : i32 to index
        %get3A_1207 = arith.index_cast %get3A_1205 : i32 to index
        %get3A_1208 = arith.index_cast %scan3A_1197 : i32 to index
        %get3A_1209 = arith.constant 0 : index
        %get3A_1210 = tpu.vector_load %arg6[%get3A_1206, %get3A_1207, %get3A_1208, %get3A_1209] {strides = array<i32>} : memref<2x8x128x32xf32, #tpu.memory_space<vmem>>, vector<16xf32>,
        %add3A_1211 = arith.addf %get3A_1200, %get3A_1210 : vector<16xf32>
        %get3A_1212 = arith.constant 1 : i32
        %get3A_1213 = arith.constant 0 : i32
        %get3A_1214 = arith.index_cast %get3A_1212 : i32 to index
        %get3A_1215 = arith.index_cast %get3A_1213 : i32 to index
        %get3A_1216 = arith.index_cast %scan3A_1197 : i32 to index
        %get3A_1217 = arith.constant 16 : index
        %get3A_1218 = tpu.vector_load %arg6[%get3A_1214, %get3A_1215, %get3A_1216, %get3A_1217] {strides = array<i32>} : memref<2x8x128x32xf32, #tpu.memory_space<vmem>>, vector<16xf32>,
        %add3A_1219 = arith.addf %get3A_1203, %get3A_1218 : vector<16xf32>
        %get3A_1220 = arith.constant 1 : i32
        %get3A_1221 = arith.constant 1 : i32
        %get3A_1222 = arith.index_cast %get3A_1220 : i32 to index
        %get3A_1223 = arith.index_cast %get3A_1221 : i32 to index
        %get3A_1224 = arith.index_cast %scan3A_1197 : i32 to index
        %get3A_1225 = arith.constant 0 : index
        %get3A_1226 = tpu.vector_load %arg6[%get3A_1222, %get3A_1223, %get3A_1224, %get3A_1225] {strides = array<i32>} : memref<2x8x128x32xf32, #tpu.memory_space<vmem>>, vector<16xf32>,
        %add3A_1227 = arith.addf %add3A_1211, %get3A_1226 : vector<16xf32>
        %get3A_1228 = arith.constant 1 : i32
        %get3A_1229 = arith.constant 1 : i32
        %get3A_1230 = arith.index_cast %get3A_1228 : i32 to index
        %get3A_1231 = arith.index_cast %get3A_1229 : i32 to index
        %get3A_1232 = arith.index_cast %scan3A_1197 : i32 to index
        %get3A_1233 = arith.constant 16 : index
        %get3A_1234 = tpu.vector_load %arg6[%get3A_1230, %get3A_1231, %get3A_1232, %get3A_1233] {strides = array<i32>} : memref<2x8x128x32xf32, #tpu.memory_space<vmem>>, vector<16xf32>,
        %add3A_1235 = arith.addf %add3A_1219, %get3A_1234 : vector<16xf32>
        %get3A_1236 = arith.constant 1 : i32
        %get3A_1237 = arith.constant 2 : i32
        %get3A_1238 = arith.index_cast %get3A_1236 : i32 to index
        %get3A_1239 = arith.index_cast %get3A_1237 : i32 to index
        %get3A_1240 = arith.index_cast %scan3A_1197 : i32 to index
        %get3A_1241 = arith.constant 0 : index
        %get3A_1242 = tpu.vector_load %arg6[%get3A_1238, %get3A_1239, %get3A_1240, %get3A_1241] {strides = array<i32>} : memref<2x8x128x32xf32, #tpu.memory_space<vmem>>, vector<16xf32>,
        %add3A_1243 = arith.addf %add3A_1227, %get3A_1242 : vector<16xf32>
        %get3A_1244 = arith.constant 1 : i32
        %get3A_1245 = arith.constant 2 : i32
        %get3A_1246 = arith.index_cast %get3A_1244 : i32 to index
        %get3A_1247 = arith.index_cast %get3A_1245 : i32 to index
        %get3A_1248 = arith.index_cast %scan3A_1197 : i32 to index
        %get3A_1249 = arith.constant 16 : index
        %get3A_1250 = tpu.vector_load %arg6[%get3A_1246, %get3A_1247, %get3A_1248, %get3A_1249] {strides = array<i32>} : memref<2x8x128x32xf32, #tpu.memory_space<vmem>>, vector<16xf32>,
        %add3A_1251 = arith.addf %add3A_1235, %get3A_1250 : vector<16xf32>
        %get3A_1252 = arith.constant 1 : i32
        %get3A_1253 = arith.constant 3 : i32
        %get3A_1254 = arith.index_cast %get3A_1252 : i32 to index
        %get3A_1255 = arith.index_cast %get3A_1253 : i32 to index
        %get3A_1256 = arith.index_cast %scan3A_1197 : i32 to index
        %get3A_1257 = arith.constant 0 : index
        %get3A_1258 = tpu.vector_load %arg6[%get3A_1254, %get3A_1255, %get3A_1256, %get3A_1257] {strides = array<i32>} : memref<2x8x128x32xf32, #tpu.memory_space<vmem>>, vector<16xf32>,
        %add3A_1259 = arith.addf %add3A_1243, %get3A_1258 : vector<16xf32>
        %get3A_1260 = arith.constant 1 : i32
        %get3A_1261 = arith.constant 3 : i32
        %get3A_1262 = arith.index_cast %get3A_1260 : i32 to index
        %get3A_1263 = arith.index_cast %get3A_1261 : i32 to index
        %get3A_1264 = arith.index_cast %scan3A_1197 : i32 to index
        %get3A_1265 = arith.constant 16 : index
        %get3A_1266 = tpu.vector_load %arg6[%get3A_1262, %get3A_1263, %get3A_1264, %get3A_1265] {strides = array<i32>} : memref<2x8x128x32xf32, #tpu.memory_space<vmem>>, vector<16xf32>,
        %add3A_1267 = arith.addf %add3A_1251, %get3A_1266 : vector<16xf32>
        %get3A_1268 = arith.constant 1 : i32
        %get3A_1269 = arith.constant 4 : i32
        %get3A_1270 = arith.index_cast %get3A_1268 : i32 to index
        %get3A_1271 = arith.index_cast %get3A_1269 : i32 to index
        %get3A_1272 = arith.index_cast %scan3A_1197 : i32 to index
        %get3A_1273 = arith.constant 0 : index
        %get3A_1274 = tpu.vector_load %arg6[%get3A_1270, %get3A_1271, %get3A_1272, %get3A_1273] {strides = array<i32>} : memref<2x8x128x32xf32, #tpu.memory_space<vmem>>, vector<16xf32>,
        %add3A_1275 = arith.addf %add3A_1259, %get3A_1274 : vector<16xf32>
        %get3A_1276 = arith.constant 1 : i32
        %get3A_1277 = arith.constant 4 : i32
        %get3A_1278 = arith.index_cast %get3A_1276 : i32 to index
        %get3A_1279 = arith.index_cast %get3A_1277 : i32 to index
        %get3A_1280 = arith.index_cast %scan3A_1197 : i32 to index
        %get3A_1281 = arith.constant 16 : index
        %get3A_1282 = tpu.vector_load %arg6[%get3A_1278, %get3A_1279, %get3A_1280, %get3A_1281] {strides = array<i32>} : memref<2x8x128x32xf32, #tpu.memory_space<vmem>>, vector<16xf32>,
        %add3A_1283 = arith.addf %add3A_1267, %get3A_1282 : vector<16xf32>
        %get3A_1284 = arith.constant 1 : i32
        %get3A_1285 = arith.constant 5 : i32
        %get3A_1286 = arith.index_cast %get3A_1284 : i32 to index
        %get3A_1287 = arith.index_cast %get3A_1285 : i32 to index
        %get3A_1288 = arith.index_cast %scan3A_1197 : i32 to index
        %get3A_1289 = arith.constant 0 : index
        %get3A_1290 = tpu.vector_load %arg6[%get3A_1286, %get3A_1287, %get3A_1288, %get3A_1289] {strides = array<i32>} : memref<2x8x128x32xf32, #tpu.memory_space<vmem>>, vector<16xf32>,
        %add3A_1291 = arith.addf %add3A_1275, %get3A_1290 : vector<16xf32>
        %get3A_1292 = arith.constant 1 : i32
        %get3A_1293 = arith.constant 5 : i32
        %get3A_1294 = arith.index_cast %get3A_1292 : i32 to index
        %get3A_1295 = arith.index_cast %get3A_1293 : i32 to index
        %get3A_1296 = arith.index_cast %scan3A_1197 : i32 to index
        %get3A_1297 = arith.constant 16 : index
        %get3A_1298 = tpu.vector_load %arg6[%get3A_1294, %get3A_1295, %get3A_1296, %get3A_1297] {strides = array<i32>} : memref<2x8x128x32xf32, #tpu.memory_space<vmem>>, vector<16xf32>,
        %add3A_1299 = arith.addf %add3A_1283, %get3A_1298 : vector<16xf32>
        %get3A_1300 = arith.constant 1 : i32
        %get3A_1301 = arith.constant 6 : i32
        %get3A_1302 = arith.index_cast %get3A_1300 : i32 to index
        %get3A_1303 = arith.index_cast %get3A_1301 : i32 to index
        %get3A_1304 = arith.index_cast %scan3A_1197 : i32 to index
        %get3A_1305 = arith.constant 0 : index
        %get3A_1306 = tpu.vector_load %arg6[%get3A_1302, %get3A_1303, %get3A_1304, %get3A_1305] {strides = array<i32>} : memref<2x8x128x32xf32, #tpu.memory_space<vmem>>, vector<16xf32>,
        %add3A_1307 = arith.addf %add3A_1291, %get3A_1306 : vector<16xf32>
        %get3A_1308 = arith.constant 1 : i32
        %get3A_1309 = arith.constant 6 : i32
        %get3A_1310 = arith.index_cast %get3A_1308 : i32 to index
        %get3A_1311 = arith.index_cast %get3A_1309 : i32 to index
        %get3A_1312 = arith.index_cast %scan3A_1197 : i32 to index
        %get3A_1313 = arith.constant 16 : index
        %get3A_1314 = tpu.vector_load %arg6[%get3A_1310, %get3A_1311, %get3A_1312, %get3A_1313] {strides = array<i32>} : memref<2x8x128x32xf32, #tpu.memory_space<vmem>>, vector<16xf32>,
        %add3A_1315 = arith.addf %add3A_1299, %get3A_1314 : vector<16xf32>
        %get3A_1316 = arith.constant 1 : i32
        %get3A_1317 = arith.constant 7 : i32
        %get3A_1318 = arith.index_cast %get3A_1316 : i32 to index
        %get3A_1319 = arith.index_cast %get3A_1317 : i32 to index
        %get3A_1320 = arith.index_cast %scan3A_1197 : i32 to index
        %get3A_1321 = arith.constant 0 : index
        %get3A_1322 = tpu.vector_load %arg6[%get3A_1318, %get3A_1319, %get3A_1320, %get3A_1321] {strides = array<i32>} : memref<2x8x128x32xf32, #tpu.memory_space<vmem>>, vector<16xf32>,
        %add3A_1323 = arith.addf %add3A_1307, %get3A_1322 : vector<16xf32>
        %get3A_1324 = arith.constant 1 : i32
        %get3A_1325 = arith.constant 7 : i32
        %get3A_1326 = arith.index_cast %get3A_1324 : i32 to index
        %get3A_1327 = arith.index_cast %get3A_1325 : i32 to index
        %get3A_1328 = arith.index_cast %scan3A_1197 : i32 to index
        %get3A_1329 = arith.constant 16 : index
        %get3A_1330 = tpu.vector_load %arg6[%get3A_1326, %get3A_1327, %get3A_1328, %get3A_1329] {strides = array<i32>} : memref<2x8x128x32xf32, #tpu.memory_space<vmem>>, vector<16xf32>,
        %add3A_1331 = arith.addf %add3A_1315, %get3A_1330 : vector<16xf32>
        %swap3A = arith.index_cast %scan3A_1197 : i32 to index
        %swap3A_1332 = arith.constant 0 : index
        %swap3A_1333 = tpu.vector_load %arg7[%swap3A, %swap3A_1332] {strides = array<i32>} : memref<128x32xf32, #tpu.memory_space<vmem>>, vector<16xf32>,
        tpu.vector_store %arg7[%swap3A, %swap3A_1332], %add3A_1323 {strides = array<i32>} : memref<128x32xf32, #tpu.memory_space<vmem>>, vector<16xf32>,
        %swap3A_1334 = arith.index_cast %scan3A_1197 : i32 to index
        %swap3A_1335 = arith.constant 16 : index
        %swap3A_1336 = tpu.vector_load %arg7[%swap3A_1334, %swap3A_1335] {strides = array<i32>} : memref<128x32xf32, #tpu.memory_space<vmem>>, vector<16xf32>,
        tpu.vector_store %arg7[%swap3A_1334, %swap3A_1335], %add3A_1331 {strides = array<i32>} : memref<128x32xf32, #tpu.memory_space<vmem>>, vector<16xf32>,
        %scan3A_1337 = arith.constant 0 : i32
        %scan3A_1338 = arith.constant 1 : i32
        %scan3A_1339 = arith.addi %scan3A_1197, %scan3A_1338 : i32
        %get3A_1340 = arith.index_cast %scan3A_1339 : i32 to index
        %get3A_1341 = arith.constant 0 : index
        %get3A_1342 = tpu.vector_load %arg7[%get3A_1340, %get3A_1341] {strides = array<i32>} : memref<128x32xf32, #tpu.memory_space<vmem>>, vector<16xf32>,
        %get3A_1343 = arith.index_cast %scan3A_1339 : i32 to index
        %get3A_1344 = arith.constant 16 : index
        %get3A_1345 = tpu.vector_load %arg7[%get3A_1343, %get3A_1344] {strides = array<i32>} : memref<128x32xf32, #tpu.memory_space<vmem>>, vector<16xf32>,
        %get3A_1346 = arith.constant 1 : i32
        %get3A_1347 = arith.constant 0 : i32
        %get3A_1348 = arith.index_cast %get3A_1346 : i32 to index
        %get3A_1349 = arith.index_cast %get3A_1347 : i32 to index
        %get3A_1350 = arith.index_cast %scan3A_1339 : i32 to index
        %get3A_1351 = arith.constant 0 : index
        %get3A_1352 = tpu.vector_load %arg6[%get3A_1348, %get3A_1349, %get3A_1350, %get3A_1351] {strides = array<i32>} : memref<2x8x128x32xf32, #tpu.memory_space<vmem>>, vector<16xf32>,
        %add3A_1353 = arith.addf %get3A_1342, %get3A_1352 : vector<16xf32>
        %get3A_1354 = arith.constant 1 : i32
        %get3A_1355 = arith.constant 0 : i32
        %get3A_1356 = arith.index_cast %get3A_1354 : i32 to index
        %get3A_1357 = arith.index_cast %get3A_1355 : i32 to index
        %get3A_1358 = arith.index_cast %scan3A_1339 : i32 to index
        %get3A_1359 = arith.constant 16 : index
        %get3A_1360 = tpu.vector_load %arg6[%get3A_1356, %get3A_1357, %get3A_1358, %get3A_1359] {strides = array<i32>} : memref<2x8x128x32xf32, #tpu.memory_space<vmem>>, vector<16xf32>,
        %add3A_1361 = arith.addf %get3A_1345, %get3A_1360 : vector<16xf32>
        %get3A_1362 = arith.constant 1 : i32
        %get3A_1363 = arith.constant 1 : i32
        %get3A_1364 = arith.index_cast %get3A_1362 : i32 to index
        %get3A_1365 = arith.index_cast %get3A_1363 : i32 to index
        %get3A_1366 = arith.index_cast %scan3A_1339 : i32 to index
        %get3A_1367 = arith.constant 0 : index
        %get3A_1368 = tpu.vector_load %arg6[%get3A_1364, %get3A_1365, %get3A_1366, %get3A_1367] {strides = array<i32>} : memref<2x8x128x32xf32, #tpu.memory_space<vmem>>, vector<16xf32>,
        %add3A_1369 = arith.addf %add3A_1353, %get3A_1368 : vector<16xf32>
        %get3A_1370 = arith.constant 1 : i32
        %get3A_1371 = arith.constant 1 : i32
        %get3A_1372 = arith.index_cast %get3A_1370 : i32 to index
        %get3A_1373 = arith.index_cast %get3A_1371 : i32 to index
        %get3A_1374 = arith.index_cast %scan3A_1339 : i32 to index
        %get3A_1375 = arith.constant 16 : index
        %get3A_1376 = tpu.vector_load %arg6[%get3A_1372, %get3A_1373, %get3A_1374, %get3A_1375] {strides = array<i32>} : memref<2x8x128x32xf32, #tpu.memory_space<vmem>>, vector<16xf32>,
        %add3A_1377 = arith.addf %add3A_1361, %get3A_1376 : vector<16xf32>
        %get3A_1378 = arith.constant 1 : i32
        %get3A_1379 = arith.constant 2 : i32
        %get3A_1380 = arith.index_cast %get3A_1378 : i32 to index
        %get3A_1381 = arith.index_cast %get3A_1379 : i32 to index
        %get3A_1382 = arith.index_cast %scan3A_1339 : i32 to index
        %get3A_1383 = arith.constant 0 : index
        %get3A_1384 = tpu.vector_load %arg6[%get3A_1380, %get3A_1381, %get3A_1382, %get3A_1383] {strides = array<i32>} : memref<2x8x128x32xf32, #tpu.memory_space<vmem>>, vector<16xf32>,
        %add3A_1385 = arith.addf %add3A_1369, %get3A_1384 : vector<16xf32>
        %get3A_1386 = arith.constant 1 : i32
        %get3A_1387 = arith.constant 2 : i32
        %get3A_1388 = arith.index_cast %get3A_1386 : i32 to index
        %get3A_1389 = arith.index_cast %get3A_1387 : i32 to index
        %get3A_1390 = arith.index_cast %scan3A_1339 : i32 to index
        %get3A_1391 = arith.constant 16 : index
        %get3A_1392 = tpu.vector_load %arg6[%get3A_1388, %get3A_1389, %get3A_1390, %get3A_1391] {strides = array<i32>} : memref<2x8x128x32xf32, #tpu.memory_space<vmem>>, vector<16xf32>,
        %add3A_1393 = arith.addf %add3A_1377, %get3A_1392 : vector<16xf32>
        %get3A_1394 = arith.constant 1 : i32
        %get3A_1395 = arith.constant 3 : i32
        %get3A_1396 = arith.index_cast %get3A_1394 : i32 to index
        %get3A_1397 = arith.index_cast %get3A_1395 : i32 to index
        %get3A_1398 = arith.index_cast %scan3A_1339 : i32 to index
        %get3A_1399 = arith.constant 0 : index
        %get3A_1400 = tpu.vector_load %arg6[%get3A_1396, %get3A_1397, %get3A_1398, %get3A_1399] {strides = array<i32>} : memref<2x8x128x32xf32, #tpu.memory_space<vmem>>, vector<16xf32>,
        %add3A_1401 = arith.addf %add3A_1385, %get3A_1400 : vector<16xf32>
        %get3A_1402 = arith.constant 1 : i32
        %get3A_1403 = arith.constant 3 : i32
        %get3A_1404 = arith.index_cast %get3A_1402 : i32 to index
        %get3A_1405 = arith.index_cast %get3A_1403 : i32 to index
        %get3A_1406 = arith.index_cast %scan3A_1339 : i32 to index
        %get3A_1407 = arith.constant 16 : index
        %get3A_1408 = tpu.vector_load %arg6[%get3A_1404, %get3A_1405, %get3A_1406, %get3A_1407] {strides = array<i32>} : memref<2x8x128x32xf32, #tpu.memory_space<vmem>>, vector<16xf32>,
        %add3A_1409 = arith.addf %add3A_1393, %get3A_1408 : vector<16xf32>
        %get3A_1410 = arith.constant 1 : i32
        %get3A_1411 = arith.constant 4 : i32
        %get3A_1412 = arith.index_cast %get3A_1410 : i32 to index
        %get3A_1413 = arith.index_cast %get3A_1411 : i32 to index
        %get3A_1414 = arith.index_cast %scan3A_1339 : i32 to index
        %get3A_1415 = arith.constant 0 : index
        %get3A_1416 = tpu.vector_load %arg6[%get3A_1412, %get3A_1413, %get3A_1414, %get3A_1415] {strides = array<i32>} : memref<2x8x128x32xf32, #tpu.memory_space<vmem>>, vector<16xf32>,
        %add3A_1417 = arith.addf %add3A_1401, %get3A_1416 : vector<16xf32>
        %get3A_1418 = arith.constant 1 : i32
        %get3A_1419 = arith.constant 4 : i32
        %get3A_1420 = arith.index_cast %get3A_1418 : i32 to index
        %get3A_1421 = arith.index_cast %get3A_1419 : i32 to index
        %get3A_1422 = arith.index_cast %scan3A_1339 : i32 to index
        %get3A_1423 = arith.constant 16 : index
        %get3A_1424 = tpu.vector_load %arg6[%get3A_1420, %get3A_1421, %get3A_1422, %get3A_1423] {strides = array<i32>} : memref<2x8x128x32xf32, #tpu.memory_space<vmem>>, vector<16xf32>,
        %add3A_1425 = arith.addf %add3A_1409, %get3A_1424 : vector<16xf32>
        %get3A_1426 = arith.constant 1 : i32
        %get3A_1427 = arith.constant 5 : i32
        %get3A_1428 = arith.index_cast %get3A_1426 : i32 to index
        %get3A_1429 = arith.index_cast %get3A_1427 : i32 to index
        %get3A_1430 = arith.index_cast %scan3A_1339 : i32 to index
        %get3A_1431 = arith.constant 0 : index
        %get3A_1432 = tpu.vector_load %arg6[%get3A_1428, %get3A_1429, %get3A_1430, %get3A_1431] {strides = array<i32>} : memref<2x8x128x32xf32, #tpu.memory_space<vmem>>, vector<16xf32>,
        %add3A_1433 = arith.addf %add3A_1417, %get3A_1432 : vector<16xf32>
        %get3A_1434 = arith.constant 1 : i32
        %get3A_1435 = arith.constant 5 : i32
        %get3A_1436 = arith.index_cast %get3A_1434 : i32 to index
        %get3A_1437 = arith.index_cast %get3A_1435 : i32 to index
        %get3A_1438 = arith.index_cast %scan3A_1339 : i32 to index
        %get3A_1439 = arith.constant 16 : index
        %get3A_1440 = tpu.vector_load %arg6[%get3A_1436, %get3A_1437, %get3A_1438, %get3A_1439] {strides = array<i32>} : memref<2x8x128x32xf32, #tpu.memory_space<vmem>>, vector<16xf32>,
        %add3A_1441 = arith.addf %add3A_1425, %get3A_1440 : vector<16xf32>
        %get3A_1442 = arith.constant 1 : i32
        %get3A_1443 = arith.constant 6 : i32
        %get3A_1444 = arith.index_cast %get3A_1442 : i32 to index
        %get3A_1445 = arith.index_cast %get3A_1443 : i32 to index
        %get3A_1446 = arith.index_cast %scan3A_1339 : i32 to index
        %get3A_1447 = arith.constant 0 : index
        %get3A_1448 = tpu.vector_load %arg6[%get3A_1444, %get3A_1445, %get3A_1446, %get3A_1447] {strides = array<i32>} : memref<2x8x128x32xf32, #tpu.memory_space<vmem>>, vector<16xf32>,
        %add3A_1449 = arith.addf %add3A_1433, %get3A_1448 : vector<16xf32>
        %get3A_1450 = arith.constant 1 : i32
        %get3A_1451 = arith.constant 6 : i32
        %get3A_1452 = arith.index_cast %get3A_1450 : i32 to index
        %get3A_1453 = arith.index_cast %get3A_1451 : i32 to index
        %get3A_1454 = arith.index_cast %scan3A_1339 : i32 to index
        %get3A_1455 = arith.constant 16 : index
        %get3A_1456 = tpu.vector_load %arg6[%get3A_1452, %get3A_1453, %get3A_1454, %get3A_1455] {strides = array<i32>} : memref<2x8x128x32xf32, #tpu.memory_space<vmem>>, vector<16xf32>,
        %add3A_1457 = arith.addf %add3A_1441, %get3A_1456 : vector<16xf32>
        %get3A_1458 = arith.constant 1 : i32
        %get3A_1459 = arith.constant 7 : i32
        %get3A_1460 = arith.index_cast %get3A_1458 : i32 to index
        %get3A_1461 = arith.index_cast %get3A_1459 : i32 to index
        %get3A_1462 = arith.index_cast %scan3A_1339 : i32 to index
        %get3A_1463 = arith.constant 0 : index
        %get3A_1464 = tpu.vector_load %arg6[%get3A_1460, %get3A_1461, %get3A_1462, %get3A_1463] {strides = array<i32>} : memref<2x8x128x32xf32, #tpu.memory_space<vmem>>, vector<16xf32>,
        %add3A_1465 = arith.addf %add3A_1449, %get3A_1464 : vector<16xf32>
        %get3A_1466 = arith.constant 1 : i32
        %get3A_1467 = arith.constant 7 : i32
        %get3A_1468 = arith.index_cast %get3A_1466 : i32 to index
        %get3A_1469 = arith.index_cast %get3A_1467 : i32 to index
        %get3A_1470 = arith.index_cast %scan3A_1339 : i32 to index
        %get3A_1471 = arith.constant 16 : index
        %get3A_1472 = tpu.vector_load %arg6[%get3A_1468, %get3A_1469, %get3A_1470, %get3A_1471] {strides = array<i32>} : memref<2x8x128x32xf32, #tpu.memory_space<vmem>>, vector<16xf32>,
        %add3A_1473 = arith.addf %add3A_1457, %get3A_1472 : vector<16xf32>
        %swap3A_1474 = arith.index_cast %scan3A_1339 : i32 to index
        %swap3A_1475 = arith.constant 0 : index
        %swap3A_1476 = tpu.vector_load %arg7[%swap3A_1474, %swap3A_1475] {strides = array<i32>} : memref<128x32xf32, #tpu.memory_space<vmem>>, vector<16xf32>,
        tpu.vector_store %arg7[%swap3A_1474, %swap3A_1475], %add3A_1465 {strides = array<i32>} : memref<128x32xf32, #tpu.memory_space<vmem>>, vector<16xf32>,
        %swap3A_1477 = arith.index_cast %scan3A_1339 : i32 to index
        %swap3A_1478 = arith.constant 16 : index
        %swap3A_1479 = tpu.vector_load %arg7[%swap3A_1477, %swap3A_1478] {strides = array<i32>} : memref<128x32xf32, #tpu.memory_space<vmem>>, vector<16xf32>,
        tpu.vector_store %arg7[%swap3A_1477, %swap3A_1478], %add3A_1473 {strides = array<i32>} : memref<128x32xf32, #tpu.memory_space<vmem>>, vector<16xf32>,
        %scan3A_1480 = arith.constant 0 : i32
        scf.yield %scan3A_1480 : i32
      }
      %scan3A_924 = arith.constant 128 : i32
      %mul3A_925 = arith.constant 2 : i32
      %mul3A_926 = arith.muli %mul3A_925, %scan3A_652 : i32
      %add3A_927 = arith.constant 3 : i32
      %add3A_928 = arith.addi %mul3A_926, %add3A_927 : i32
      %mul3A_929 = arith.constant 8 : i32
      %mul3A_930 = arith.muli %add3A_928, %mul3A_929 : i32
      %add3A_931 = arith.constant 0 : i32
      %add3A_932 = arith.addi %mul3A_930, %add3A_931 : i32
      %dma_start3A_933 = arith.constant 1 : i32
      %dma_start3A_934 = arith.constant 0 : i32
      %dma_start3A_935 = arith.constant 0 : i32
      %dma_start3A_936 = arith.constant 0 : i32
      %dma_start3A_937 = tpu.memref_slice %arg6[%dma_start3A_933, %dma_start3A_934, %dma_start3A_935, %dma_start3A_936] : memref<2x8x128x32xf32, #tpu.memory_space<vmem>> -> memref<1x1x128x32xf32, #tpu.memory_space<vmem>>
      %dma_start3A_938 = tpu.memref_squeeze %dma_start3A_937 : memref<1x1x128x32xf32, #tpu.memory_space<vmem>> -> memref<128x32xf32, #tpu.memory_space<vmem>>
      %dma_start3A_939 = arith.constant 0 : i32
      %dma_start3A_940 = tpu.memref_slice %arg5[%add3A_932, %dma_start3A_939] : memref<200x128xi32, #tpu.memory_space<vmem>> -> memref<1x128xi32, #tpu.memory_space<vmem>>
      %dma_start3A_941 = tpu.memref_squeeze %dma_start3A_940 : memref<1x128xi32, #tpu.memory_space<vmem>> -> memref<128xi32, #tpu.memory_space<vmem>>
      %dma_start3A_942 = arith.constant 0 : i32
      %dma_start3A_943 = arith.constant 0 : i32
      %dma_start3A_944 = tpu.memref_slice %arg3[%dma_start3A_942, %dma_start3A_943] : memref<400000x32xf32, #tpu.memory_space<hbm>> -> memref<400000x32xf32, #tpu.memory_space<hbm>>
      tpu.enqueue_indirect_dma source(%dma_start3A_944 : memref<400000x32xf32, #tpu.memory_space<hbm>>) target(%dma_start3A_938 : memref<128x32xf32, #tpu.memory_space<vmem>>) offsets(%dma_start3A_941 : memref<128xi32, #tpu.memory_space<vmem>>) semaphore(%arg9 : memref<!tpu.dma_semaphore, #tpu.memory_space<semaphore_mem>>)
      %mul3A_945 = arith.constant 8 : i32
      %mul3A_946 = arith.muli %add3A_928, %mul3A_945 : i32
      %add3A_947 = arith.constant 1 : i32
      %add3A_948 = arith.addi %mul3A_946, %add3A_947 : i32
      %dma_start3A_949 = arith.constant 1 : i32
      %dma_start3A_950 = arith.constant 1 : i32
      %dma_start3A_951 = arith.constant 0 : i32
      %dma_start3A_952 = arith.constant 0 : i32
      %dma_start3A_953 = tpu.memref_slice %arg6[%dma_start3A_949, %dma_start3A_950, %dma_start3A_951, %dma_start3A_952] : memref<2x8x128x32xf32, #tpu.memory_space<vmem>> -> memref<1x1x128x32xf32, #tpu.memory_space<vmem>>
      %dma_start3A_954 = tpu.memref_squeeze %dma_start3A_953 : memref<1x1x128x32xf32, #tpu.memory_space<vmem>> -> memref<128x32xf32, #tpu.memory_space<vmem>>
      %dma_start3A_955 = arith.constant 0 : i32
      %dma_start3A_956 = tpu.memref_slice %arg5[%add3A_948, %dma_start3A_955] : memref<200x128xi32, #tpu.memory_space<vmem>> -> memref<1x128xi32, #tpu.memory_space<vmem>>
      %dma_start3A_957 = tpu.memref_squeeze %dma_start3A_956 : memref<1x128xi32, #tpu.memory_space<vmem>> -> memref<128xi32, #tpu.memory_space<vmem>>
      %dma_start3A_958 = arith.constant 0 : i32
      %dma_start3A_959 = arith.constant 0 : i32
      %dma_start3A_960 = tpu.memref_slice %arg3[%dma_start3A_958, %dma_start3A_959] : memref<400000x32xf32, #tpu.memory_space<hbm>> -> memref<400000x32xf32, #tpu.memory_space<hbm>>
      tpu.enqueue_indirect_dma source(%dma_start3A_960 : memref<400000x32xf32, #tpu.memory_space<hbm>>) target(%dma_start3A_954 : memref<128x32xf32, #tpu.memory_space<vmem>>) offsets(%dma_start3A_957 : memref<128xi32, #tpu.memory_space<vmem>>) semaphore(%arg9 : memref<!tpu.dma_semaphore, #tpu.memory_space<semaphore_mem>>)
      %mul3A_961 = arith.constant 8 : i32
      %mul3A_962 = arith.muli %add3A_928, %mul3A_961 : i32
      %add3A_963 = arith.constant 2 : i32
      %add3A_964 = arith.addi %mul3A_962, %add3A_963 : i32
      %dma_start3A_965 = arith.constant 1 : i32
      %dma_start3A_966 = arith.constant 2 : i32
      %dma_start3A_967 = arith.constant 0 : i32
      %dma_start3A_968 = arith.constant 0 : i32
      %dma_start3A_969 = tpu.memref_slice %arg6[%dma_start3A_965, %dma_start3A_966, %dma_start3A_967, %dma_start3A_968] : memref<2x8x128x32xf32, #tpu.memory_space<vmem>> -> memref<1x1x128x32xf32, #tpu.memory_space<vmem>>
      %dma_start3A_970 = tpu.memref_squeeze %dma_start3A_969 : memref<1x1x128x32xf32, #tpu.memory_space<vmem>> -> memref<128x32xf32, #tpu.memory_space<vmem>>
      %dma_start3A_971 = arith.constant 0 : i32
      %dma_start3A_972 = tpu.memref_slice %arg5[%add3A_964, %dma_start3A_971] : memref<200x128xi32, #tpu.memory_space<vmem>> -> memref<1x128xi32, #tpu.memory_space<vmem>>
      %dma_start3A_973 = tpu.memref_squeeze %dma_start3A_972 : memref<1x128xi32, #tpu.memory_space<vmem>> -> memref<128xi32, #tpu.memory_space<vmem>>
      %dma_start3A_974 = arith.constant 0 : i32
      %dma_start3A_975 = arith.constant 0 : i32
      %dma_start3A_976 = tpu.memref_slice %arg3[%dma_start3A_974, %dma_start3A_975] : memref<400000x32xf32, #tpu.memory_space<hbm>> -> memref<400000x32xf32, #tpu.memory_space<hbm>>
      tpu.enqueue_indirect_dma source(%dma_start3A_976 : memref<400000x32xf32, #tpu.memory_space<hbm>>) target(%dma_start3A_970 : memref<128x32xf32, #tpu.memory_space<vmem>>) offsets(%dma_start3A_973 : memref<128xi32, #tpu.memory_space<vmem>>) semaphore(%arg9 : memref<!tpu.dma_semaphore, #tpu.memory_space<semaphore_mem>>)
      %mul3A_977 = arith.constant 8 : i32
      %mul3A_978 = arith.muli %add3A_928, %mul3A_977 : i32
      %add3A_979 = arith.constant 3 : i32
      %add3A_980 = arith.addi %mul3A_978, %add3A_979 : i32
      %dma_start3A_981 = arith.constant 1 : i32
      %dma_start3A_982 = arith.constant 3 : i32
      %dma_start3A_983 = arith.constant 0 : i32
      %dma_start3A_984 = arith.constant 0 : i32
      %dma_start3A_985 = tpu.memref_slice %arg6[%dma_start3A_981, %dma_start3A_982, %dma_start3A_983, %dma_start3A_984] : memref<2x8x128x32xf32, #tpu.memory_space<vmem>> -> memref<1x1x128x32xf32, #tpu.memory_space<vmem>>
      %dma_start3A_986 = tpu.memref_squeeze %dma_start3A_985 : memref<1x1x128x32xf32, #tpu.memory_space<vmem>> -> memref<128x32xf32, #tpu.memory_space<vmem>>
      %dma_start3A_987 = arith.constant 0 : i32
      %dma_start3A_988 = tpu.memref_slice %arg5[%add3A_980, %dma_start3A_987] : memref<200x128xi32, #tpu.memory_space<vmem>> -> memref<1x128xi32, #tpu.memory_space<vmem>>
      %dma_start3A_989 = tpu.memref_squeeze %dma_start3A_988 : memref<1x128xi32, #tpu.memory_space<vmem>> -> memref<128xi32, #tpu.memory_space<vmem>>
      %dma_start3A_990 = arith.constant 0 : i32
      %dma_start3A_991 = arith.constant 0 : i32
      %dma_start3A_992 = tpu.memref_slice %arg3[%dma_start3A_990, %dma_start3A_991] : memref<400000x32xf32, #tpu.memory_space<hbm>> -> memref<400000x32xf32, #tpu.memory_space<hbm>>
      tpu.enqueue_indirect_dma source(%dma_start3A_992 : memref<400000x32xf32, #tpu.memory_space<hbm>>) target(%dma_start3A_986 : memref<128x32xf32, #tpu.memory_space<vmem>>) offsets(%dma_start3A_989 : memref<128xi32, #tpu.memory_space<vmem>>) semaphore(%arg9 : memref<!tpu.dma_semaphore, #tpu.memory_space<semaphore_mem>>)
      %mul3A_993 = arith.constant 8 : i32
      %mul3A_994 = arith.muli %add3A_928, %mul3A_993 : i32
      %add3A_995 = arith.constant 4 : i32
      %add3A_996 = arith.addi %mul3A_994, %add3A_995 : i32
      %dma_start3A_997 = arith.constant 1 : i32
      %dma_start3A_998 = arith.constant 4 : i32
      %dma_start3A_999 = arith.constant 0 : i32
      %dma_start3A_1000 = arith.constant 0 : i32
      %dma_start3A_1001 = tpu.memref_slice %arg6[%dma_start3A_997, %dma_start3A_998, %dma_start3A_999, %dma_start3A_1000] : memref<2x8x128x32xf32, #tpu.memory_space<vmem>> -> memref<1x1x128x32xf32, #tpu.memory_space<vmem>>
      %dma_start3A_1002 = tpu.memref_squeeze %dma_start3A_1001 : memref<1x1x128x32xf32, #tpu.memory_space<vmem>> -> memref<128x32xf32, #tpu.memory_space<vmem>>
      %dma_start3A_1003 = arith.constant 0 : i32
      %dma_start3A_1004 = tpu.memref_slice %arg5[%add3A_996, %dma_start3A_1003] : memref<200x128xi32, #tpu.memory_space<vmem>> -> memref<1x128xi32, #tpu.memory_space<vmem>>
      %dma_start3A_1005 = tpu.memref_squeeze %dma_start3A_1004 : memref<1x128xi32, #tpu.memory_space<vmem>> -> memref<128xi32, #tpu.memory_space<vmem>>
      %dma_start3A_1006 = arith.constant 0 : i32
      %dma_start3A_1007 = arith.constant 0 : i32
      %dma_start3A_1008 = tpu.memref_slice %arg3[%dma_start3A_1006, %dma_start3A_1007] : memref<400000x32xf32, #tpu.memory_space<hbm>> -> memref<400000x32xf32, #tpu.memory_space<hbm>>
      tpu.enqueue_indirect_dma source(%dma_start3A_1008 : memref<400000x32xf32, #tpu.memory_space<hbm>>) target(%dma_start3A_1002 : memref<128x32xf32, #tpu.memory_space<vmem>>) offsets(%dma_start3A_1005 : memref<128xi32, #tpu.memory_space<vmem>>) semaphore(%arg9 : memref<!tpu.dma_semaphore, #tpu.memory_space<semaphore_mem>>)
      %mul3A_1009 = arith.constant 8 : i32
      %mul3A_1010 = arith.muli %add3A_928, %mul3A_1009 : i32
      %add3A_1011 = arith.constant 5 : i32
      %add3A_1012 = arith.addi %mul3A_1010, %add3A_1011 : i32
      %dma_start3A_1013 = arith.constant 1 : i32
      %dma_start3A_1014 = arith.constant 5 : i32
      %dma_start3A_1015 = arith.constant 0 : i32
      %dma_start3A_1016 = arith.constant 0 : i32
      %dma_start3A_1017 = tpu.memref_slice %arg6[%dma_start3A_1013, %dma_start3A_1014, %dma_start3A_1015, %dma_start3A_1016] : memref<2x8x128x32xf32, #tpu.memory_space<vmem>> -> memref<1x1x128x32xf32, #tpu.memory_space<vmem>>
      %dma_start3A_1018 = tpu.memref_squeeze %dma_start3A_1017 : memref<1x1x128x32xf32, #tpu.memory_space<vmem>> -> memref<128x32xf32, #tpu.memory_space<vmem>>
      %dma_start3A_1019 = arith.constant 0 : i32
      %dma_start3A_1020 = tpu.memref_slice %arg5[%add3A_1012, %dma_start3A_1019] : memref<200x128xi32, #tpu.memory_space<vmem>> -> memref<1x128xi32, #tpu.memory_space<vmem>>
      %dma_start3A_1021 = tpu.memref_squeeze %dma_start3A_1020 : memref<1x128xi32, #tpu.memory_space<vmem>> -> memref<128xi32, #tpu.memory_space<vmem>>
      %dma_start3A_1022 = arith.constant 0 : i32
      %dma_start3A_1023 = arith.constant 0 : i32
      %dma_start3A_1024 = tpu.memref_slice %arg3[%dma_start3A_1022, %dma_start3A_1023] : memref<400000x32xf32, #tpu.memory_space<hbm>> -> memref<400000x32xf32, #tpu.memory_space<hbm>>
      tpu.enqueue_indirect_dma source(%dma_start3A_1024 : memref<400000x32xf32, #tpu.memory_space<hbm>>) target(%dma_start3A_1018 : memref<128x32xf32, #tpu.memory_space<vmem>>) offsets(%dma_start3A_1021 : memref<128xi32, #tpu.memory_space<vmem>>) semaphore(%arg9 : memref<!tpu.dma_semaphore, #tpu.memory_space<semaphore_mem>>)
      %mul3A_1025 = arith.constant 8 : i32
      %mul3A_1026 = arith.muli %add3A_928, %mul3A_1025 : i32
      %add3A_1027 = arith.constant 6 : i32
      %add3A_1028 = arith.addi %mul3A_1026, %add3A_1027 : i32
      %dma_start3A_1029 = arith.constant 1 : i32
      %dma_start3A_1030 = arith.constant 6 : i32
      %dma_start3A_1031 = arith.constant 0 : i32
      %dma_start3A_1032 = arith.constant 0 : i32
      %dma_start3A_1033 = tpu.memref_slice %arg6[%dma_start3A_1029, %dma_start3A_1030, %dma_start3A_1031, %dma_start3A_1032] : memref<2x8x128x32xf32, #tpu.memory_space<vmem>> -> memref<1x1x128x32xf32, #tpu.memory_space<vmem>>
      %dma_start3A_1034 = tpu.memref_squeeze %dma_start3A_1033 : memref<1x1x128x32xf32, #tpu.memory_space<vmem>> -> memref<128x32xf32, #tpu.memory_space<vmem>>
      %dma_start3A_1035 = arith.constant 0 : i32
      %dma_start3A_1036 = tpu.memref_slice %arg5[%add3A_1028, %dma_start3A_1035] : memref<200x128xi32, #tpu.memory_space<vmem>> -> memref<1x128xi32, #tpu.memory_space<vmem>>
      %dma_start3A_1037 = tpu.memref_squeeze %dma_start3A_1036 : memref<1x128xi32, #tpu.memory_space<vmem>> -> memref<128xi32, #tpu.memory_space<vmem>>
      %dma_start3A_1038 = arith.constant 0 : i32
      %dma_start3A_1039 = arith.constant 0 : i32
      %dma_start3A_1040 = tpu.memref_slice %arg3[%dma_start3A_1038, %dma_start3A_1039] : memref<400000x32xf32, #tpu.memory_space<hbm>> -> memref<400000x32xf32, #tpu.memory_space<hbm>>
      tpu.enqueue_indirect_dma source(%dma_start3A_1040 : memref<400000x32xf32, #tpu.memory_space<hbm>>) target(%dma_start3A_1034 : memref<128x32xf32, #tpu.memory_space<vmem>>) offsets(%dma_start3A_1037 : memref<128xi32, #tpu.memory_space<vmem>>) semaphore(%arg9 : memref<!tpu.dma_semaphore, #tpu.memory_space<semaphore_mem>>)
      %mul3A_1041 = arith.constant 8 : i32
      %mul3A_1042 = arith.muli %add3A_928, %mul3A_1041 : i32
      %add3A_1043 = arith.constant 7 : i32
      %add3A_1044 = arith.addi %mul3A_1042, %add3A_1043 : i32
      %dma_start3A_1045 = arith.constant 1 : i32
      %dma_start3A_1046 = arith.constant 7 : i32
      %dma_start3A_1047 = arith.constant 0 : i32
      %dma_start3A_1048 = arith.constant 0 : i32
      %dma_start3A_1049 = tpu.memref_slice %arg6[%dma_start3A_1045, %dma_start3A_1046, %dma_start3A_1047, %dma_start3A_1048] : memref<2x8x128x32xf32, #tpu.memory_space<vmem>> -> memref<1x1x128x32xf32, #tpu.memory_space<vmem>>
      %dma_start3A_1050 = tpu.memref_squeeze %dma_start3A_1049 : memref<1x1x128x32xf32, #tpu.memory_space<vmem>> -> memref<128x32xf32, #tpu.memory_space<vmem>>
      %dma_start3A_1051 = arith.constant 0 : i32
      %dma_start3A_1052 = tpu.memref_slice %arg5[%add3A_1044, %dma_start3A_1051] : memref<200x128xi32, #tpu.memory_space<vmem>> -> memref<1x128xi32, #tpu.memory_space<vmem>>
      %dma_start3A_1053 = tpu.memref_squeeze %dma_start3A_1052 : memref<1x128xi32, #tpu.memory_space<vmem>> -> memref<128xi32, #tpu.memory_space<vmem>>
      %dma_start3A_1054 = arith.constant 0 : i32
      %dma_start3A_1055 = arith.constant 0 : i32
      %dma_start3A_1056 = tpu.memref_slice %arg3[%dma_start3A_1054, %dma_start3A_1055] : memref<400000x32xf32, #tpu.memory_space<hbm>> -> memref<400000x32xf32, #tpu.memory_space<hbm>>
      tpu.enqueue_indirect_dma source(%dma_start3A_1056 : memref<400000x32xf32, #tpu.memory_space<hbm>>) target(%dma_start3A_1050 : memref<128x32xf32, #tpu.memory_space<vmem>>) offsets(%dma_start3A_1053 : memref<128xi32, #tpu.memory_space<vmem>>) semaphore(%arg9 : memref<!tpu.dma_semaphore, #tpu.memory_space<semaphore_mem>>)
      %mul3A_1057 = arith.constant 2 : i32
      %mul3A_1058 = arith.muli %mul3A_1057, %scan3A_652 : i32
      %add3A_1059 = arith.constant 2 : i32
      %add3A_1060 = arith.addi %mul3A_1058, %add3A_1059 : i32
      %mul3A_1061 = arith.constant 8 : i32
      %mul3A_1062 = arith.muli %add3A_1060, %mul3A_1061 : i32
      %add3A_1063 = arith.constant 0 : i32
      %add3A_1064 = arith.addi %mul3A_1062, %add3A_1063 : i32
      %dma_wait3A_1065 = arith.constant 0 : i32
      %dma_wait3A_1066 = arith.constant 0 : i32
      %dma_wait3A_1067 = arith.constant 0 : i32
      %dma_wait3A_1068 = arith.constant 0 : i32
      %dma_wait3A_1069 = tpu.memref_slice %arg6[%dma_wait3A_1065, %dma_wait3A_1066, %dma_wait3A_1067, %dma_wait3A_1068] : memref<2x8x128x32xf32, #tpu.memory_space<vmem>> -> memref<1x1x128x32xf32, #tpu.memory_space<vmem>>
      %dma_wait3A_1070 = tpu.memref_squeeze %dma_wait3A_1069 : memref<1x1x128x32xf32, #tpu.memory_space<vmem>> -> memref<128x32xf32, #tpu.memory_space<vmem>>
      %dma_wait3A_1071 = arith.constant 0 : i32
      %dma_wait3A_1072 = tpu.memref_slice %arg5[%add3A_1064, %dma_wait3A_1071] : memref<200x128xi32, #tpu.memory_space<vmem>> -> memref<1x128xi32, #tpu.memory_space<vmem>>
      %dma_wait3A_1073 = tpu.memref_squeeze %dma_wait3A_1072 : memref<1x128xi32, #tpu.memory_space<vmem>> -> memref<128xi32, #tpu.memory_space<vmem>>
      %dma_wait3A_1074 = arith.constant 0 : i32
      %dma_wait3A_1075 = arith.constant 0 : i32
      %dma_wait3A_1076 = tpu.memref_slice %arg3[%dma_wait3A_1074, %dma_wait3A_1075] : memref<400000x32xf32, #tpu.memory_space<hbm>> -> memref<400000x32xf32, #tpu.memory_space<hbm>>
      tpu.wait_indirect_dma semaphore(%arg8 : memref<!tpu.dma_semaphore, #tpu.memory_space<semaphore_mem>>) src(%dma_wait3A_1076 : memref<400000x32xf32, #tpu.memory_space<hbm>>) dst(%dma_wait3A_1070 : memref<128x32xf32, #tpu.memory_space<vmem>>)
      %mul3A_1077 = arith.constant 8 : i32
      %mul3A_1078 = arith.muli %add3A_1060, %mul3A_1077 : i32
      %add3A_1079 = arith.constant 1 : i32
      %add3A_1080 = arith.addi %mul3A_1078, %add3A_1079 : i32
      %dma_wait3A_1081 = arith.constant 0 : i32
      %dma_wait3A_1082 = arith.constant 1 : i32
      %dma_wait3A_1083 = arith.constant 0 : i32
      %dma_wait3A_1084 = arith.constant 0 : i32
      %dma_wait3A_1085 = tpu.memref_slice %arg6[%dma_wait3A_1081, %dma_wait3A_1082, %dma_wait3A_1083, %dma_wait3A_1084] : memref<2x8x128x32xf32, #tpu.memory_space<vmem>> -> memref<1x1x128x32xf32, #tpu.memory_space<vmem>>
      %dma_wait3A_1086 = tpu.memref_squeeze %dma_wait3A_1085 : memref<1x1x128x32xf32, #tpu.memory_space<vmem>> -> memref<128x32xf32, #tpu.memory_space<vmem>>
      %dma_wait3A_1087 = arith.constant 0 : i32
      %dma_wait3A_1088 = tpu.memref_slice %arg5[%add3A_1080, %dma_wait3A_1087] : memref<200x128xi32, #tpu.memory_space<vmem>> -> memref<1x128xi32, #tpu.memory_space<vmem>>
      %dma_wait3A_1089 = tpu.memref_squeeze %dma_wait3A_1088 : memref<1x128xi32, #tpu.memory_space<vmem>> -> memref<128xi32, #tpu.memory_space<vmem>>
      %dma_wait3A_1090 = arith.constant 0 : i32
      %dma_wait3A_1091 = arith.constant 0 : i32
      %dma_wait3A_1092 = tpu.memref_slice %arg3[%dma_wait3A_1090, %dma_wait3A_1091] : memref<400000x32xf32, #tpu.memory_space<hbm>> -> memref<400000x32xf32, #tpu.memory_space<hbm>>
      tpu.wait_indirect_dma semaphore(%arg8 : memref<!tpu.dma_semaphore, #tpu.memory_space<semaphore_mem>>) src(%dma_wait3A_1092 : memref<400000x32xf32, #tpu.memory_space<hbm>>) dst(%dma_wait3A_1086 : memref<128x32xf32, #tpu.memory_space<vmem>>)
      %mul3A_1093 = arith.constant 8 : i32
      %mul3A_1094 = arith.muli %add3A_1060, %mul3A_1093 : i32
      %add3A_1095 = arith.constant 2 : i32
      %add3A_1096 = arith.addi %mul3A_1094, %add3A_1095 : i32
      %dma_wait3A_1097 = arith.constant 0 : i32
      %dma_wait3A_1098 = arith.constant 2 : i32
      %dma_wait3A_1099 = arith.constant 0 : i32
      %dma_wait3A_1100 = arith.constant 0 : i32
      %dma_wait3A_1101 = tpu.memref_slice %arg6[%dma_wait3A_1097, %dma_wait3A_1098, %dma_wait3A_1099, %dma_wait3A_1100] : memref<2x8x128x32xf32, #tpu.memory_space<vmem>> -> memref<1x1x128x32xf32, #tpu.memory_space<vmem>>
      %dma_wait3A_1102 = tpu.memref_squeeze %dma_wait3A_1101 : memref<1x1x128x32xf32, #tpu.memory_space<vmem>> -> memref<128x32xf32, #tpu.memory_space<vmem>>
      %dma_wait3A_1103 = arith.constant 0 : i32
      %dma_wait3A_1104 = tpu.memref_slice %arg5[%add3A_1096, %dma_wait3A_1103] : memref<200x128xi32, #tpu.memory_space<vmem>> -> memref<1x128xi32, #tpu.memory_space<vmem>>
      %dma_wait3A_1105 = tpu.memref_squeeze %dma_wait3A_1104 : memref<1x128xi32, #tpu.memory_space<vmem>> -> memref<128xi32, #tpu.memory_space<vmem>>
      %dma_wait3A_1106 = arith.constant 0 : i32
      %dma_wait3A_1107 = arith.constant 0 : i32
      %dma_wait3A_1108 = tpu.memref_slice %arg3[%dma_wait3A_1106, %dma_wait3A_1107] : memref<400000x32xf32, #tpu.memory_space<hbm>> -> memref<400000x32xf32, #tpu.memory_space<hbm>>
      tpu.wait_indirect_dma semaphore(%arg8 : memref<!tpu.dma_semaphore, #tpu.memory_space<semaphore_mem>>) src(%dma_wait3A_1108 : memref<400000x32xf32, #tpu.memory_space<hbm>>) dst(%dma_wait3A_1102 : memref<128x32xf32, #tpu.memory_space<vmem>>)
      %mul3A_1109 = arith.constant 8 : i32
      %mul3A_1110 = arith.muli %add3A_1060, %mul3A_1109 : i32
      %add3A_1111 = arith.constant 3 : i32
      %add3A_1112 = arith.addi %mul3A_1110, %add3A_1111 : i32
      %dma_wait3A_1113 = arith.constant 0 : i32
      %dma_wait3A_1114 = arith.constant 3 : i32
      %dma_wait3A_1115 = arith.constant 0 : i32
      %dma_wait3A_1116 = arith.constant 0 : i32
      %dma_wait3A_1117 = tpu.memref_slice %arg6[%dma_wait3A_1113, %dma_wait3A_1114, %dma_wait3A_1115, %dma_wait3A_1116] : memref<2x8x128x32xf32, #tpu.memory_space<vmem>> -> memref<1x1x128x32xf32, #tpu.memory_space<vmem>>
      %dma_wait3A_1118 = tpu.memref_squeeze %dma_wait3A_1117 : memref<1x1x128x32xf32, #tpu.memory_space<vmem>> -> memref<128x32xf32, #tpu.memory_space<vmem>>
      %dma_wait3A_1119 = arith.constant 0 : i32
      %dma_wait3A_1120 = tpu.memref_slice %arg5[%add3A_1112, %dma_wait3A_1119] : memref<200x128xi32, #tpu.memory_space<vmem>> -> memref<1x128xi32, #tpu.memory_space<vmem>>
      %dma_wait3A_1121 = tpu.memref_squeeze %dma_wait3A_1120 : memref<1x128xi32, #tpu.memory_space<vmem>> -> memref<128xi32, #tpu.memory_space<vmem>>
      %dma_wait3A_1122 = arith.constant 0 : i32
      %dma_wait3A_1123 = arith.constant 0 : i32
      %dma_wait3A_1124 = tpu.memref_slice %arg3[%dma_wait3A_1122, %dma_wait3A_1123] : memref<400000x32xf32, #tpu.memory_space<hbm>> -> memref<400000x32xf32, #tpu.memory_space<hbm>>
      tpu.wait_indirect_dma semaphore(%arg8 : memref<!tpu.dma_semaphore, #tpu.memory_space<semaphore_mem>>) src(%dma_wait3A_1124 : memref<400000x32xf32, #tpu.memory_space<hbm>>) dst(%dma_wait3A_1118 : memref<128x32xf32, #tpu.memory_space<vmem>>)
      %mul3A_1125 = arith.constant 8 : i32
      %mul3A_1126 = arith.muli %add3A_1060, %mul3A_1125 : i32
      %add3A_1127 = arith.constant 4 : i32
      %add3A_1128 = arith.addi %mul3A_1126, %add3A_1127 : i32
      %dma_wait3A_1129 = arith.constant 0 : i32
      %dma_wait3A_1130 = arith.constant 4 : i32
      %dma_wait3A_1131 = arith.constant 0 : i32
      %dma_wait3A_1132 = arith.constant 0 : i32
      %dma_wait3A_1133 = tpu.memref_slice %arg6[%dma_wait3A_1129, %dma_wait3A_1130, %dma_wait3A_1131, %dma_wait3A_1132] : memref<2x8x128x32xf32, #tpu.memory_space<vmem>> -> memref<1x1x128x32xf32, #tpu.memory_space<vmem>>
      %dma_wait3A_1134 = tpu.memref_squeeze %dma_wait3A_1133 : memref<1x1x128x32xf32, #tpu.memory_space<vmem>> -> memref<128x32xf32, #tpu.memory_space<vmem>>
      %dma_wait3A_1135 = arith.constant 0 : i32
      %dma_wait3A_1136 = tpu.memref_slice %arg5[%add3A_1128, %dma_wait3A_1135] : memref<200x128xi32, #tpu.memory_space<vmem>> -> memref<1x128xi32, #tpu.memory_space<vmem>>
      %dma_wait3A_1137 = tpu.memref_squeeze %dma_wait3A_1136 : memref<1x128xi32, #tpu.memory_space<vmem>> -> memref<128xi32, #tpu.memory_space<vmem>>
      %dma_wait3A_1138 = arith.constant 0 : i32
      %dma_wait3A_1139 = arith.constant 0 : i32
      %dma_wait3A_1140 = tpu.memref_slice %arg3[%dma_wait3A_1138, %dma_wait3A_1139] : memref<400000x32xf32, #tpu.memory_space<hbm>> -> memref<400000x32xf32, #tpu.memory_space<hbm>>
      tpu.wait_indirect_dma semaphore(%arg8 : memref<!tpu.dma_semaphore, #tpu.memory_space<semaphore_mem>>) src(%dma_wait3A_1140 : memref<400000x32xf32, #tpu.memory_space<hbm>>) dst(%dma_wait3A_1134 : memref<128x32xf32, #tpu.memory_space<vmem>>)
      %mul3A_1141 = arith.constant 8 : i32
      %mul3A_1142 = arith.muli %add3A_1060, %mul3A_1141 : i32
      %add3A_1143 = arith.constant 5 : i32
      %add3A_1144 = arith.addi %mul3A_1142, %add3A_1143 : i32
      %dma_wait3A_1145 = arith.constant 0 : i32
      %dma_wait3A_1146 = arith.constant 5 : i32
      %dma_wait3A_1147 = arith.constant 0 : i32
      %dma_wait3A_1148 = arith.constant 0 : i32
      %dma_wait3A_1149 = tpu.memref_slice %arg6[%dma_wait3A_1145, %dma_wait3A_1146, %dma_wait3A_1147, %dma_wait3A_1148] : memref<2x8x128x32xf32, #tpu.memory_space<vmem>> -> memref<1x1x128x32xf32, #tpu.memory_space<vmem>>
      %dma_wait3A_1150 = tpu.memref_squeeze %dma_wait3A_1149 : memref<1x1x128x32xf32, #tpu.memory_space<vmem>> -> memref<128x32xf32, #tpu.memory_space<vmem>>
      %dma_wait3A_1151 = arith.constant 0 : i32
      %dma_wait3A_1152 = tpu.memref_slice %arg5[%add3A_1144, %dma_wait3A_1151] : memref<200x128xi32, #tpu.memory_space<vmem>> -> memref<1x128xi32, #tpu.memory_space<vmem>>
      %dma_wait3A_1153 = tpu.memref_squeeze %dma_wait3A_1152 : memref<1x128xi32, #tpu.memory_space<vmem>> -> memref<128xi32, #tpu.memory_space<vmem>>
      %dma_wait3A_1154 = arith.constant 0 : i32
      %dma_wait3A_1155 = arith.constant 0 : i32
      %dma_wait3A_1156 = tpu.memref_slice %arg3[%dma_wait3A_1154, %dma_wait3A_1155] : memref<400000x32xf32, #tpu.memory_space<hbm>> -> memref<400000x32xf32, #tpu.memory_space<hbm>>
      tpu.wait_indirect_dma semaphore(%arg8 : memref<!tpu.dma_semaphore, #tpu.memory_space<semaphore_mem>>) src(%dma_wait3A_1156 : memref<400000x32xf32, #tpu.memory_space<hbm>>) dst(%dma_wait3A_1150 : memref<128x32xf32, #tpu.memory_space<vmem>>)
      %mul3A_1157 = arith.constant 8 : i32
      %mul3A_1158 = arith.muli %add3A_1060, %mul3A_1157 : i32
      %add3A_1159 = arith.constant 6 : i32
      %add3A_1160 = arith.addi %mul3A_1158, %add3A_1159 : i32
      %dma_wait3A_1161 = arith.constant 0 : i32
      %dma_wait3A_1162 = arith.constant 6 : i32
      %dma_wait3A_1163 = arith.constant 0 : i32
      %dma_wait3A_1164 = arith.constant 0 : i32
      %dma_wait3A_1165 = tpu.memref_slice %arg6[%dma_wait3A_1161, %dma_wait3A_1162, %dma_wait3A_1163, %dma_wait3A_1164] : memref<2x8x128x32xf32, #tpu.memory_space<vmem>> -> memref<1x1x128x32xf32, #tpu.memory_space<vmem>>
      %dma_wait3A_1166 = tpu.memref_squeeze %dma_wait3A_1165 : memref<1x1x128x32xf32, #tpu.memory_space<vmem>> -> memref<128x32xf32, #tpu.memory_space<vmem>>
      %dma_wait3A_1167 = arith.constant 0 : i32
      %dma_wait3A_1168 = tpu.memref_slice %arg5[%add3A_1160, %dma_wait3A_1167] : memref<200x128xi32, #tpu.memory_space<vmem>> -> memref<1x128xi32, #tpu.memory_space<vmem>>
      %dma_wait3A_1169 = tpu.memref_squeeze %dma_wait3A_1168 : memref<1x128xi32, #tpu.memory_space<vmem>> -> memref<128xi32, #tpu.memory_space<vmem>>
      %dma_wait3A_1170 = arith.constant 0 : i32
      %dma_wait3A_1171 = arith.constant 0 : i32
      %dma_wait3A_1172 = tpu.memref_slice %arg3[%dma_wait3A_1170, %dma_wait3A_1171] : memref<400000x32xf32, #tpu.memory_space<hbm>> -> memref<400000x32xf32, #tpu.memory_space<hbm>>
      tpu.wait_indirect_dma semaphore(%arg8 : memref<!tpu.dma_semaphore, #tpu.memory_space<semaphore_mem>>) src(%dma_wait3A_1172 : memref<400000x32xf32, #tpu.memory_space<hbm>>) dst(%dma_wait3A_1166 : memref<128x32xf32, #tpu.memory_space<vmem>>)
      %mul3A_1173 = arith.constant 8 : i32
      %mul3A_1174 = arith.muli %add3A_1060, %mul3A_1173 : i32
      %add3A_1175 = arith.constant 7 : i32
      %add3A_1176 = arith.addi %mul3A_1174, %add3A_1175 : i32
      %dma_wait3A_1177 = arith.constant 0 : i32
      %dma_wait3A_1178 = arith.constant 7 : i32
      %dma_wait3A_1179 = arith.constant 0 : i32
      %dma_wait3A_1180 = arith.constant 0 : i32
      %dma_wait3A_1181 = tpu.memref_slice %arg6[%dma_wait3A_1177, %dma_wait3A_1178, %dma_wait3A_1179, %dma_wait3A_1180] : memref<2x8x128x32xf32, #tpu.memory_space<vmem>> -> memref<1x1x128x32xf32, #tpu.memory_space<vmem>>
      %dma_wait3A_1182 = tpu.memref_squeeze %dma_wait3A_1181 : memref<1x1x128x32xf32, #tpu.memory_space<vmem>> -> memref<128x32xf32, #tpu.memory_space<vmem>>
      %dma_wait3A_1183 = arith.constant 0 : i32
      %dma_wait3A_1184 = tpu.memref_slice %arg5[%add3A_1176, %dma_wait3A_1183] : memref<200x128xi32, #tpu.memory_space<vmem>> -> memref<1x128xi32, #tpu.memory_space<vmem>>
      %dma_wait3A_1185 = tpu.memref_squeeze %dma_wait3A_1184 : memref<1x128xi32, #tpu.memory_space<vmem>> -> memref<128xi32, #tpu.memory_space<vmem>>
      %dma_wait3A_1186 = arith.constant 0 : i32
      %dma_wait3A_1187 = arith.constant 0 : i32
      %dma_wait3A_1188 = tpu.memref_slice %arg3[%dma_wait3A_1186, %dma_wait3A_1187] : memref<400000x32xf32, #tpu.memory_space<hbm>> -> memref<400000x32xf32, #tpu.memory_space<hbm>>
      tpu.wait_indirect_dma semaphore(%arg8 : memref<!tpu.dma_semaphore, #tpu.memory_space<semaphore_mem>>) src(%dma_wait3A_1188 : memref<400000x32xf32, #tpu.memory_space<hbm>>) dst(%dma_wait3A_1182 : memref<128x32xf32, #tpu.memory_space<vmem>>)
      %scan3A_1189 = arith.constant 0 : i32
      %scan3A_1190 = arith.constant 0 : i32
      %scan3A_1191 = arith.constant 128 : i32
      %scan3A_1192 = arith.addi %scan3A_1190, %scan3A_1191 : i32
      %scan3A_1193 = arith.constant 2 : i32
      %scan3A_1194 = scf.for %scan3A_1197 = %scan3A_1190 to %scan3A_1192 step %scan3A_1193 iter_args(%scan3A_1198 = %scan3A_1189) -> (i32)  : i32 {
        %get3A = arith.index_cast %scan3A_1197 : i32 to index
        %get3A_1199 = arith.constant 0 : index
        %get3A_1200 = tpu.vector_load %arg7[%get3A, %get3A_1199] {strides = array<i32>} : memref<128x32xf32, #tpu.memory_space<vmem>>, vector<16xf32>,
        %get3A_1201 = arith.index_cast %scan3A_1197 : i32 to index
        %get3A_1202 = arith.constant 16 : index
        %get3A_1203 = tpu.vector_load %arg7[%get3A_1201, %get3A_1202] {strides = array<i32>} : memref<128x32xf32, #tpu.memory_space<vmem>>, vector<16xf32>,
        %get3A_1204 = arith.constant 0 : i32
        %get3A_1205 = arith.constant 0 : i32
        %get3A_1206 = arith.index_cast %get3A_1204 : i32 to index
        %get3A_1207 = arith.index_cast %get3A_1205 : i32 to index
        %get3A_1208 = arith.index_cast %scan3A_1197 : i32 to index
        %get3A_1209 = arith.constant 0 : index
        %get3A_1210 = tpu.vector_load %arg6[%get3A_1206, %get3A_1207, %get3A_1208, %get3A_1209] {strides = array<i32>} : memref<2x8x128x32xf32, #tpu.memory_space<vmem>>, vector<16xf32>,
        %add3A_1211 = arith.addf %get3A_1200, %get3A_1210 : vector<16xf32>
        %get3A_1212 = arith.constant 0 : i32
        %get3A_1213 = arith.constant 0 : i32
        %get3A_1214 = arith.index_cast %get3A_1212 : i32 to index
        %get3A_1215 = arith.index_cast %get3A_1213 : i32 to index
        %get3A_1216 = arith.index_cast %scan3A_1197 : i32 to index
        %get3A_1217 = arith.constant 16 : index
        %get3A_1218 = tpu.vector_load %arg6[%get3A_1214, %get3A_1215, %get3A_1216, %get3A_1217] {strides = array<i32>} : memref<2x8x128x32xf32, #tpu.memory_space<vmem>>, vector<16xf32>,
        %add3A_1219 = arith.addf %get3A_1203, %get3A_1218 : vector<16xf32>
        %get3A_1220 = arith.constant 0 : i32
        %get3A_1221 = arith.constant 1 : i32
        %get3A_1222 = arith.index_cast %get3A_1220 : i32 to index
        %get3A_1223 = arith.index_cast %get3A_1221 : i32 to index
        %get3A_1224 = arith.index_cast %scan3A_1197 : i32 to index
        %get3A_1225 = arith.constant 0 : index
        %get3A_1226 = tpu.vector_load %arg6[%get3A_1222, %get3A_1223, %get3A_1224, %get3A_1225] {strides = array<i32>} : memref<2x8x128x32xf32, #tpu.memory_space<vmem>>, vector<16xf32>,
        %add3A_1227 = arith.addf %add3A_1211, %get3A_1226 : vector<16xf32>
        %get3A_1228 = arith.constant 0 : i32
        %get3A_1229 = arith.constant 1 : i32
        %get3A_1230 = arith.index_cast %get3A_1228 : i32 to index
        %get3A_1231 = arith.index_cast %get3A_1229 : i32 to index
        %get3A_1232 = arith.index_cast %scan3A_1197 : i32 to index
        %get3A_1233 = arith.constant 16 : index
        %get3A_1234 = tpu.vector_load %arg6[%get3A_1230, %get3A_1231, %get3A_1232, %get3A_1233] {strides = array<i32>} : memref<2x8x128x32xf32, #tpu.memory_space<vmem>>, vector<16xf32>,
        %add3A_1235 = arith.addf %add3A_1219, %get3A_1234 : vector<16xf32>
        %get3A_1236 = arith.constant 0 : i32
        %get3A_1237 = arith.constant 2 : i32
        %get3A_1238 = arith.index_cast %get3A_1236 : i32 to index
        %get3A_1239 = arith.index_cast %get3A_1237 : i32 to index
        %get3A_1240 = arith.index_cast %scan3A_1197 : i32 to index
        %get3A_1241 = arith.constant 0 : index
        %get3A_1242 = tpu.vector_load %arg6[%get3A_1238, %get3A_1239, %get3A_1240, %get3A_1241] {strides = array<i32>} : memref<2x8x128x32xf32, #tpu.memory_space<vmem>>, vector<16xf32>,
        %add3A_1243 = arith.addf %add3A_1227, %get3A_1242 : vector<16xf32>
        %get3A_1244 = arith.constant 0 : i32
        %get3A_1245 = arith.constant 2 : i32
        %get3A_1246 = arith.index_cast %get3A_1244 : i32 to index
        %get3A_1247 = arith.index_cast %get3A_1245 : i32 to index
        %get3A_1248 = arith.index_cast %scan3A_1197 : i32 to index
        %get3A_1249 = arith.constant 16 : index
        %get3A_1250 = tpu.vector_load %arg6[%get3A_1246, %get3A_1247, %get3A_1248, %get3A_1249] {strides = array<i32>} : memref<2x8x128x32xf32, #tpu.memory_space<vmem>>, vector<16xf32>,
        %add3A_1251 = arith.addf %add3A_1235, %get3A_1250 : vector<16xf32>
        %get3A_1252 = arith.constant 0 : i32
        %get3A_1253 = arith.constant 3 : i32
        %get3A_1254 = arith.index_cast %get3A_1252 : i32 to index
        %get3A_1255 = arith.index_cast %get3A_1253 : i32 to index
        %get3A_1256 = arith.index_cast %scan3A_1197 : i32 to index
        %get3A_1257 = arith.constant 0 : index
        %get3A_1258 = tpu.vector_load %arg6[%get3A_1254, %get3A_1255, %get3A_1256, %get3A_1257] {strides = array<i32>} : memref<2x8x128x32xf32, #tpu.memory_space<vmem>>, vector<16xf32>,
        %add3A_1259 = arith.addf %add3A_1243, %get3A_1258 : vector<16xf32>
        %get3A_1260 = arith.constant 0 : i32
        %get3A_1261 = arith.constant 3 : i32
        %get3A_1262 = arith.index_cast %get3A_1260 : i32 to index
        %get3A_1263 = arith.index_cast %get3A_1261 : i32 to index
        %get3A_1264 = arith.index_cast %scan3A_1197 : i32 to index
        %get3A_1265 = arith.constant 16 : index
        %get3A_1266 = tpu.vector_load %arg6[%get3A_1262, %get3A_1263, %get3A_1264, %get3A_1265] {strides = array<i32>} : memref<2x8x128x32xf32, #tpu.memory_space<vmem>>, vector<16xf32>,
        %add3A_1267 = arith.addf %add3A_1251, %get3A_1266 : vector<16xf32>
        %get3A_1268 = arith.constant 0 : i32
        %get3A_1269 = arith.constant 4 : i32
        %get3A_1270 = arith.index_cast %get3A_1268 : i32 to index
        %get3A_1271 = arith.index_cast %get3A_1269 : i32 to index
        %get3A_1272 = arith.index_cast %scan3A_1197 : i32 to index
        %get3A_1273 = arith.constant 0 : index
        %get3A_1274 = tpu.vector_load %arg6[%get3A_1270, %get3A_1271, %get3A_1272, %get3A_1273] {strides = array<i32>} : memref<2x8x128x32xf32, #tpu.memory_space<vmem>>, vector<16xf32>,
        %add3A_1275 = arith.addf %add3A_1259, %get3A_1274 : vector<16xf32>
        %get3A_1276 = arith.constant 0 : i32
        %get3A_1277 = arith.constant 4 : i32
        %get3A_1278 = arith.index_cast %get3A_1276 : i32 to index
        %get3A_1279 = arith.index_cast %get3A_1277 : i32 to index
        %get3A_1280 = arith.index_cast %scan3A_1197 : i32 to index
        %get3A_1281 = arith.constant 16 : index
        %get3A_1282 = tpu.vector_load %arg6[%get3A_1278, %get3A_1279, %get3A_1280, %get3A_1281] {strides = array<i32>} : memref<2x8x128x32xf32, #tpu.memory_space<vmem>>, vector<16xf32>,
        %add3A_1283 = arith.addf %add3A_1267, %get3A_1282 : vector<16xf32>
        %get3A_1284 = arith.constant 0 : i32
        %get3A_1285 = arith.constant 5 : i32
        %get3A_1286 = arith.index_cast %get3A_1284 : i32 to index
        %get3A_1287 = arith.index_cast %get3A_1285 : i32 to index
        %get3A_1288 = arith.index_cast %scan3A_1197 : i32 to index
        %get3A_1289 = arith.constant 0 : index
        %get3A_1290 = tpu.vector_load %arg6[%get3A_1286, %get3A_1287, %get3A_1288, %get3A_1289] {strides = array<i32>} : memref<2x8x128x32xf32, #tpu.memory_space<vmem>>, vector<16xf32>,
        %add3A_1291 = arith.addf %add3A_1275, %get3A_1290 : vector<16xf32>
        %get3A_1292 = arith.constant 0 : i32
        %get3A_1293 = arith.constant 5 : i32
        %get3A_1294 = arith.index_cast %get3A_1292 : i32 to index
        %get3A_1295 = arith.index_cast %get3A_1293 : i32 to index
        %get3A_1296 = arith.index_cast %scan3A_1197 : i32 to index
        %get3A_1297 = arith.constant 16 : index
        %get3A_1298 = tpu.vector_load %arg6[%get3A_1294, %get3A_1295, %get3A_1296, %get3A_1297] {strides = array<i32>} : memref<2x8x128x32xf32, #tpu.memory_space<vmem>>, vector<16xf32>,
        %add3A_1299 = arith.addf %add3A_1283, %get3A_1298 : vector<16xf32>
        %get3A_1300 = arith.constant 0 : i32
        %get3A_1301 = arith.constant 6 : i32
        %get3A_1302 = arith.index_cast %get3A_1300 : i32 to index
        %get3A_1303 = arith.index_cast %get3A_1301 : i32 to index
        %get3A_1304 = arith.index_cast %scan3A_1197 : i32 to index
        %get3A_1305 = arith.constant 0 : index
        %get3A_1306 = tpu.vector_load %arg6[%get3A_1302, %get3A_1303, %get3A_1304, %get3A_1305] {strides = array<i32>} : memref<2x8x128x32xf32, #tpu.memory_space<vmem>>, vector<16xf32>,
        %add3A_1307 = arith.addf %add3A_1291, %get3A_1306 : vector<16xf32>
        %get3A_1308 = arith.constant 0 : i32
        %get3A_1309 = arith.constant 6 : i32
        %get3A_1310 = arith.index_cast %get3A_1308 : i32 to index
        %get3A_1311 = arith.index_cast %get3A_1309 : i32 to index
        %get3A_1312 = arith.index_cast %scan3A_1197 : i32 to index
        %get3A_1313 = arith.constant 16 : index
        %get3A_1314 = tpu.vector_load %arg6[%get3A_1310, %get3A_1311, %get3A_1312, %get3A_1313] {strides = array<i32>} : memref<2x8x128x32xf32, #tpu.memory_space<vmem>>, vector<16xf32>,
        %add3A_1315 = arith.addf %add3A_1299, %get3A_1314 : vector<16xf32>
        %get3A_1316 = arith.constant 0 : i32
        %get3A_1317 = arith.constant 7 : i32
        %get3A_1318 = arith.index_cast %get3A_1316 : i32 to index
        %get3A_1319 = arith.index_cast %get3A_1317 : i32 to index
        %get3A_1320 = arith.index_cast %scan3A_1197 : i32 to index
        %get3A_1321 = arith.constant 0 : index
        %get3A_1322 = tpu.vector_load %arg6[%get3A_1318, %get3A_1319, %get3A_1320, %get3A_1321] {strides = array<i32>} : memref<2x8x128x32xf32, #tpu.memory_space<vmem>>, vector<16xf32>,
        %add3A_1323 = arith.addf %add3A_1307, %get3A_1322 : vector<16xf32>
        %get3A_1324 = arith.constant 0 : i32
        %get3A_1325 = arith.constant 7 : i32
        %get3A_1326 = arith.index_cast %get3A_1324 : i32 to index
        %get3A_1327 = arith.index_cast %get3A_1325 : i32 to index
        %get3A_1328 = arith.index_cast %scan3A_1197 : i32 to index
        %get3A_1329 = arith.constant 16 : index
        %get3A_1330 = tpu.vector_load %arg6[%get3A_1326, %get3A_1327, %get3A_1328, %get3A_1329] {strides = array<i32>} : memref<2x8x128x32xf32, #tpu.memory_space<vmem>>, vector<16xf32>,
        %add3A_1331 = arith.addf %add3A_1315, %get3A_1330 : vector<16xf32>
        %swap3A = arith.index_cast %scan3A_1197 : i32 to index
        %swap3A_1332 = arith.constant 0 : index
        %swap3A_1333 = tpu.vector_load %arg7[%swap3A, %swap3A_1332] {strides = array<i32>} : memref<128x32xf32, #tpu.memory_space<vmem>>, vector<16xf32>,
        tpu.vector_store %arg7[%swap3A, %swap3A_1332], %add3A_1323 {strides = array<i32>} : memref<128x32xf32, #tpu.memory_space<vmem>>, vector<16xf32>,
        %swap3A_1334 = arith.index_cast %scan3A_1197 : i32 to index
        %swap3A_1335 = arith.constant 16 : index
        %swap3A_1336 = tpu.vector_load %arg7[%swap3A_1334, %swap3A_1335] {strides = array<i32>} : memref<128x32xf32, #tpu.memory_space<vmem>>, vector<16xf32>,
        tpu.vector_store %arg7[%swap3A_1334, %swap3A_1335], %add3A_1331 {strides = array<i32>} : memref<128x32xf32, #tpu.memory_space<vmem>>, vector<16xf32>,
        %scan3A_1337 = arith.constant 0 : i32
        %scan3A_1338 = arith.constant 1 : i32
        %scan3A_1339 = arith.addi %scan3A_1197, %scan3A_1338 : i32
        %get3A_1340 = arith.index_cast %scan3A_1339 : i32 to index
        %get3A_1341 = arith.constant 0 : index
        %get3A_1342 = tpu.vector_load %arg7[%get3A_1340, %get3A_1341] {strides = array<i32>} : memref<128x32xf32, #tpu.memory_space<vmem>>, vector<16xf32>,
        %get3A_1343 = arith.index_cast %scan3A_1339 : i32 to index
        %get3A_1344 = arith.constant 16 : index
        %get3A_1345 = tpu.vector_load %arg7[%get3A_1343, %get3A_1344] {strides = array<i32>} : memref<128x32xf32, #tpu.memory_space<vmem>>, vector<16xf32>,
        %get3A_1346 = arith.constant 0 : i32
        %get3A_1347 = arith.constant 0 : i32
        %get3A_1348 = arith.index_cast %get3A_1346 : i32 to index
        %get3A_1349 = arith.index_cast %get3A_1347 : i32 to index
        %get3A_1350 = arith.index_cast %scan3A_1339 : i32 to index
        %get3A_1351 = arith.constant 0 : index
        %get3A_1352 = tpu.vector_load %arg6[%get3A_1348, %get3A_1349, %get3A_1350, %get3A_1351] {strides = array<i32>} : memref<2x8x128x32xf32, #tpu.memory_space<vmem>>, vector<16xf32>,
        %add3A_1353 = arith.addf %get3A_1342, %get3A_1352 : vector<16xf32>
        %get3A_1354 = arith.constant 0 : i32
        %get3A_1355 = arith.constant 0 : i32
        %get3A_1356 = arith.index_cast %get3A_1354 : i32 to index
        %get3A_1357 = arith.index_cast %get3A_1355 : i32 to index
        %get3A_1358 = arith.index_cast %scan3A_1339 : i32 to index
        %get3A_1359 = arith.constant 16 : index
        %get3A_1360 = tpu.vector_load %arg6[%get3A_1356, %get3A_1357, %get3A_1358, %get3A_1359] {strides = array<i32>} : memref<2x8x128x32xf32, #tpu.memory_space<vmem>>, vector<16xf32>,
        %add3A_1361 = arith.addf %get3A_1345, %get3A_1360 : vector<16xf32>
        %get3A_1362 = arith.constant 0 : i32
        %get3A_1363 = arith.constant 1 : i32
        %get3A_1364 = arith.index_cast %get3A_1362 : i32 to index
        %get3A_1365 = arith.index_cast %get3A_1363 : i32 to index
        %get3A_1366 = arith.index_cast %scan3A_1339 : i32 to index
        %get3A_1367 = arith.constant 0 : index
        %get3A_1368 = tpu.vector_load %arg6[%get3A_1364, %get3A_1365, %get3A_1366, %get3A_1367] {strides = array<i32>} : memref<2x8x128x32xf32, #tpu.memory_space<vmem>>, vector<16xf32>,
        %add3A_1369 = arith.addf %add3A_1353, %get3A_1368 : vector<16xf32>
        %get3A_1370 = arith.constant 0 : i32
        %get3A_1371 = arith.constant 1 : i32
        %get3A_1372 = arith.index_cast %get3A_1370 : i32 to index
        %get3A_1373 = arith.index_cast %get3A_1371 : i32 to index
        %get3A_1374 = arith.index_cast %scan3A_1339 : i32 to index
        %get3A_1375 = arith.constant 16 : index
        %get3A_1376 = tpu.vector_load %arg6[%get3A_1372, %get3A_1373, %get3A_1374, %get3A_1375] {strides = array<i32>} : memref<2x8x128x32xf32, #tpu.memory_space<vmem>>, vector<16xf32>,
        %add3A_1377 = arith.addf %add3A_1361, %get3A_1376 : vector<16xf32>
        %get3A_1378 = arith.constant 0 : i32
        %get3A_1379 = arith.constant 2 : i32
        %get3A_1380 = arith.index_cast %get3A_1378 : i32 to index
        %get3A_1381 = arith.index_cast %get3A_1379 : i32 to index
        %get3A_1382 = arith.index_cast %scan3A_1339 : i32 to index
        %get3A_1383 = arith.constant 0 : index
        %get3A_1384 = tpu.vector_load %arg6[%get3A_1380, %get3A_1381, %get3A_1382, %get3A_1383] {strides = array<i32>} : memref<2x8x128x32xf32, #tpu.memory_space<vmem>>, vector<16xf32>,
        %add3A_1385 = arith.addf %add3A_1369, %get3A_1384 : vector<16xf32>
        %get3A_1386 = arith.constant 0 : i32
        %get3A_1387 = arith.constant 2 : i32
        %get3A_1388 = arith.index_cast %get3A_1386 : i32 to index
        %get3A_1389 = arith.index_cast %get3A_1387 : i32 to index
        %get3A_1390 = arith.index_cast %scan3A_1339 : i32 to index
        %get3A_1391 = arith.constant 16 : index
        %get3A_1392 = tpu.vector_load %arg6[%get3A_1388, %get3A_1389, %get3A_1390, %get3A_1391] {strides = array<i32>} : memref<2x8x128x32xf32, #tpu.memory_space<vmem>>, vector<16xf32>,
        %add3A_1393 = arith.addf %add3A_1377, %get3A_1392 : vector<16xf32>
        %get3A_1394 = arith.constant 0 : i32
        %get3A_1395 = arith.constant 3 : i32
        %get3A_1396 = arith.index_cast %get3A_1394 : i32 to index
        %get3A_1397 = arith.index_cast %get3A_1395 : i32 to index
        %get3A_1398 = arith.index_cast %scan3A_1339 : i32 to index
        %get3A_1399 = arith.constant 0 : index
        %get3A_1400 = tpu.vector_load %arg6[%get3A_1396, %get3A_1397, %get3A_1398, %get3A_1399] {strides = array<i32>} : memref<2x8x128x32xf32, #tpu.memory_space<vmem>>, vector<16xf32>,
        %add3A_1401 = arith.addf %add3A_1385, %get3A_1400 : vector<16xf32>
        %get3A_1402 = arith.constant 0 : i32
        %get3A_1403 = arith.constant 3 : i32
        %get3A_1404 = arith.index_cast %get3A_1402 : i32 to index
        %get3A_1405 = arith.index_cast %get3A_1403 : i32 to index
        %get3A_1406 = arith.index_cast %scan3A_1339 : i32 to index
        %get3A_1407 = arith.constant 16 : index
        %get3A_1408 = tpu.vector_load %arg6[%get3A_1404, %get3A_1405, %get3A_1406, %get3A_1407] {strides = array<i32>} : memref<2x8x128x32xf32, #tpu.memory_space<vmem>>, vector<16xf32>,
        %add3A_1409 = arith.addf %add3A_1393, %get3A_1408 : vector<16xf32>
        %get3A_1410 = arith.constant 0 : i32
        %get3A_1411 = arith.constant 4 : i32
        %get3A_1412 = arith.index_cast %get3A_1410 : i32 to index
        %get3A_1413 = arith.index_cast %get3A_1411 : i32 to index
        %get3A_1414 = arith.index_cast %scan3A_1339 : i32 to index
        %get3A_1415 = arith.constant 0 : index
        %get3A_1416 = tpu.vector_load %arg6[%get3A_1412, %get3A_1413, %get3A_1414, %get3A_1415] {strides = array<i32>} : memref<2x8x128x32xf32, #tpu.memory_space<vmem>>, vector<16xf32>,
        %add3A_1417 = arith.addf %add3A_1401, %get3A_1416 : vector<16xf32>
        %get3A_1418 = arith.constant 0 : i32
        %get3A_1419 = arith.constant 4 : i32
        %get3A_1420 = arith.index_cast %get3A_1418 : i32 to index
        %get3A_1421 = arith.index_cast %get3A_1419 : i32 to index
        %get3A_1422 = arith.index_cast %scan3A_1339 : i32 to index
        %get3A_1423 = arith.constant 16 : index
        %get3A_1424 = tpu.vector_load %arg6[%get3A_1420, %get3A_1421, %get3A_1422, %get3A_1423] {strides = array<i32>} : memref<2x8x128x32xf32, #tpu.memory_space<vmem>>, vector<16xf32>,
        %add3A_1425 = arith.addf %add3A_1409, %get3A_1424 : vector<16xf32>
        %get3A_1426 = arith.constant 0 : i32
        %get3A_1427 = arith.constant 5 : i32
        %get3A_1428 = arith.index_cast %get3A_1426 : i32 to index
        %get3A_1429 = arith.index_cast %get3A_1427 : i32 to index
        %get3A_1430 = arith.index_cast %scan3A_1339 : i32 to index
        %get3A_1431 = arith.constant 0 : index
        %get3A_1432 = tpu.vector_load %arg6[%get3A_1428, %get3A_1429, %get3A_1430, %get3A_1431] {strides = array<i32>} : memref<2x8x128x32xf32, #tpu.memory_space<vmem>>, vector<16xf32>,
        %add3A_1433 = arith.addf %add3A_1417, %get3A_1432 : vector<16xf32>
        %get3A_1434 = arith.constant 0 : i32
        %get3A_1435 = arith.constant 5 : i32
        %get3A_1436 = arith.index_cast %get3A_1434 : i32 to index
        %get3A_1437 = arith.index_cast %get3A_1435 : i32 to index
        %get3A_1438 = arith.index_cast %scan3A_1339 : i32 to index
        %get3A_1439 = arith.constant 16 : index
        %get3A_1440 = tpu.vector_load %arg6[%get3A_1436, %get3A_1437, %get3A_1438, %get3A_1439] {strides = array<i32>} : memref<2x8x128x32xf32, #tpu.memory_space<vmem>>, vector<16xf32>,
        %add3A_1441 = arith.addf %add3A_1425, %get3A_1440 : vector<16xf32>
        %get3A_1442 = arith.constant 0 : i32
        %get3A_1443 = arith.constant 6 : i32
        %get3A_1444 = arith.index_cast %get3A_1442 : i32 to index
        %get3A_1445 = arith.index_cast %get3A_1443 : i32 to index
        %get3A_1446 = arith.index_cast %scan3A_1339 : i32 to index
        %get3A_1447 = arith.constant 0 : index
        %get3A_1448 = tpu.vector_load %arg6[%get3A_1444, %get3A_1445, %get3A_1446, %get3A_1447] {strides = array<i32>} : memref<2x8x128x32xf32, #tpu.memory_space<vmem>>, vector<16xf32>,
        %add3A_1449 = arith.addf %add3A_1433, %get3A_1448 : vector<16xf32>
        %get3A_1450 = arith.constant 0 : i32
        %get3A_1451 = arith.constant 6 : i32
        %get3A_1452 = arith.index_cast %get3A_1450 : i32 to index
        %get3A_1453 = arith.index_cast %get3A_1451 : i32 to index
        %get3A_1454 = arith.index_cast %scan3A_1339 : i32 to index
        %get3A_1455 = arith.constant 16 : index
        %get3A_1456 = tpu.vector_load %arg6[%get3A_1452, %get3A_1453, %get3A_1454, %get3A_1455] {strides = array<i32>} : memref<2x8x128x32xf32, #tpu.memory_space<vmem>>, vector<16xf32>,
        %add3A_1457 = arith.addf %add3A_1441, %get3A_1456 : vector<16xf32>
        %get3A_1458 = arith.constant 0 : i32
        %get3A_1459 = arith.constant 7 : i32
        %get3A_1460 = arith.index_cast %get3A_1458 : i32 to index
        %get3A_1461 = arith.index_cast %get3A_1459 : i32 to index
        %get3A_1462 = arith.index_cast %scan3A_1339 : i32 to index
        %get3A_1463 = arith.constant 0 : index
        %get3A_1464 = tpu.vector_load %arg6[%get3A_1460, %get3A_1461, %get3A_1462, %get3A_1463] {strides = array<i32>} : memref<2x8x128x32xf32, #tpu.memory_space<vmem>>, vector<16xf32>,
        %add3A_1465 = arith.addf %add3A_1449, %get3A_1464 : vector<16xf32>
        %get3A_1466 = arith.constant 0 : i32
        %get3A_1467 = arith.constant 7 : i32
        %get3A_1468 = arith.index_cast %get3A_1466 : i32 to index
        %get3A_1469 = arith.index_cast %get3A_1467 : i32 to index
        %get3A_1470 = arith.index_cast %scan3A_1339 : i32 to index
        %get3A_1471 = arith.constant 16 : index
        %get3A_1472 = tpu.vector_load %arg6[%get3A_1468, %get3A_1469, %get3A_1470, %get3A_1471] {strides = array<i32>} : memref<2x8x128x32xf32, #tpu.memory_space<vmem>>, vector<16xf32>,
        %add3A_1473 = arith.addf %add3A_1457, %get3A_1472 : vector<16xf32>
        %swap3A_1474 = arith.index_cast %scan3A_1339 : i32 to index
        %swap3A_1475 = arith.constant 0 : index
        %swap3A_1476 = tpu.vector_load %arg7[%swap3A_1474, %swap3A_1475] {strides = array<i32>} : memref<128x32xf32, #tpu.memory_space<vmem>>, vector<16xf32>,
        tpu.vector_store %arg7[%swap3A_1474, %swap3A_1475], %add3A_1465 {strides = array<i32>} : memref<128x32xf32, #tpu.memory_space<vmem>>, vector<16xf32>,
        %swap3A_1477 = arith.index_cast %scan3A_1339 : i32 to index
        %swap3A_1478 = arith.constant 16 : index
        %swap3A_1479 = tpu.vector_load %arg7[%swap3A_1477, %swap3A_1478] {strides = array<i32>} : memref<128x32xf32, #tpu.memory_space<vmem>>, vector<16xf32>,
        tpu.vector_store %arg7[%swap3A_1477, %swap3A_1478], %add3A_1473 {strides = array<i32>} : memref<128x32xf32, #tpu.memory_space<vmem>>, vector<16xf32>,
        %scan3A_1480 = arith.constant 0 : i32
        scf.yield %scan3A_1480 : i32
      }
      %scan3A_1195 = arith.constant 128 : i32
      %scan3A_1196 = arith.constant 0 : i32
      scf.yield %scan3A_1196 : i32
    }
    %scan3A_325 = arith.constant 11 : i32
    %dma_start3A_326 = arith.constant 192 : i32
    %dma_start3A_327 = arith.constant 0 : i32
    %dma_start3A_328 = arith.constant 0 : i32
    %dma_start3A_329 = arith.constant 0 : i32
    %dma_start3A_330 = arith.constant 0 : i32
    %dma_start3A_331 = tpu.memref_slice %arg6[%dma_start3A_327, %dma_start3A_328, %dma_start3A_329, %dma_start3A_330] : memref<2x8x128x32xf32, #tpu.memory_space<vmem>> -> memref<1x1x128x32xf32, #tpu.memory_space<vmem>>
    %dma_start3A_332 = tpu.memref_squeeze %dma_start3A_331 : memref<1x1x128x32xf32, #tpu.memory_space<vmem>> -> memref<128x32xf32, #tpu.memory_space<vmem>>
    %dma_start3A_333 = arith.constant 0 : i32
    %dma_start3A_334 = tpu.memref_slice %arg5[%dma_start3A_326, %dma_start3A_333] : memref<200x128xi32, #tpu.memory_space<vmem>> -> memref<1x128xi32, #tpu.memory_space<vmem>>
    %dma_start3A_335 = tpu.memref_squeeze %dma_start3A_334 : memref<1x128xi32, #tpu.memory_space<vmem>> -> memref<128xi32, #tpu.memory_space<vmem>>
    %dma_start3A_336 = arith.constant 0 : i32
    %dma_start3A_337 = arith.constant 0 : i32
    %dma_start3A_338 = tpu.memref_slice %arg3[%dma_start3A_336, %dma_start3A_337] : memref<400000x32xf32, #tpu.memory_space<hbm>> -> memref<400000x32xf32, #tpu.memory_space<hbm>>
    tpu.enqueue_indirect_dma source(%dma_start3A_338 : memref<400000x32xf32, #tpu.memory_space<hbm>>) target(%dma_start3A_332 : memref<128x32xf32, #tpu.memory_space<vmem>>) offsets(%dma_start3A_335 : memref<128xi32, #tpu.memory_space<vmem>>) semaphore(%arg8 : memref<!tpu.dma_semaphore, #tpu.memory_space<semaphore_mem>>)
    %dma_start3A_339 = arith.constant 193 : i32
    %dma_start3A_340 = arith.constant 0 : i32
    %dma_start3A_341 = arith.constant 1 : i32
    %dma_start3A_342 = arith.constant 0 : i32
    %dma_start3A_343 = arith.constant 0 : i32
    %dma_start3A_344 = tpu.memref_slice %arg6[%dma_start3A_340, %dma_start3A_341, %dma_start3A_342, %dma_start3A_343] : memref<2x8x128x32xf32, #tpu.memory_space<vmem>> -> memref<1x1x128x32xf32, #tpu.memory_space<vmem>>
    %dma_start3A_345 = tpu.memref_squeeze %dma_start3A_344 : memref<1x1x128x32xf32, #tpu.memory_space<vmem>> -> memref<128x32xf32, #tpu.memory_space<vmem>>
    %dma_start3A_346 = arith.constant 0 : i32
    %dma_start3A_347 = tpu.memref_slice %arg5[%dma_start3A_339, %dma_start3A_346] : memref<200x128xi32, #tpu.memory_space<vmem>> -> memref<1x128xi32, #tpu.memory_space<vmem>>
    %dma_start3A_348 = tpu.memref_squeeze %dma_start3A_347 : memref<1x128xi32, #tpu.memory_space<vmem>> -> memref<128xi32, #tpu.memory_space<vmem>>
    %dma_start3A_349 = arith.constant 0 : i32
    %dma_start3A_350 = arith.constant 0 : i32
    %dma_start3A_351 = tpu.memref_slice %arg3[%dma_start3A_349, %dma_start3A_350] : memref<400000x32xf32, #tpu.memory_space<hbm>> -> memref<400000x32xf32, #tpu.memory_space<hbm>>
    tpu.enqueue_indirect_dma source(%dma_start3A_351 : memref<400000x32xf32, #tpu.memory_space<hbm>>) target(%dma_start3A_345 : memref<128x32xf32, #tpu.memory_space<vmem>>) offsets(%dma_start3A_348 : memref<128xi32, #tpu.memory_space<vmem>>) semaphore(%arg8 : memref<!tpu.dma_semaphore, #tpu.memory_space<semaphore_mem>>)
    %dma_start3A_352 = arith.constant 194 : i32
    %dma_start3A_353 = arith.constant 0 : i32
    %dma_start3A_354 = arith.constant 2 : i32
    %dma_start3A_355 = arith.constant 0 : i32
    %dma_start3A_356 = arith.constant 0 : i32
    %dma_start3A_357 = tpu.memref_slice %arg6[%dma_start3A_353, %dma_start3A_354, %dma_start3A_355, %dma_start3A_356] : memref<2x8x128x32xf32, #tpu.memory_space<vmem>> -> memref<1x1x128x32xf32, #tpu.memory_space<vmem>>
    %dma_start3A_358 = tpu.memref_squeeze %dma_start3A_357 : memref<1x1x128x32xf32, #tpu.memory_space<vmem>> -> memref<128x32xf32, #tpu.memory_space<vmem>>
    %dma_start3A_359 = arith.constant 0 : i32
    %dma_start3A_360 = tpu.memref_slice %arg5[%dma_start3A_352, %dma_start3A_359] : memref<200x128xi32, #tpu.memory_space<vmem>> -> memref<1x128xi32, #tpu.memory_space<vmem>>
    %dma_start3A_361 = tpu.memref_squeeze %dma_start3A_360 : memref<1x128xi32, #tpu.memory_space<vmem>> -> memref<128xi32, #tpu.memory_space<vmem>>
    %dma_start3A_362 = arith.constant 0 : i32
    %dma_start3A_363 = arith.constant 0 : i32
    %dma_start3A_364 = tpu.memref_slice %arg3[%dma_start3A_362, %dma_start3A_363] : memref<400000x32xf32, #tpu.memory_space<hbm>> -> memref<400000x32xf32, #tpu.memory_space<hbm>>
    tpu.enqueue_indirect_dma source(%dma_start3A_364 : memref<400000x32xf32, #tpu.memory_space<hbm>>) target(%dma_start3A_358 : memref<128x32xf32, #tpu.memory_space<vmem>>) offsets(%dma_start3A_361 : memref<128xi32, #tpu.memory_space<vmem>>) semaphore(%arg8 : memref<!tpu.dma_semaphore, #tpu.memory_space<semaphore_mem>>)
    %dma_start3A_365 = arith.constant 195 : i32
    %dma_start3A_366 = arith.constant 0 : i32
    %dma_start3A_367 = arith.constant 3 : i32
    %dma_start3A_368 = arith.constant 0 : i32
    %dma_start3A_369 = arith.constant 0 : i32
    %dma_start3A_370 = tpu.memref_slice %arg6[%dma_start3A_366, %dma_start3A_367, %dma_start3A_368, %dma_start3A_369] : memref<2x8x128x32xf32, #tpu.memory_space<vmem>> -> memref<1x1x128x32xf32, #tpu.memory_space<vmem>>
    %dma_start3A_371 = tpu.memref_squeeze %dma_start3A_370 : memref<1x1x128x32xf32, #tpu.memory_space<vmem>> -> memref<128x32xf32, #tpu.memory_space<vmem>>
    %dma_start3A_372 = arith.constant 0 : i32
    %dma_start3A_373 = tpu.memref_slice %arg5[%dma_start3A_365, %dma_start3A_372] : memref<200x128xi32, #tpu.memory_space<vmem>> -> memref<1x128xi32, #tpu.memory_space<vmem>>
    %dma_start3A_374 = tpu.memref_squeeze %dma_start3A_373 : memref<1x128xi32, #tpu.memory_space<vmem>> -> memref<128xi32, #tpu.memory_space<vmem>>
    %dma_start3A_375 = arith.constant 0 : i32
    %dma_start3A_376 = arith.constant 0 : i32
    %dma_start3A_377 = tpu.memref_slice %arg3[%dma_start3A_375, %dma_start3A_376] : memref<400000x32xf32, #tpu.memory_space<hbm>> -> memref<400000x32xf32, #tpu.memory_space<hbm>>
    tpu.enqueue_indirect_dma source(%dma_start3A_377 : memref<400000x32xf32, #tpu.memory_space<hbm>>) target(%dma_start3A_371 : memref<128x32xf32, #tpu.memory_space<vmem>>) offsets(%dma_start3A_374 : memref<128xi32, #tpu.memory_space<vmem>>) semaphore(%arg8 : memref<!tpu.dma_semaphore, #tpu.memory_space<semaphore_mem>>)
    %dma_start3A_378 = arith.constant 196 : i32
    %dma_start3A_379 = arith.constant 0 : i32
    %dma_start3A_380 = arith.constant 4 : i32
    %dma_start3A_381 = arith.constant 0 : i32
    %dma_start3A_382 = arith.constant 0 : i32
    %dma_start3A_383 = tpu.memref_slice %arg6[%dma_start3A_379, %dma_start3A_380, %dma_start3A_381, %dma_start3A_382] : memref<2x8x128x32xf32, #tpu.memory_space<vmem>> -> memref<1x1x128x32xf32, #tpu.memory_space<vmem>>
    %dma_start3A_384 = tpu.memref_squeeze %dma_start3A_383 : memref<1x1x128x32xf32, #tpu.memory_space<vmem>> -> memref<128x32xf32, #tpu.memory_space<vmem>>
    %dma_start3A_385 = arith.constant 0 : i32
    %dma_start3A_386 = tpu.memref_slice %arg5[%dma_start3A_378, %dma_start3A_385] : memref<200x128xi32, #tpu.memory_space<vmem>> -> memref<1x128xi32, #tpu.memory_space<vmem>>
    %dma_start3A_387 = tpu.memref_squeeze %dma_start3A_386 : memref<1x128xi32, #tpu.memory_space<vmem>> -> memref<128xi32, #tpu.memory_space<vmem>>
    %dma_start3A_388 = arith.constant 0 : i32
    %dma_start3A_389 = arith.constant 0 : i32
    %dma_start3A_390 = tpu.memref_slice %arg3[%dma_start3A_388, %dma_start3A_389] : memref<400000x32xf32, #tpu.memory_space<hbm>> -> memref<400000x32xf32, #tpu.memory_space<hbm>>
    tpu.enqueue_indirect_dma source(%dma_start3A_390 : memref<400000x32xf32, #tpu.memory_space<hbm>>) target(%dma_start3A_384 : memref<128x32xf32, #tpu.memory_space<vmem>>) offsets(%dma_start3A_387 : memref<128xi32, #tpu.memory_space<vmem>>) semaphore(%arg8 : memref<!tpu.dma_semaphore, #tpu.memory_space<semaphore_mem>>)
    %dma_start3A_391 = arith.constant 197 : i32
    %dma_start3A_392 = arith.constant 0 : i32
    %dma_start3A_393 = arith.constant 5 : i32
    %dma_start3A_394 = arith.constant 0 : i32
    %dma_start3A_395 = arith.constant 0 : i32
    %dma_start3A_396 = tpu.memref_slice %arg6[%dma_start3A_392, %dma_start3A_393, %dma_start3A_394, %dma_start3A_395] : memref<2x8x128x32xf32, #tpu.memory_space<vmem>> -> memref<1x1x128x32xf32, #tpu.memory_space<vmem>>
    %dma_start3A_397 = tpu.memref_squeeze %dma_start3A_396 : memref<1x1x128x32xf32, #tpu.memory_space<vmem>> -> memref<128x32xf32, #tpu.memory_space<vmem>>
    %dma_start3A_398 = arith.constant 0 : i32
    %dma_start3A_399 = tpu.memref_slice %arg5[%dma_start3A_391, %dma_start3A_398] : memref<200x128xi32, #tpu.memory_space<vmem>> -> memref<1x128xi32, #tpu.memory_space<vmem>>
    %dma_start3A_400 = tpu.memref_squeeze %dma_start3A_399 : memref<1x128xi32, #tpu.memory_space<vmem>> -> memref<128xi32, #tpu.memory_space<vmem>>
    %dma_start3A_401 = arith.constant 0 : i32
    %dma_start3A_402 = arith.constant 0 : i32
    %dma_start3A_403 = tpu.memref_slice %arg3[%dma_start3A_401, %dma_start3A_402] : memref<400000x32xf32, #tpu.memory_space<hbm>> -> memref<400000x32xf32, #tpu.memory_space<hbm>>
    tpu.enqueue_indirect_dma source(%dma_start3A_403 : memref<400000x32xf32, #tpu.memory_space<hbm>>) target(%dma_start3A_397 : memref<128x32xf32, #tpu.memory_space<vmem>>) offsets(%dma_start3A_400 : memref<128xi32, #tpu.memory_space<vmem>>) semaphore(%arg8 : memref<!tpu.dma_semaphore, #tpu.memory_space<semaphore_mem>>)
    %dma_start3A_404 = arith.constant 198 : i32
    %dma_start3A_405 = arith.constant 0 : i32
    %dma_start3A_406 = arith.constant 6 : i32
    %dma_start3A_407 = arith.constant 0 : i32
    %dma_start3A_408 = arith.constant 0 : i32
    %dma_start3A_409 = tpu.memref_slice %arg6[%dma_start3A_405, %dma_start3A_406, %dma_start3A_407, %dma_start3A_408] : memref<2x8x128x32xf32, #tpu.memory_space<vmem>> -> memref<1x1x128x32xf32, #tpu.memory_space<vmem>>
    %dma_start3A_410 = tpu.memref_squeeze %dma_start3A_409 : memref<1x1x128x32xf32, #tpu.memory_space<vmem>> -> memref<128x32xf32, #tpu.memory_space<vmem>>
    %dma_start3A_411 = arith.constant 0 : i32
    %dma_start3A_412 = tpu.memref_slice %arg5[%dma_start3A_404, %dma_start3A_411] : memref<200x128xi32, #tpu.memory_space<vmem>> -> memref<1x128xi32, #tpu.memory_space<vmem>>
    %dma_start3A_413 = tpu.memref_squeeze %dma_start3A_412 : memref<1x128xi32, #tpu.memory_space<vmem>> -> memref<128xi32, #tpu.memory_space<vmem>>
    %dma_start3A_414 = arith.constant 0 : i32
    %dma_start3A_415 = arith.constant 0 : i32
    %dma_start3A_416 = tpu.memref_slice %arg3[%dma_start3A_414, %dma_start3A_415] : memref<400000x32xf32, #tpu.memory_space<hbm>> -> memref<400000x32xf32, #tpu.memory_space<hbm>>
    tpu.enqueue_indirect_dma source(%dma_start3A_416 : memref<400000x32xf32, #tpu.memory_space<hbm>>) target(%dma_start3A_410 : memref<128x32xf32, #tpu.memory_space<vmem>>) offsets(%dma_start3A_413 : memref<128xi32, #tpu.memory_space<vmem>>) semaphore(%arg8 : memref<!tpu.dma_semaphore, #tpu.memory_space<semaphore_mem>>)
    %dma_start3A_417 = arith.constant 199 : i32
    %dma_start3A_418 = arith.constant 0 : i32
    %dma_start3A_419 = arith.constant 7 : i32
    %dma_start3A_420 = arith.constant 0 : i32
    %dma_start3A_421 = arith.constant 0 : i32
    %dma_start3A_422 = tpu.memref_slice %arg6[%dma_start3A_418, %dma_start3A_419, %dma_start3A_420, %dma_start3A_421] : memref<2x8x128x32xf32, #tpu.memory_space<vmem>> -> memref<1x1x128x32xf32, #tpu.memory_space<vmem>>
    %dma_start3A_423 = tpu.memref_squeeze %dma_start3A_422 : memref<1x1x128x32xf32, #tpu.memory_space<vmem>> -> memref<128x32xf32, #tpu.memory_space<vmem>>
    %dma_start3A_424 = arith.constant 0 : i32
    %dma_start3A_425 = tpu.memref_slice %arg5[%dma_start3A_417, %dma_start3A_424] : memref<200x128xi32, #tpu.memory_space<vmem>> -> memref<1x128xi32, #tpu.memory_space<vmem>>
    %dma_start3A_426 = tpu.memref_squeeze %dma_start3A_425 : memref<1x128xi32, #tpu.memory_space<vmem>> -> memref<128xi32, #tpu.memory_space<vmem>>
    %dma_start3A_427 = arith.constant 0 : i32
    %dma_start3A_428 = arith.constant 0 : i32
    %dma_start3A_429 = tpu.memref_slice %arg3[%dma_start3A_427, %dma_start3A_428] : memref<400000x32xf32, #tpu.memory_space<hbm>> -> memref<400000x32xf32, #tpu.memory_space<hbm>>
    tpu.enqueue_indirect_dma source(%dma_start3A_429 : memref<400000x32xf32, #tpu.memory_space<hbm>>) target(%dma_start3A_423 : memref<128x32xf32, #tpu.memory_space<vmem>>) offsets(%dma_start3A_426 : memref<128xi32, #tpu.memory_space<vmem>>) semaphore(%arg8 : memref<!tpu.dma_semaphore, #tpu.memory_space<semaphore_mem>>)
    %dma_wait3A_430 = arith.constant 184 : i32
    %dma_wait3A_431 = arith.constant 1 : i32
    %dma_wait3A_432 = arith.constant 0 : i32
    %dma_wait3A_433 = arith.constant 0 : i32
    %dma_wait3A_434 = arith.constant 0 : i32
    %dma_wait3A_435 = tpu.memref_slice %arg6[%dma_wait3A_431, %dma_wait3A_432, %dma_wait3A_433, %dma_wait3A_434] : memref<2x8x128x32xf32, #tpu.memory_space<vmem>> -> memref<1x1x128x32xf32, #tpu.memory_space<vmem>>
    %dma_wait3A_436 = tpu.memref_squeeze %dma_wait3A_435 : memref<1x1x128x32xf32, #tpu.memory_space<vmem>> -> memref<128x32xf32, #tpu.memory_space<vmem>>
    %dma_wait3A_437 = arith.constant 0 : i32
    %dma_wait3A_438 = tpu.memref_slice %arg5[%dma_wait3A_430, %dma_wait3A_437] : memref<200x128xi32, #tpu.memory_space<vmem>> -> memref<1x128xi32, #tpu.memory_space<vmem>>
    %dma_wait3A_439 = tpu.memref_squeeze %dma_wait3A_438 : memref<1x128xi32, #tpu.memory_space<vmem>> -> memref<128xi32, #tpu.memory_space<vmem>>
    %dma_wait3A_440 = arith.constant 0 : i32
    %dma_wait3A_441 = arith.constant 0 : i32
    %dma_wait3A_442 = tpu.memref_slice %arg3[%dma_wait3A_440, %dma_wait3A_441] : memref<400000x32xf32, #tpu.memory_space<hbm>> -> memref<400000x32xf32, #tpu.memory_space<hbm>>
    tpu.wait_indirect_dma semaphore(%arg9 : memref<!tpu.dma_semaphore, #tpu.memory_space<semaphore_mem>>) src(%dma_wait3A_442 : memref<400000x32xf32, #tpu.memory_space<hbm>>) dst(%dma_wait3A_436 : memref<128x32xf32, #tpu.memory_space<vmem>>)
    %dma_wait3A_443 = arith.constant 185 : i32
    %dma_wait3A_444 = arith.constant 1 : i32
    %dma_wait3A_445 = arith.constant 1 : i32
    %dma_wait3A_446 = arith.constant 0 : i32
    %dma_wait3A_447 = arith.constant 0 : i32
    %dma_wait3A_448 = tpu.memref_slice %arg6[%dma_wait3A_444, %dma_wait3A_445, %dma_wait3A_446, %dma_wait3A_447] : memref<2x8x128x32xf32, #tpu.memory_space<vmem>> -> memref<1x1x128x32xf32, #tpu.memory_space<vmem>>
    %dma_wait3A_449 = tpu.memref_squeeze %dma_wait3A_448 : memref<1x1x128x32xf32, #tpu.memory_space<vmem>> -> memref<128x32xf32, #tpu.memory_space<vmem>>
    %dma_wait3A_450 = arith.constant 0 : i32
    %dma_wait3A_451 = tpu.memref_slice %arg5[%dma_wait3A_443, %dma_wait3A_450] : memref<200x128xi32, #tpu.memory_space<vmem>> -> memref<1x128xi32, #tpu.memory_space<vmem>>
    %dma_wait3A_452 = tpu.memref_squeeze %dma_wait3A_451 : memref<1x128xi32, #tpu.memory_space<vmem>> -> memref<128xi32, #tpu.memory_space<vmem>>
    %dma_wait3A_453 = arith.constant 0 : i32
    %dma_wait3A_454 = arith.constant 0 : i32
    %dma_wait3A_455 = tpu.memref_slice %arg3[%dma_wait3A_453, %dma_wait3A_454] : memref<400000x32xf32, #tpu.memory_space<hbm>> -> memref<400000x32xf32, #tpu.memory_space<hbm>>
    tpu.wait_indirect_dma semaphore(%arg9 : memref<!tpu.dma_semaphore, #tpu.memory_space<semaphore_mem>>) src(%dma_wait3A_455 : memref<400000x32xf32, #tpu.memory_space<hbm>>) dst(%dma_wait3A_449 : memref<128x32xf32, #tpu.memory_space<vmem>>)
    %dma_wait3A_456 = arith.constant 186 : i32
    %dma_wait3A_457 = arith.constant 1 : i32
    %dma_wait3A_458 = arith.constant 2 : i32
    %dma_wait3A_459 = arith.constant 0 : i32
    %dma_wait3A_460 = arith.constant 0 : i32
    %dma_wait3A_461 = tpu.memref_slice %arg6[%dma_wait3A_457, %dma_wait3A_458, %dma_wait3A_459, %dma_wait3A_460] : memref<2x8x128x32xf32, #tpu.memory_space<vmem>> -> memref<1x1x128x32xf32, #tpu.memory_space<vmem>>
    %dma_wait3A_462 = tpu.memref_squeeze %dma_wait3A_461 : memref<1x1x128x32xf32, #tpu.memory_space<vmem>> -> memref<128x32xf32, #tpu.memory_space<vmem>>
    %dma_wait3A_463 = arith.constant 0 : i32
    %dma_wait3A_464 = tpu.memref_slice %arg5[%dma_wait3A_456, %dma_wait3A_463] : memref<200x128xi32, #tpu.memory_space<vmem>> -> memref<1x128xi32, #tpu.memory_space<vmem>>
    %dma_wait3A_465 = tpu.memref_squeeze %dma_wait3A_464 : memref<1x128xi32, #tpu.memory_space<vmem>> -> memref<128xi32, #tpu.memory_space<vmem>>
    %dma_wait3A_466 = arith.constant 0 : i32
    %dma_wait3A_467 = arith.constant 0 : i32
    %dma_wait3A_468 = tpu.memref_slice %arg3[%dma_wait3A_466, %dma_wait3A_467] : memref<400000x32xf32, #tpu.memory_space<hbm>> -> memref<400000x32xf32, #tpu.memory_space<hbm>>
    tpu.wait_indirect_dma semaphore(%arg9 : memref<!tpu.dma_semaphore, #tpu.memory_space<semaphore_mem>>) src(%dma_wait3A_468 : memref<400000x32xf32, #tpu.memory_space<hbm>>) dst(%dma_wait3A_462 : memref<128x32xf32, #tpu.memory_space<vmem>>)
    %dma_wait3A_469 = arith.constant 187 : i32
    %dma_wait3A_470 = arith.constant 1 : i32
    %dma_wait3A_471 = arith.constant 3 : i32
    %dma_wait3A_472 = arith.constant 0 : i32
    %dma_wait3A_473 = arith.constant 0 : i32
    %dma_wait3A_474 = tpu.memref_slice %arg6[%dma_wait3A_470, %dma_wait3A_471, %dma_wait3A_472, %dma_wait3A_473] : memref<2x8x128x32xf32, #tpu.memory_space<vmem>> -> memref<1x1x128x32xf32, #tpu.memory_space<vmem>>
    %dma_wait3A_475 = tpu.memref_squeeze %dma_wait3A_474 : memref<1x1x128x32xf32, #tpu.memory_space<vmem>> -> memref<128x32xf32, #tpu.memory_space<vmem>>
    %dma_wait3A_476 = arith.constant 0 : i32
    %dma_wait3A_477 = tpu.memref_slice %arg5[%dma_wait3A_469, %dma_wait3A_476] : memref<200x128xi32, #tpu.memory_space<vmem>> -> memref<1x128xi32, #tpu.memory_space<vmem>>
    %dma_wait3A_478 = tpu.memref_squeeze %dma_wait3A_477 : memref<1x128xi32, #tpu.memory_space<vmem>> -> memref<128xi32, #tpu.memory_space<vmem>>
    %dma_wait3A_479 = arith.constant 0 : i32
    %dma_wait3A_480 = arith.constant 0 : i32
    %dma_wait3A_481 = tpu.memref_slice %arg3[%dma_wait3A_479, %dma_wait3A_480] : memref<400000x32xf32, #tpu.memory_space<hbm>> -> memref<400000x32xf32, #tpu.memory_space<hbm>>
    tpu.wait_indirect_dma semaphore(%arg9 : memref<!tpu.dma_semaphore, #tpu.memory_space<semaphore_mem>>) src(%dma_wait3A_481 : memref<400000x32xf32, #tpu.memory_space<hbm>>) dst(%dma_wait3A_475 : memref<128x32xf32, #tpu.memory_space<vmem>>)
    %dma_wait3A_482 = arith.constant 188 : i32
    %dma_wait3A_483 = arith.constant 1 : i32
    %dma_wait3A_484 = arith.constant 4 : i32
    %dma_wait3A_485 = arith.constant 0 : i32
    %dma_wait3A_486 = arith.constant 0 : i32
    %dma_wait3A_487 = tpu.memref_slice %arg6[%dma_wait3A_483, %dma_wait3A_484, %dma_wait3A_485, %dma_wait3A_486] : memref<2x8x128x32xf32, #tpu.memory_space<vmem>> -> memref<1x1x128x32xf32, #tpu.memory_space<vmem>>
    %dma_wait3A_488 = tpu.memref_squeeze %dma_wait3A_487 : memref<1x1x128x32xf32, #tpu.memory_space<vmem>> -> memref<128x32xf32, #tpu.memory_space<vmem>>
    %dma_wait3A_489 = arith.constant 0 : i32
    %dma_wait3A_490 = tpu.memref_slice %arg5[%dma_wait3A_482, %dma_wait3A_489] : memref<200x128xi32, #tpu.memory_space<vmem>> -> memref<1x128xi32, #tpu.memory_space<vmem>>
    %dma_wait3A_491 = tpu.memref_squeeze %dma_wait3A_490 : memref<1x128xi32, #tpu.memory_space<vmem>> -> memref<128xi32, #tpu.memory_space<vmem>>
    %dma_wait3A_492 = arith.constant 0 : i32
    %dma_wait3A_493 = arith.constant 0 : i32
    %dma_wait3A_494 = tpu.memref_slice %arg3[%dma_wait3A_492, %dma_wait3A_493] : memref<400000x32xf32, #tpu.memory_space<hbm>> -> memref<400000x32xf32, #tpu.memory_space<hbm>>
    tpu.wait_indirect_dma semaphore(%arg9 : memref<!tpu.dma_semaphore, #tpu.memory_space<semaphore_mem>>) src(%dma_wait3A_494 : memref<400000x32xf32, #tpu.memory_space<hbm>>) dst(%dma_wait3A_488 : memref<128x32xf32, #tpu.memory_space<vmem>>)
    %dma_wait3A_495 = arith.constant 189 : i32
    %dma_wait3A_496 = arith.constant 1 : i32
    %dma_wait3A_497 = arith.constant 5 : i32
    %dma_wait3A_498 = arith.constant 0 : i32
    %dma_wait3A_499 = arith.constant 0 : i32
    %dma_wait3A_500 = tpu.memref_slice %arg6[%dma_wait3A_496, %dma_wait3A_497, %dma_wait3A_498, %dma_wait3A_499] : memref<2x8x128x32xf32, #tpu.memory_space<vmem>> -> memref<1x1x128x32xf32, #tpu.memory_space<vmem>>
    %dma_wait3A_501 = tpu.memref_squeeze %dma_wait3A_500 : memref<1x1x128x32xf32, #tpu.memory_space<vmem>> -> memref<128x32xf32, #tpu.memory_space<vmem>>
    %dma_wait3A_502 = arith.constant 0 : i32
    %dma_wait3A_503 = tpu.memref_slice %arg5[%dma_wait3A_495, %dma_wait3A_502] : memref<200x128xi32, #tpu.memory_space<vmem>> -> memref<1x128xi32, #tpu.memory_space<vmem>>
    %dma_wait3A_504 = tpu.memref_squeeze %dma_wait3A_503 : memref<1x128xi32, #tpu.memory_space<vmem>> -> memref<128xi32, #tpu.memory_space<vmem>>
    %dma_wait3A_505 = arith.constant 0 : i32
    %dma_wait3A_506 = arith.constant 0 : i32
    %dma_wait3A_507 = tpu.memref_slice %arg3[%dma_wait3A_505, %dma_wait3A_506] : memref<400000x32xf32, #tpu.memory_space<hbm>> -> memref<400000x32xf32, #tpu.memory_space<hbm>>
    tpu.wait_indirect_dma semaphore(%arg9 : memref<!tpu.dma_semaphore, #tpu.memory_space<semaphore_mem>>) src(%dma_wait3A_507 : memref<400000x32xf32, #tpu.memory_space<hbm>>) dst(%dma_wait3A_501 : memref<128x32xf32, #tpu.memory_space<vmem>>)
    %dma_wait3A_508 = arith.constant 190 : i32
    %dma_wait3A_509 = arith.constant 1 : i32
    %dma_wait3A_510 = arith.constant 6 : i32
    %dma_wait3A_511 = arith.constant 0 : i32
    %dma_wait3A_512 = arith.constant 0 : i32
    %dma_wait3A_513 = tpu.memref_slice %arg6[%dma_wait3A_509, %dma_wait3A_510, %dma_wait3A_511, %dma_wait3A_512] : memref<2x8x128x32xf32, #tpu.memory_space<vmem>> -> memref<1x1x128x32xf32, #tpu.memory_space<vmem>>
    %dma_wait3A_514 = tpu.memref_squeeze %dma_wait3A_513 : memref<1x1x128x32xf32, #tpu.memory_space<vmem>> -> memref<128x32xf32, #tpu.memory_space<vmem>>
    %dma_wait3A_515 = arith.constant 0 : i32
    %dma_wait3A_516 = tpu.memref_slice %arg5[%dma_wait3A_508, %dma_wait3A_515] : memref<200x128xi32, #tpu.memory_space<vmem>> -> memref<1x128xi32, #tpu.memory_space<vmem>>
    %dma_wait3A_517 = tpu.memref_squeeze %dma_wait3A_516 : memref<1x128xi32, #tpu.memory_space<vmem>> -> memref<128xi32, #tpu.memory_space<vmem>>
    %dma_wait3A_518 = arith.constant 0 : i32
    %dma_wait3A_519 = arith.constant 0 : i32
    %dma_wait3A_520 = tpu.memref_slice %arg3[%dma_wait3A_518, %dma_wait3A_519] : memref<400000x32xf32, #tpu.memory_space<hbm>> -> memref<400000x32xf32, #tpu.memory_space<hbm>>
    tpu.wait_indirect_dma semaphore(%arg9 : memref<!tpu.dma_semaphore, #tpu.memory_space<semaphore_mem>>) src(%dma_wait3A_520 : memref<400000x32xf32, #tpu.memory_space<hbm>>) dst(%dma_wait3A_514 : memref<128x32xf32, #tpu.memory_space<vmem>>)
    %dma_wait3A_521 = arith.constant 191 : i32
    %dma_wait3A_522 = arith.constant 1 : i32
    %dma_wait3A_523 = arith.constant 7 : i32
    %dma_wait3A_524 = arith.constant 0 : i32
    %dma_wait3A_525 = arith.constant 0 : i32
    %dma_wait3A_526 = tpu.memref_slice %arg6[%dma_wait3A_522, %dma_wait3A_523, %dma_wait3A_524, %dma_wait3A_525] : memref<2x8x128x32xf32, #tpu.memory_space<vmem>> -> memref<1x1x128x32xf32, #tpu.memory_space<vmem>>
    %dma_wait3A_527 = tpu.memref_squeeze %dma_wait3A_526 : memref<1x1x128x32xf32, #tpu.memory_space<vmem>> -> memref<128x32xf32, #tpu.memory_space<vmem>>
    %dma_wait3A_528 = arith.constant 0 : i32
    %dma_wait3A_529 = tpu.memref_slice %arg5[%dma_wait3A_521, %dma_wait3A_528] : memref<200x128xi32, #tpu.memory_space<vmem>> -> memref<1x128xi32, #tpu.memory_space<vmem>>
    %dma_wait3A_530 = tpu.memref_squeeze %dma_wait3A_529 : memref<1x128xi32, #tpu.memory_space<vmem>> -> memref<128xi32, #tpu.memory_space<vmem>>
    %dma_wait3A_531 = arith.constant 0 : i32
    %dma_wait3A_532 = arith.constant 0 : i32
    %dma_wait3A_533 = tpu.memref_slice %arg3[%dma_wait3A_531, %dma_wait3A_532] : memref<400000x32xf32, #tpu.memory_space<hbm>> -> memref<400000x32xf32, #tpu.memory_space<hbm>>
    tpu.wait_indirect_dma semaphore(%arg9 : memref<!tpu.dma_semaphore, #tpu.memory_space<semaphore_mem>>) src(%dma_wait3A_533 : memref<400000x32xf32, #tpu.memory_space<hbm>>) dst(%dma_wait3A_527 : memref<128x32xf32, #tpu.memory_space<vmem>>)
    %scan3A_534 = arith.constant 0 : i32
    %scan3A_535 = arith.constant 0 : i32
    %scan3A_536 = arith.constant 128 : i32
    %scan3A_537 = arith.addi %scan3A_535, %scan3A_536 : i32
    %scan3A_538 = arith.constant 2 : i32
    %scan3A_539 = scf.for %scan3A_652 = %scan3A_535 to %scan3A_537 step %scan3A_538 iter_args(%scan3A_653 = %scan3A_534) -> (i32)  : i32 {
      %get3A = arith.index_cast %scan3A_652 : i32 to index
      %get3A_654 = arith.constant 0 : index
      %get3A_655 = tpu.vector_load %arg7[%get3A, %get3A_654] {strides = array<i32>} : memref<128x32xf32, #tpu.memory_space<vmem>>, vector<16xf32>,
      %get3A_656 = arith.index_cast %scan3A_652 : i32 to index
      %get3A_657 = arith.constant 16 : index
      %get3A_658 = tpu.vector_load %arg7[%get3A_656, %get3A_657] {strides = array<i32>} : memref<128x32xf32, #tpu.memory_space<vmem>>, vector<16xf32>,
      %get3A_659 = arith.constant 1 : i32
      %get3A_660 = arith.constant 0 : i32
      %get3A_661 = arith.index_cast %get3A_659 : i32 to index
      %get3A_662 = arith.index_cast %get3A_660 : i32 to index
      %get3A_663 = arith.index_cast %scan3A_652 : i32 to index
      %get3A_664 = arith.constant 0 : index
      %get3A_665 = tpu.vector_load %arg6[%get3A_661, %get3A_662, %get3A_663, %get3A_664] {strides = array<i32>} : memref<2x8x128x32xf32, #tpu.memory_space<vmem>>, vector<16xf32>,
      %add3A_666 = arith.addf %get3A_655, %get3A_665 : vector<16xf32>
      %get3A_667 = arith.constant 1 : i32
      %get3A_668 = arith.constant 0 : i32
      %get3A_669 = arith.index_cast %get3A_667 : i32 to index
      %get3A_670 = arith.index_cast %get3A_668 : i32 to index
      %get3A_671 = arith.index_cast %scan3A_652 : i32 to index
      %get3A_672 = arith.constant 16 : index
      %get3A_673 = tpu.vector_load %arg6[%get3A_669, %get3A_670, %get3A_671, %get3A_672] {strides = array<i32>} : memref<2x8x128x32xf32, #tpu.memory_space<vmem>>, vector<16xf32>,
      %add3A_674 = arith.addf %get3A_658, %get3A_673 : vector<16xf32>
      %get3A_675 = arith.constant 1 : i32
      %get3A_676 = arith.constant 1 : i32
      %get3A_677 = arith.index_cast %get3A_675 : i32 to index
      %get3A_678 = arith.index_cast %get3A_676 : i32 to index
      %get3A_679 = arith.index_cast %scan3A_652 : i32 to index
      %get3A_680 = arith.constant 0 : index
      %get3A_681 = tpu.vector_load %arg6[%get3A_677, %get3A_678, %get3A_679, %get3A_680] {strides = array<i32>} : memref<2x8x128x32xf32, #tpu.memory_space<vmem>>, vector<16xf32>,
      %add3A_682 = arith.addf %add3A_666, %get3A_681 : vector<16xf32>
      %get3A_683 = arith.constant 1 : i32
      %get3A_684 = arith.constant 1 : i32
      %get3A_685 = arith.index_cast %get3A_683 : i32 to index
      %get3A_686 = arith.index_cast %get3A_684 : i32 to index
      %get3A_687 = arith.index_cast %scan3A_652 : i32 to index
      %get3A_688 = arith.constant 16 : index
      %get3A_689 = tpu.vector_load %arg6[%get3A_685, %get3A_686, %get3A_687, %get3A_688] {strides = array<i32>} : memref<2x8x128x32xf32, #tpu.memory_space<vmem>>, vector<16xf32>,
      %add3A_690 = arith.addf %add3A_674, %get3A_689 : vector<16xf32>
      %get3A_691 = arith.constant 1 : i32
      %get3A_692 = arith.constant 2 : i32
      %get3A_693 = arith.index_cast %get3A_691 : i32 to index
      %get3A_694 = arith.index_cast %get3A_692 : i32 to index
      %get3A_695 = arith.index_cast %scan3A_652 : i32 to index
      %get3A_696 = arith.constant 0 : index
      %get3A_697 = tpu.vector_load %arg6[%get3A_693, %get3A_694, %get3A_695, %get3A_696] {strides = array<i32>} : memref<2x8x128x32xf32, #tpu.memory_space<vmem>>, vector<16xf32>,
      %add3A_698 = arith.addf %add3A_682, %get3A_697 : vector<16xf32>
      %get3A_699 = arith.constant 1 : i32
      %get3A_700 = arith.constant 2 : i32
      %get3A_701 = arith.index_cast %get3A_699 : i32 to index
      %get3A_702 = arith.index_cast %get3A_700 : i32 to index
      %get3A_703 = arith.index_cast %scan3A_652 : i32 to index
      %get3A_704 = arith.constant 16 : index
      %get3A_705 = tpu.vector_load %arg6[%get3A_701, %get3A_702, %get3A_703, %get3A_704] {strides = array<i32>} : memref<2x8x128x32xf32, #tpu.memory_space<vmem>>, vector<16xf32>,
      %add3A_706 = arith.addf %add3A_690, %get3A_705 : vector<16xf32>
      %get3A_707 = arith.constant 1 : i32
      %get3A_708 = arith.constant 3 : i32
      %get3A_709 = arith.index_cast %get3A_707 : i32 to index
      %get3A_710 = arith.index_cast %get3A_708 : i32 to index
      %get3A_711 = arith.index_cast %scan3A_652 : i32 to index
      %get3A_712 = arith.constant 0 : index
      %get3A_713 = tpu.vector_load %arg6[%get3A_709, %get3A_710, %get3A_711, %get3A_712] {strides = array<i32>} : memref<2x8x128x32xf32, #tpu.memory_space<vmem>>, vector<16xf32>,
      %add3A_714 = arith.addf %add3A_698, %get3A_713 : vector<16xf32>
      %get3A_715 = arith.constant 1 : i32
      %get3A_716 = arith.constant 3 : i32
      %get3A_717 = arith.index_cast %get3A_715 : i32 to index
      %get3A_718 = arith.index_cast %get3A_716 : i32 to index
      %get3A_719 = arith.index_cast %scan3A_652 : i32 to index
      %get3A_720 = arith.constant 16 : index
      %get3A_721 = tpu.vector_load %arg6[%get3A_717, %get3A_718, %get3A_719, %get3A_720] {strides = array<i32>} : memref<2x8x128x32xf32, #tpu.memory_space<vmem>>, vector<16xf32>,
      %add3A_722 = arith.addf %add3A_706, %get3A_721 : vector<16xf32>
      %get3A_723 = arith.constant 1 : i32
      %get3A_724 = arith.constant 4 : i32
      %get3A_725 = arith.index_cast %get3A_723 : i32 to index
      %get3A_726 = arith.index_cast %get3A_724 : i32 to index
      %get3A_727 = arith.index_cast %scan3A_652 : i32 to index
      %get3A_728 = arith.constant 0 : index
      %get3A_729 = tpu.vector_load %arg6[%get3A_725, %get3A_726, %get3A_727, %get3A_728] {strides = array<i32>} : memref<2x8x128x32xf32, #tpu.memory_space<vmem>>, vector<16xf32>,
      %add3A_730 = arith.addf %add3A_714, %get3A_729 : vector<16xf32>
      %get3A_731 = arith.constant 1 : i32
      %get3A_732 = arith.constant 4 : i32
      %get3A_733 = arith.index_cast %get3A_731 : i32 to index
      %get3A_734 = arith.index_cast %get3A_732 : i32 to index
      %get3A_735 = arith.index_cast %scan3A_652 : i32 to index
      %get3A_736 = arith.constant 16 : index
      %get3A_737 = tpu.vector_load %arg6[%get3A_733, %get3A_734, %get3A_735, %get3A_736] {strides = array<i32>} : memref<2x8x128x32xf32, #tpu.memory_space<vmem>>, vector<16xf32>,
      %add3A_738 = arith.addf %add3A_722, %get3A_737 : vector<16xf32>
      %get3A_739 = arith.constant 1 : i32
      %get3A_740 = arith.constant 5 : i32
      %get3A_741 = arith.index_cast %get3A_739 : i32 to index
      %get3A_742 = arith.index_cast %get3A_740 : i32 to index
      %get3A_743 = arith.index_cast %scan3A_652 : i32 to index
      %get3A_744 = arith.constant 0 : index
      %get3A_745 = tpu.vector_load %arg6[%get3A_741, %get3A_742, %get3A_743, %get3A_744] {strides = array<i32>} : memref<2x8x128x32xf32, #tpu.memory_space<vmem>>, vector<16xf32>,
      %add3A_746 = arith.addf %add3A_730, %get3A_745 : vector<16xf32>
      %get3A_747 = arith.constant 1 : i32
      %get3A_748 = arith.constant 5 : i32
      %get3A_749 = arith.index_cast %get3A_747 : i32 to index
      %get3A_750 = arith.index_cast %get3A_748 : i32 to index
      %get3A_751 = arith.index_cast %scan3A_652 : i32 to index
      %get3A_752 = arith.constant 16 : index
      %get3A_753 = tpu.vector_load %arg6[%get3A_749, %get3A_750, %get3A_751, %get3A_752] {strides = array<i32>} : memref<2x8x128x32xf32, #tpu.memory_space<vmem>>, vector<16xf32>,
      %add3A_754 = arith.addf %add3A_738, %get3A_753 : vector<16xf32>
      %get3A_755 = arith.constant 1 : i32
      %get3A_756 = arith.constant 6 : i32
      %get3A_757 = arith.index_cast %get3A_755 : i32 to index
      %get3A_758 = arith.index_cast %get3A_756 : i32 to index
      %get3A_759 = arith.index_cast %scan3A_652 : i32 to index
      %get3A_760 = arith.constant 0 : index
      %get3A_761 = tpu.vector_load %arg6[%get3A_757, %get3A_758, %get3A_759, %get3A_760] {strides = array<i32>} : memref<2x8x128x32xf32, #tpu.memory_space<vmem>>, vector<16xf32>,
      %add3A_762 = arith.addf %add3A_746, %get3A_761 : vector<16xf32>
      %get3A_763 = arith.constant 1 : i32
      %get3A_764 = arith.constant 6 : i32
      %get3A_765 = arith.index_cast %get3A_763 : i32 to index
      %get3A_766 = arith.index_cast %get3A_764 : i32 to index
      %get3A_767 = arith.index_cast %scan3A_652 : i32 to index
      %get3A_768 = arith.constant 16 : index
      %get3A_769 = tpu.vector_load %arg6[%get3A_765, %get3A_766, %get3A_767, %get3A_768] {strides = array<i32>} : memref<2x8x128x32xf32, #tpu.memory_space<vmem>>, vector<16xf32>,
      %add3A_770 = arith.addf %add3A_754, %get3A_769 : vector<16xf32>
      %get3A_771 = arith.constant 1 : i32
      %get3A_772 = arith.constant 7 : i32
      %get3A_773 = arith.index_cast %get3A_771 : i32 to index
      %get3A_774 = arith.index_cast %get3A_772 : i32 to index
      %get3A_775 = arith.index_cast %scan3A_652 : i32 to index
      %get3A_776 = arith.constant 0 : index
      %get3A_777 = tpu.vector_load %arg6[%get3A_773, %get3A_774, %get3A_775, %get3A_776] {strides = array<i32>} : memref<2x8x128x32xf32, #tpu.memory_space<vmem>>, vector<16xf32>,
      %add3A_778 = arith.addf %add3A_762, %get3A_777 : vector<16xf32>
      %get3A_779 = arith.constant 1 : i32
      %get3A_780 = arith.constant 7 : i32
      %get3A_781 = arith.index_cast %get3A_779 : i32 to index
      %get3A_782 = arith.index_cast %get3A_780 : i32 to index
      %get3A_783 = arith.index_cast %scan3A_652 : i32 to index
      %get3A_784 = arith.constant 16 : index
      %get3A_785 = tpu.vector_load %arg6[%get3A_781, %get3A_782, %get3A_783, %get3A_784] {strides = array<i32>} : memref<2x8x128x32xf32, #tpu.memory_space<vmem>>, vector<16xf32>,
      %add3A_786 = arith.addf %add3A_770, %get3A_785 : vector<16xf32>
      %swap3A = arith.index_cast %scan3A_652 : i32 to index
      %swap3A_787 = arith.constant 0 : index
      %swap3A_788 = tpu.vector_load %arg7[%swap3A, %swap3A_787] {strides = array<i32>} : memref<128x32xf32, #tpu.memory_space<vmem>>, vector<16xf32>,
      tpu.vector_store %arg7[%swap3A, %swap3A_787], %add3A_778 {strides = array<i32>} : memref<128x32xf32, #tpu.memory_space<vmem>>, vector<16xf32>,
      %swap3A_789 = arith.index_cast %scan3A_652 : i32 to index
      %swap3A_790 = arith.constant 16 : index
      %swap3A_791 = tpu.vector_load %arg7[%swap3A_789, %swap3A_790] {strides = array<i32>} : memref<128x32xf32, #tpu.memory_space<vmem>>, vector<16xf32>,
      tpu.vector_store %arg7[%swap3A_789, %swap3A_790], %add3A_786 {strides = array<i32>} : memref<128x32xf32, #tpu.memory_space<vmem>>, vector<16xf32>,
      %scan3A_792 = arith.constant 0 : i32
      %scan3A_793 = arith.constant 1 : i32
      %scan3A_794 = arith.addi %scan3A_652, %scan3A_793 : i32
      %get3A_795 = arith.index_cast %scan3A_794 : i32 to index
      %get3A_796 = arith.constant 0 : index
      %get3A_797 = tpu.vector_load %arg7[%get3A_795, %get3A_796] {strides = array<i32>} : memref<128x32xf32, #tpu.memory_space<vmem>>, vector<16xf32>,
      %get3A_798 = arith.index_cast %scan3A_794 : i32 to index
      %get3A_799 = arith.constant 16 : index
      %get3A_800 = tpu.vector_load %arg7[%get3A_798, %get3A_799] {strides = array<i32>} : memref<128x32xf32, #tpu.memory_space<vmem>>, vector<16xf32>,
      %get3A_801 = arith.constant 1 : i32
      %get3A_802 = arith.constant 0 : i32
      %get3A_803 = arith.index_cast %get3A_801 : i32 to index
      %get3A_804 = arith.index_cast %get3A_802 : i32 to index
      %get3A_805 = arith.index_cast %scan3A_794 : i32 to index
      %get3A_806 = arith.constant 0 : index
      %get3A_807 = tpu.vector_load %arg6[%get3A_803, %get3A_804, %get3A_805, %get3A_806] {strides = array<i32>} : memref<2x8x128x32xf32, #tpu.memory_space<vmem>>, vector<16xf32>,
      %add3A_808 = arith.addf %get3A_797, %get3A_807 : vector<16xf32>
      %get3A_809 = arith.constant 1 : i32
      %get3A_810 = arith.constant 0 : i32
      %get3A_811 = arith.index_cast %get3A_809 : i32 to index
      %get3A_812 = arith.index_cast %get3A_810 : i32 to index
      %get3A_813 = arith.index_cast %scan3A_794 : i32 to index
      %get3A_814 = arith.constant 16 : index
      %get3A_815 = tpu.vector_load %arg6[%get3A_811, %get3A_812, %get3A_813, %get3A_814] {strides = array<i32>} : memref<2x8x128x32xf32, #tpu.memory_space<vmem>>, vector<16xf32>,
      %add3A_816 = arith.addf %get3A_800, %get3A_815 : vector<16xf32>
      %get3A_817 = arith.constant 1 : i32
      %get3A_818 = arith.constant 1 : i32
      %get3A_819 = arith.index_cast %get3A_817 : i32 to index
      %get3A_820 = arith.index_cast %get3A_818 : i32 to index
      %get3A_821 = arith.index_cast %scan3A_794 : i32 to index
      %get3A_822 = arith.constant 0 : index
      %get3A_823 = tpu.vector_load %arg6[%get3A_819, %get3A_820, %get3A_821, %get3A_822] {strides = array<i32>} : memref<2x8x128x32xf32, #tpu.memory_space<vmem>>, vector<16xf32>,
      %add3A_824 = arith.addf %add3A_808, %get3A_823 : vector<16xf32>
      %get3A_825 = arith.constant 1 : i32
      %get3A_826 = arith.constant 1 : i32
      %get3A_827 = arith.index_cast %get3A_825 : i32 to index
      %get3A_828 = arith.index_cast %get3A_826 : i32 to index
      %get3A_829 = arith.index_cast %scan3A_794 : i32 to index
      %get3A_830 = arith.constant 16 : index
      %get3A_831 = tpu.vector_load %arg6[%get3A_827, %get3A_828, %get3A_829, %get3A_830] {strides = array<i32>} : memref<2x8x128x32xf32, #tpu.memory_space<vmem>>, vector<16xf32>,
      %add3A_832 = arith.addf %add3A_816, %get3A_831 : vector<16xf32>
      %get3A_833 = arith.constant 1 : i32
      %get3A_834 = arith.constant 2 : i32
      %get3A_835 = arith.index_cast %get3A_833 : i32 to index
      %get3A_836 = arith.index_cast %get3A_834 : i32 to index
      %get3A_837 = arith.index_cast %scan3A_794 : i32 to index
      %get3A_838 = arith.constant 0 : index
      %get3A_839 = tpu.vector_load %arg6[%get3A_835, %get3A_836, %get3A_837, %get3A_838] {strides = array<i32>} : memref<2x8x128x32xf32, #tpu.memory_space<vmem>>, vector<16xf32>,
      %add3A_840 = arith.addf %add3A_824, %get3A_839 : vector<16xf32>
      %get3A_841 = arith.constant 1 : i32
      %get3A_842 = arith.constant 2 : i32
      %get3A_843 = arith.index_cast %get3A_841 : i32 to index
      %get3A_844 = arith.index_cast %get3A_842 : i32 to index
      %get3A_845 = arith.index_cast %scan3A_794 : i32 to index
      %get3A_846 = arith.constant 16 : index
      %get3A_847 = tpu.vector_load %arg6[%get3A_843, %get3A_844, %get3A_845, %get3A_846] {strides = array<i32>} : memref<2x8x128x32xf32, #tpu.memory_space<vmem>>, vector<16xf32>,
      %add3A_848 = arith.addf %add3A_832, %get3A_847 : vector<16xf32>
      %get3A_849 = arith.constant 1 : i32
      %get3A_850 = arith.constant 3 : i32
      %get3A_851 = arith.index_cast %get3A_849 : i32 to index
      %get3A_852 = arith.index_cast %get3A_850 : i32 to index
      %get3A_853 = arith.index_cast %scan3A_794 : i32 to index
      %get3A_854 = arith.constant 0 : index
      %get3A_855 = tpu.vector_load %arg6[%get3A_851, %get3A_852, %get3A_853, %get3A_854] {strides = array<i32>} : memref<2x8x128x32xf32, #tpu.memory_space<vmem>>, vector<16xf32>,
      %add3A_856 = arith.addf %add3A_840, %get3A_855 : vector<16xf32>
      %get3A_857 = arith.constant 1 : i32
      %get3A_858 = arith.constant 3 : i32
      %get3A_859 = arith.index_cast %get3A_857 : i32 to index
      %get3A_860 = arith.index_cast %get3A_858 : i32 to index
      %get3A_861 = arith.index_cast %scan3A_794 : i32 to index
      %get3A_862 = arith.constant 16 : index
      %get3A_863 = tpu.vector_load %arg6[%get3A_859, %get3A_860, %get3A_861, %get3A_862] {strides = array<i32>} : memref<2x8x128x32xf32, #tpu.memory_space<vmem>>, vector<16xf32>,
      %add3A_864 = arith.addf %add3A_848, %get3A_863 : vector<16xf32>
      %get3A_865 = arith.constant 1 : i32
      %get3A_866 = arith.constant 4 : i32
      %get3A_867 = arith.index_cast %get3A_865 : i32 to index
      %get3A_868 = arith.index_cast %get3A_866 : i32 to index
      %get3A_869 = arith.index_cast %scan3A_794 : i32 to index
      %get3A_870 = arith.constant 0 : index
      %get3A_871 = tpu.vector_load %arg6[%get3A_867, %get3A_868, %get3A_869, %get3A_870] {strides = array<i32>} : memref<2x8x128x32xf32, #tpu.memory_space<vmem>>, vector<16xf32>,
      %add3A_872 = arith.addf %add3A_856, %get3A_871 : vector<16xf32>
      %get3A_873 = arith.constant 1 : i32
      %get3A_874 = arith.constant 4 : i32
      %get3A_875 = arith.index_cast %get3A_873 : i32 to index
      %get3A_876 = arith.index_cast %get3A_874 : i32 to index
      %get3A_877 = arith.index_cast %scan3A_794 : i32 to index
      %get3A_878 = arith.constant 16 : index
      %get3A_879 = tpu.vector_load %arg6[%get3A_875, %get3A_876, %get3A_877, %get3A_878] {strides = array<i32>} : memref<2x8x128x32xf32, #tpu.memory_space<vmem>>, vector<16xf32>,
      %add3A_880 = arith.addf %add3A_864, %get3A_879 : vector<16xf32>
      %get3A_881 = arith.constant 1 : i32
      %get3A_882 = arith.constant 5 : i32
      %get3A_883 = arith.index_cast %get3A_881 : i32 to index
      %get3A_884 = arith.index_cast %get3A_882 : i32 to index
      %get3A_885 = arith.index_cast %scan3A_794 : i32 to index
      %get3A_886 = arith.constant 0 : index
      %get3A_887 = tpu.vector_load %arg6[%get3A_883, %get3A_884, %get3A_885, %get3A_886] {strides = array<i32>} : memref<2x8x128x32xf32, #tpu.memory_space<vmem>>, vector<16xf32>,
      %add3A_888 = arith.addf %add3A_872, %get3A_887 : vector<16xf32>
      %get3A_889 = arith.constant 1 : i32
      %get3A_890 = arith.constant 5 : i32
      %get3A_891 = arith.index_cast %get3A_889 : i32 to index
      %get3A_892 = arith.index_cast %get3A_890 : i32 to index
      %get3A_893 = arith.index_cast %scan3A_794 : i32 to index
      %get3A_894 = arith.constant 16 : index
      %get3A_895 = tpu.vector_load %arg6[%get3A_891, %get3A_892, %get3A_893, %get3A_894] {strides = array<i32>} : memref<2x8x128x32xf32, #tpu.memory_space<vmem>>, vector<16xf32>,
      %add3A_896 = arith.addf %add3A_880, %get3A_895 : vector<16xf32>
      %get3A_897 = arith.constant 1 : i32
      %get3A_898 = arith.constant 6 : i32
      %get3A_899 = arith.index_cast %get3A_897 : i32 to index
      %get3A_900 = arith.index_cast %get3A_898 : i32 to index
      %get3A_901 = arith.index_cast %scan3A_794 : i32 to index
      %get3A_902 = arith.constant 0 : index
      %get3A_903 = tpu.vector_load %arg6[%get3A_899, %get3A_900, %get3A_901, %get3A_902] {strides = array<i32>} : memref<2x8x128x32xf32, #tpu.memory_space<vmem>>, vector<16xf32>,
      %add3A_904 = arith.addf %add3A_888, %get3A_903 : vector<16xf32>
      %get3A_905 = arith.constant 1 : i32
      %get3A_906 = arith.constant 6 : i32
      %get3A_907 = arith.index_cast %get3A_905 : i32 to index
      %get3A_908 = arith.index_cast %get3A_906 : i32 to index
      %get3A_909 = arith.index_cast %scan3A_794 : i32 to index
      %get3A_910 = arith.constant 16 : index
      %get3A_911 = tpu.vector_load %arg6[%get3A_907, %get3A_908, %get3A_909, %get3A_910] {strides = array<i32>} : memref<2x8x128x32xf32, #tpu.memory_space<vmem>>, vector<16xf32>,
      %add3A_912 = arith.addf %add3A_896, %get3A_911 : vector<16xf32>
      %get3A_913 = arith.constant 1 : i32
      %get3A_914 = arith.constant 7 : i32
      %get3A_915 = arith.index_cast %get3A_913 : i32 to index
      %get3A_916 = arith.index_cast %get3A_914 : i32 to index
      %get3A_917 = arith.index_cast %scan3A_794 : i32 to index
      %get3A_918 = arith.constant 0 : index
      %get3A_919 = tpu.vector_load %arg6[%get3A_915, %get3A_916, %get3A_917, %get3A_918] {strides = array<i32>} : memref<2x8x128x32xf32, #tpu.memory_space<vmem>>, vector<16xf32>,
      %add3A_920 = arith.addf %add3A_904, %get3A_919 : vector<16xf32>
      %get3A_921 = arith.constant 1 : i32
      %get3A_922 = arith.constant 7 : i32
      %get3A_923 = arith.index_cast %get3A_921 : i32 to index
      %get3A_924 = arith.index_cast %get3A_922 : i32 to index
      %get3A_925 = arith.index_cast %scan3A_794 : i32 to index
      %get3A_926 = arith.constant 16 : index
      %get3A_927 = tpu.vector_load %arg6[%get3A_923, %get3A_924, %get3A_925, %get3A_926] {strides = array<i32>} : memref<2x8x128x32xf32, #tpu.memory_space<vmem>>, vector<16xf32>,
      %add3A_928 = arith.addf %add3A_912, %get3A_927 : vector<16xf32>
      %swap3A_929 = arith.index_cast %scan3A_794 : i32 to index
      %swap3A_930 = arith.constant 0 : index
      %swap3A_931 = tpu.vector_load %arg7[%swap3A_929, %swap3A_930] {strides = array<i32>} : memref<128x32xf32, #tpu.memory_space<vmem>>, vector<16xf32>,
      tpu.vector_store %arg7[%swap3A_929, %swap3A_930], %add3A_920 {strides = array<i32>} : memref<128x32xf32, #tpu.memory_space<vmem>>, vector<16xf32>,
      %swap3A_932 = arith.index_cast %scan3A_794 : i32 to index
      %swap3A_933 = arith.constant 16 : index
      %swap3A_934 = tpu.vector_load %arg7[%swap3A_932, %swap3A_933] {strides = array<i32>} : memref<128x32xf32, #tpu.memory_space<vmem>>, vector<16xf32>,
      tpu.vector_store %arg7[%swap3A_932, %swap3A_933], %add3A_928 {strides = array<i32>} : memref<128x32xf32, #tpu.memory_space<vmem>>, vector<16xf32>,
      %scan3A_935 = arith.constant 0 : i32
      scf.yield %scan3A_935 : i32
    }
    %scan3A_540 = arith.constant 128 : i32
    %dma_wait3A_541 = arith.constant 192 : i32
    %dma_wait3A_542 = arith.constant 0 : i32
    %dma_wait3A_543 = arith.constant 0 : i32
    %dma_wait3A_544 = arith.constant 0 : i32
    %dma_wait3A_545 = arith.constant 0 : i32
    %dma_wait3A_546 = tpu.memref_slice %arg6[%dma_wait3A_542, %dma_wait3A_543, %dma_wait3A_544, %dma_wait3A_545] : memref<2x8x128x32xf32, #tpu.memory_space<vmem>> -> memref<1x1x128x32xf32, #tpu.memory_space<vmem>>
    %dma_wait3A_547 = tpu.memref_squeeze %dma_wait3A_546 : memref<1x1x128x32xf32, #tpu.memory_space<vmem>> -> memref<128x32xf32, #tpu.memory_space<vmem>>
    %dma_wait3A_548 = arith.constant 0 : i32
    %dma_wait3A_549 = tpu.memref_slice %arg5[%dma_wait3A_541, %dma_wait3A_548] : memref<200x128xi32, #tpu.memory_space<vmem>> -> memref<1x128xi32, #tpu.memory_space<vmem>>
    %dma_wait3A_550 = tpu.memref_squeeze %dma_wait3A_549 : memref<1x128xi32, #tpu.memory_space<vmem>> -> memref<128xi32, #tpu.memory_space<vmem>>
    %dma_wait3A_551 = arith.constant 0 : i32
    %dma_wait3A_552 = arith.constant 0 : i32
    %dma_wait3A_553 = tpu.memref_slice %arg3[%dma_wait3A_551, %dma_wait3A_552] : memref<400000x32xf32, #tpu.memory_space<hbm>> -> memref<400000x32xf32, #tpu.memory_space<hbm>>
    tpu.wait_indirect_dma semaphore(%arg8 : memref<!tpu.dma_semaphore, #tpu.memory_space<semaphore_mem>>) src(%dma_wait3A_553 : memref<400000x32xf32, #tpu.memory_space<hbm>>) dst(%dma_wait3A_547 : memref<128x32xf32, #tpu.memory_space<vmem>>)
    %dma_wait3A_554 = arith.constant 193 : i32
    %dma_wait3A_555 = arith.constant 0 : i32
    %dma_wait3A_556 = arith.constant 1 : i32
    %dma_wait3A_557 = arith.constant 0 : i32
    %dma_wait3A_558 = arith.constant 0 : i32
    %dma_wait3A_559 = tpu.memref_slice %arg6[%dma_wait3A_555, %dma_wait3A_556, %dma_wait3A_557, %dma_wait3A_558] : memref<2x8x128x32xf32, #tpu.memory_space<vmem>> -> memref<1x1x128x32xf32, #tpu.memory_space<vmem>>
    %dma_wait3A_560 = tpu.memref_squeeze %dma_wait3A_559 : memref<1x1x128x32xf32, #tpu.memory_space<vmem>> -> memref<128x32xf32, #tpu.memory_space<vmem>>
    %dma_wait3A_561 = arith.constant 0 : i32
    %dma_wait3A_562 = tpu.memref_slice %arg5[%dma_wait3A_554, %dma_wait3A_561] : memref<200x128xi32, #tpu.memory_space<vmem>> -> memref<1x128xi32, #tpu.memory_space<vmem>>
    %dma_wait3A_563 = tpu.memref_squeeze %dma_wait3A_562 : memref<1x128xi32, #tpu.memory_space<vmem>> -> memref<128xi32, #tpu.memory_space<vmem>>
    %dma_wait3A_564 = arith.constant 0 : i32
    %dma_wait3A_565 = arith.constant 0 : i32
    %dma_wait3A_566 = tpu.memref_slice %arg3[%dma_wait3A_564, %dma_wait3A_565] : memref<400000x32xf32, #tpu.memory_space<hbm>> -> memref<400000x32xf32, #tpu.memory_space<hbm>>
    tpu.wait_indirect_dma semaphore(%arg8 : memref<!tpu.dma_semaphore, #tpu.memory_space<semaphore_mem>>) src(%dma_wait3A_566 : memref<400000x32xf32, #tpu.memory_space<hbm>>) dst(%dma_wait3A_560 : memref<128x32xf32, #tpu.memory_space<vmem>>)
    %dma_wait3A_567 = arith.constant 194 : i32
    %dma_wait3A_568 = arith.constant 0 : i32
    %dma_wait3A_569 = arith.constant 2 : i32
    %dma_wait3A_570 = arith.constant 0 : i32
    %dma_wait3A_571 = arith.constant 0 : i32
    %dma_wait3A_572 = tpu.memref_slice %arg6[%dma_wait3A_568, %dma_wait3A_569, %dma_wait3A_570, %dma_wait3A_571] : memref<2x8x128x32xf32, #tpu.memory_space<vmem>> -> memref<1x1x128x32xf32, #tpu.memory_space<vmem>>
    %dma_wait3A_573 = tpu.memref_squeeze %dma_wait3A_572 : memref<1x1x128x32xf32, #tpu.memory_space<vmem>> -> memref<128x32xf32, #tpu.memory_space<vmem>>
    %dma_wait3A_574 = arith.constant 0 : i32
    %dma_wait3A_575 = tpu.memref_slice %arg5[%dma_wait3A_567, %dma_wait3A_574] : memref<200x128xi32, #tpu.memory_space<vmem>> -> memref<1x128xi32, #tpu.memory_space<vmem>>
    %dma_wait3A_576 = tpu.memref_squeeze %dma_wait3A_575 : memref<1x128xi32, #tpu.memory_space<vmem>> -> memref<128xi32, #tpu.memory_space<vmem>>
    %dma_wait3A_577 = arith.constant 0 : i32
    %dma_wait3A_578 = arith.constant 0 : i32
    %dma_wait3A_579 = tpu.memref_slice %arg3[%dma_wait3A_577, %dma_wait3A_578] : memref<400000x32xf32, #tpu.memory_space<hbm>> -> memref<400000x32xf32, #tpu.memory_space<hbm>>
    tpu.wait_indirect_dma semaphore(%arg8 : memref<!tpu.dma_semaphore, #tpu.memory_space<semaphore_mem>>) src(%dma_wait3A_579 : memref<400000x32xf32, #tpu.memory_space<hbm>>) dst(%dma_wait3A_573 : memref<128x32xf32, #tpu.memory_space<vmem>>)
    %dma_wait3A_580 = arith.constant 195 : i32
    %dma_wait3A_581 = arith.constant 0 : i32
    %dma_wait3A_582 = arith.constant 3 : i32
    %dma_wait3A_583 = arith.constant 0 : i32
    %dma_wait3A_584 = arith.constant 0 : i32
    %dma_wait3A_585 = tpu.memref_slice %arg6[%dma_wait3A_581, %dma_wait3A_582, %dma_wait3A_583, %dma_wait3A_584] : memref<2x8x128x32xf32, #tpu.memory_space<vmem>> -> memref<1x1x128x32xf32, #tpu.memory_space<vmem>>
    %dma_wait3A_586 = tpu.memref_squeeze %dma_wait3A_585 : memref<1x1x128x32xf32, #tpu.memory_space<vmem>> -> memref<128x32xf32, #tpu.memory_space<vmem>>
    %dma_wait3A_587 = arith.constant 0 : i32
    %dma_wait3A_588 = tpu.memref_slice %arg5[%dma_wait3A_580, %dma_wait3A_587] : memref<200x128xi32, #tpu.memory_space<vmem>> -> memref<1x128xi32, #tpu.memory_space<vmem>>
    %dma_wait3A_589 = tpu.memref_squeeze %dma_wait3A_588 : memref<1x128xi32, #tpu.memory_space<vmem>> -> memref<128xi32, #tpu.memory_space<vmem>>
    %dma_wait3A_590 = arith.constant 0 : i32
    %dma_wait3A_591 = arith.constant 0 : i32
    %dma_wait3A_592 = tpu.memref_slice %arg3[%dma_wait3A_590, %dma_wait3A_591] : memref<400000x32xf32, #tpu.memory_space<hbm>> -> memref<400000x32xf32, #tpu.memory_space<hbm>>
    tpu.wait_indirect_dma semaphore(%arg8 : memref<!tpu.dma_semaphore, #tpu.memory_space<semaphore_mem>>) src(%dma_wait3A_592 : memref<400000x32xf32, #tpu.memory_space<hbm>>) dst(%dma_wait3A_586 : memref<128x32xf32, #tpu.memory_space<vmem>>)
    %dma_wait3A_593 = arith.constant 196 : i32
    %dma_wait3A_594 = arith.constant 0 : i32
    %dma_wait3A_595 = arith.constant 4 : i32
    %dma_wait3A_596 = arith.constant 0 : i32
    %dma_wait3A_597 = arith.constant 0 : i32
    %dma_wait3A_598 = tpu.memref_slice %arg6[%dma_wait3A_594, %dma_wait3A_595, %dma_wait3A_596, %dma_wait3A_597] : memref<2x8x128x32xf32, #tpu.memory_space<vmem>> -> memref<1x1x128x32xf32, #tpu.memory_space<vmem>>
    %dma_wait3A_599 = tpu.memref_squeeze %dma_wait3A_598 : memref<1x1x128x32xf32, #tpu.memory_space<vmem>> -> memref<128x32xf32, #tpu.memory_space<vmem>>
    %dma_wait3A_600 = arith.constant 0 : i32
    %dma_wait3A_601 = tpu.memref_slice %arg5[%dma_wait3A_593, %dma_wait3A_600] : memref<200x128xi32, #tpu.memory_space<vmem>> -> memref<1x128xi32, #tpu.memory_space<vmem>>
    %dma_wait3A_602 = tpu.memref_squeeze %dma_wait3A_601 : memref<1x128xi32, #tpu.memory_space<vmem>> -> memref<128xi32, #tpu.memory_space<vmem>>
    %dma_wait3A_603 = arith.constant 0 : i32
    %dma_wait3A_604 = arith.constant 0 : i32
    %dma_wait3A_605 = tpu.memref_slice %arg3[%dma_wait3A_603, %dma_wait3A_604] : memref<400000x32xf32, #tpu.memory_space<hbm>> -> memref<400000x32xf32, #tpu.memory_space<hbm>>
    tpu.wait_indirect_dma semaphore(%arg8 : memref<!tpu.dma_semaphore, #tpu.memory_space<semaphore_mem>>) src(%dma_wait3A_605 : memref<400000x32xf32, #tpu.memory_space<hbm>>) dst(%dma_wait3A_599 : memref<128x32xf32, #tpu.memory_space<vmem>>)
    %dma_wait3A_606 = arith.constant 197 : i32
    %dma_wait3A_607 = arith.constant 0 : i32
    %dma_wait3A_608 = arith.constant 5 : i32
    %dma_wait3A_609 = arith.constant 0 : i32
    %dma_wait3A_610 = arith.constant 0 : i32
    %dma_wait3A_611 = tpu.memref_slice %arg6[%dma_wait3A_607, %dma_wait3A_608, %dma_wait3A_609, %dma_wait3A_610] : memref<2x8x128x32xf32, #tpu.memory_space<vmem>> -> memref<1x1x128x32xf32, #tpu.memory_space<vmem>>
    %dma_wait3A_612 = tpu.memref_squeeze %dma_wait3A_611 : memref<1x1x128x32xf32, #tpu.memory_space<vmem>> -> memref<128x32xf32, #tpu.memory_space<vmem>>
    %dma_wait3A_613 = arith.constant 0 : i32
    %dma_wait3A_614 = tpu.memref_slice %arg5[%dma_wait3A_606, %dma_wait3A_613] : memref<200x128xi32, #tpu.memory_space<vmem>> -> memref<1x128xi32, #tpu.memory_space<vmem>>
    %dma_wait3A_615 = tpu.memref_squeeze %dma_wait3A_614 : memref<1x128xi32, #tpu.memory_space<vmem>> -> memref<128xi32, #tpu.memory_space<vmem>>
    %dma_wait3A_616 = arith.constant 0 : i32
    %dma_wait3A_617 = arith.constant 0 : i32
    %dma_wait3A_618 = tpu.memref_slice %arg3[%dma_wait3A_616, %dma_wait3A_617] : memref<400000x32xf32, #tpu.memory_space<hbm>> -> memref<400000x32xf32, #tpu.memory_space<hbm>>
    tpu.wait_indirect_dma semaphore(%arg8 : memref<!tpu.dma_semaphore, #tpu.memory_space<semaphore_mem>>) src(%dma_wait3A_618 : memref<400000x32xf32, #tpu.memory_space<hbm>>) dst(%dma_wait3A_612 : memref<128x32xf32, #tpu.memory_space<vmem>>)
    %dma_wait3A_619 = arith.constant 198 : i32
    %dma_wait3A_620 = arith.constant 0 : i32
    %dma_wait3A_621 = arith.constant 6 : i32
    %dma_wait3A_622 = arith.constant 0 : i32
    %dma_wait3A_623 = arith.constant 0 : i32
    %dma_wait3A_624 = tpu.memref_slice %arg6[%dma_wait3A_620, %dma_wait3A_621, %dma_wait3A_622, %dma_wait3A_623] : memref<2x8x128x32xf32, #tpu.memory_space<vmem>> -> memref<1x1x128x32xf32, #tpu.memory_space<vmem>>
    %dma_wait3A_625 = tpu.memref_squeeze %dma_wait3A_624 : memref<1x1x128x32xf32, #tpu.memory_space<vmem>> -> memref<128x32xf32, #tpu.memory_space<vmem>>
    %dma_wait3A_626 = arith.constant 0 : i32
    %dma_wait3A_627 = tpu.memref_slice %arg5[%dma_wait3A_619, %dma_wait3A_626] : memref<200x128xi32, #tpu.memory_space<vmem>> -> memref<1x128xi32, #tpu.memory_space<vmem>>
    %dma_wait3A_628 = tpu.memref_squeeze %dma_wait3A_627 : memref<1x128xi32, #tpu.memory_space<vmem>> -> memref<128xi32, #tpu.memory_space<vmem>>
    %dma_wait3A_629 = arith.constant 0 : i32
    %dma_wait3A_630 = arith.constant 0 : i32
    %dma_wait3A_631 = tpu.memref_slice %arg3[%dma_wait3A_629, %dma_wait3A_630] : memref<400000x32xf32, #tpu.memory_space<hbm>> -> memref<400000x32xf32, #tpu.memory_space<hbm>>
    tpu.wait_indirect_dma semaphore(%arg8 : memref<!tpu.dma_semaphore, #tpu.memory_space<semaphore_mem>>) src(%dma_wait3A_631 : memref<400000x32xf32, #tpu.memory_space<hbm>>) dst(%dma_wait3A_625 : memref<128x32xf32, #tpu.memory_space<vmem>>)
    %dma_wait3A_632 = arith.constant 199 : i32
    %dma_wait3A_633 = arith.constant 0 : i32
    %dma_wait3A_634 = arith.constant 7 : i32
    %dma_wait3A_635 = arith.constant 0 : i32
    %dma_wait3A_636 = arith.constant 0 : i32
    %dma_wait3A_637 = tpu.memref_slice %arg6[%dma_wait3A_633, %dma_wait3A_634, %dma_wait3A_635, %dma_wait3A_636] : memref<2x8x128x32xf32, #tpu.memory_space<vmem>> -> memref<1x1x128x32xf32, #tpu.memory_space<vmem>>
    %dma_wait3A_638 = tpu.memref_squeeze %dma_wait3A_637 : memref<1x1x128x32xf32, #tpu.memory_space<vmem>> -> memref<128x32xf32, #tpu.memory_space<vmem>>
    %dma_wait3A_639 = arith.constant 0 : i32
    %dma_wait3A_640 = tpu.memref_slice %arg5[%dma_wait3A_632, %dma_wait3A_639] : memref<200x128xi32, #tpu.memory_space<vmem>> -> memref<1x128xi32, #tpu.memory_space<vmem>>
    %dma_wait3A_641 = tpu.memref_squeeze %dma_wait3A_640 : memref<1x128xi32, #tpu.memory_space<vmem>> -> memref<128xi32, #tpu.memory_space<vmem>>
    %dma_wait3A_642 = arith.constant 0 : i32
    %dma_wait3A_643 = arith.constant 0 : i32
    %dma_wait3A_644 = tpu.memref_slice %arg3[%dma_wait3A_642, %dma_wait3A_643] : memref<400000x32xf32, #tpu.memory_space<hbm>> -> memref<400000x32xf32, #tpu.memory_space<hbm>>
    tpu.wait_indirect_dma semaphore(%arg8 : memref<!tpu.dma_semaphore, #tpu.memory_space<semaphore_mem>>) src(%dma_wait3A_644 : memref<400000x32xf32, #tpu.memory_space<hbm>>) dst(%dma_wait3A_638 : memref<128x32xf32, #tpu.memory_space<vmem>>)
    %scan3A_645 = arith.constant 0 : i32
    %scan3A_646 = arith.constant 0 : i32
    %scan3A_647 = arith.constant 128 : i32
    %scan3A_648 = arith.addi %scan3A_646, %scan3A_647 : i32
    %scan3A_649 = arith.constant 2 : i32
    %scan3A_650 = scf.for %scan3A_652 = %scan3A_646 to %scan3A_648 step %scan3A_649 iter_args(%scan3A_653 = %scan3A_645) -> (i32)  : i32 {
      %get3A = arith.index_cast %scan3A_652 : i32 to index
      %get3A_654 = arith.constant 0 : index
      %get3A_655 = tpu.vector_load %arg7[%get3A, %get3A_654] {strides = array<i32>} : memref<128x32xf32, #tpu.memory_space<vmem>>, vector<16xf32>,
      %get3A_656 = arith.index_cast %scan3A_652 : i32 to index
      %get3A_657 = arith.constant 16 : index
      %get3A_658 = tpu.vector_load %arg7[%get3A_656, %get3A_657] {strides = array<i32>} : memref<128x32xf32, #tpu.memory_space<vmem>>, vector<16xf32>,
      %get3A_659 = arith.constant 0 : i32
      %get3A_660 = arith.constant 0 : i32
      %get3A_661 = arith.index_cast %get3A_659 : i32 to index
      %get3A_662 = arith.index_cast %get3A_660 : i32 to index
      %get3A_663 = arith.index_cast %scan3A_652 : i32 to index
      %get3A_664 = arith.constant 0 : index
      %get3A_665 = tpu.vector_load %arg6[%get3A_661, %get3A_662, %get3A_663, %get3A_664] {strides = array<i32>} : memref<2x8x128x32xf32, #tpu.memory_space<vmem>>, vector<16xf32>,
      %add3A_666 = arith.addf %get3A_655, %get3A_665 : vector<16xf32>
      %get3A_667 = arith.constant 0 : i32
      %get3A_668 = arith.constant 0 : i32
      %get3A_669 = arith.index_cast %get3A_667 : i32 to index
      %get3A_670 = arith.index_cast %get3A_668 : i32 to index
      %get3A_671 = arith.index_cast %scan3A_652 : i32 to index
      %get3A_672 = arith.constant 16 : index
      %get3A_673 = tpu.vector_load %arg6[%get3A_669, %get3A_670, %get3A_671, %get3A_672] {strides = array<i32>} : memref<2x8x128x32xf32, #tpu.memory_space<vmem>>, vector<16xf32>,
      %add3A_674 = arith.addf %get3A_658, %get3A_673 : vector<16xf32>
      %get3A_675 = arith.constant 0 : i32
      %get3A_676 = arith.constant 1 : i32
      %get3A_677 = arith.index_cast %get3A_675 : i32 to index
      %get3A_678 = arith.index_cast %get3A_676 : i32 to index
      %get3A_679 = arith.index_cast %scan3A_652 : i32 to index
      %get3A_680 = arith.constant 0 : index
      %get3A_681 = tpu.vector_load %arg6[%get3A_677, %get3A_678, %get3A_679, %get3A_680] {strides = array<i32>} : memref<2x8x128x32xf32, #tpu.memory_space<vmem>>, vector<16xf32>,
      %add3A_682 = arith.addf %add3A_666, %get3A_681 : vector<16xf32>
      %get3A_683 = arith.constant 0 : i32
      %get3A_684 = arith.constant 1 : i32
      %get3A_685 = arith.index_cast %get3A_683 : i32 to index
      %get3A_686 = arith.index_cast %get3A_684 : i32 to index
      %get3A_687 = arith.index_cast %scan3A_652 : i32 to index
      %get3A_688 = arith.constant 16 : index
      %get3A_689 = tpu.vector_load %arg6[%get3A_685, %get3A_686, %get3A_687, %get3A_688] {strides = array<i32>} : memref<2x8x128x32xf32, #tpu.memory_space<vmem>>, vector<16xf32>,
      %add3A_690 = arith.addf %add3A_674, %get3A_689 : vector<16xf32>
      %get3A_691 = arith.constant 0 : i32
      %get3A_692 = arith.constant 2 : i32
      %get3A_693 = arith.index_cast %get3A_691 : i32 to index
      %get3A_694 = arith.index_cast %get3A_692 : i32 to index
      %get3A_695 = arith.index_cast %scan3A_652 : i32 to index
      %get3A_696 = arith.constant 0 : index
      %get3A_697 = tpu.vector_load %arg6[%get3A_693, %get3A_694, %get3A_695, %get3A_696] {strides = array<i32>} : memref<2x8x128x32xf32, #tpu.memory_space<vmem>>, vector<16xf32>,
      %add3A_698 = arith.addf %add3A_682, %get3A_697 : vector<16xf32>
      %get3A_699 = arith.constant 0 : i32
      %get3A_700 = arith.constant 2 : i32
      %get3A_701 = arith.index_cast %get3A_699 : i32 to index
      %get3A_702 = arith.index_cast %get3A_700 : i32 to index
      %get3A_703 = arith.index_cast %scan3A_652 : i32 to index
      %get3A_704 = arith.constant 16 : index
      %get3A_705 = tpu.vector_load %arg6[%get3A_701, %get3A_702, %get3A_703, %get3A_704] {strides = array<i32>} : memref<2x8x128x32xf32, #tpu.memory_space<vmem>>, vector<16xf32>,
      %add3A_706 = arith.addf %add3A_690, %get3A_705 : vector<16xf32>
      %get3A_707 = arith.constant 0 : i32
      %get3A_708 = arith.constant 3 : i32
      %get3A_709 = arith.index_cast %get3A_707 : i32 to index
      %get3A_710 = arith.index_cast %get3A_708 : i32 to index
      %get3A_711 = arith.index_cast %scan3A_652 : i32 to index
      %get3A_712 = arith.constant 0 : index
      %get3A_713 = tpu.vector_load %arg6[%get3A_709, %get3A_710, %get3A_711, %get3A_712] {strides = array<i32>} : memref<2x8x128x32xf32, #tpu.memory_space<vmem>>, vector<16xf32>,
      %add3A_714 = arith.addf %add3A_698, %get3A_713 : vector<16xf32>
      %get3A_715 = arith.constant 0 : i32
      %get3A_716 = arith.constant 3 : i32
      %get3A_717 = arith.index_cast %get3A_715 : i32 to index
      %get3A_718 = arith.index_cast %get3A_716 : i32 to index
      %get3A_719 = arith.index_cast %scan3A_652 : i32 to index
      %get3A_720 = arith.constant 16 : index
      %get3A_721 = tpu.vector_load %arg6[%get3A_717, %get3A_718, %get3A_719, %get3A_720] {strides = array<i32>} : memref<2x8x128x32xf32, #tpu.memory_space<vmem>>, vector<16xf32>,
      %add3A_722 = arith.addf %add3A_706, %get3A_721 : vector<16xf32>
      %get3A_723 = arith.constant 0 : i32
      %get3A_724 = arith.constant 4 : i32
      %get3A_725 = arith.index_cast %get3A_723 : i32 to index
      %get3A_726 = arith.index_cast %get3A_724 : i32 to index
      %get3A_727 = arith.index_cast %scan3A_652 : i32 to index
      %get3A_728 = arith.constant 0 : index
      %get3A_729 = tpu.vector_load %arg6[%get3A_725, %get3A_726, %get3A_727, %get3A_728] {strides = array<i32>} : memref<2x8x128x32xf32, #tpu.memory_space<vmem>>, vector<16xf32>,
      %add3A_730 = arith.addf %add3A_714, %get3A_729 : vector<16xf32>
      %get3A_731 = arith.constant 0 : i32
      %get3A_732 = arith.constant 4 : i32
      %get3A_733 = arith.index_cast %get3A_731 : i32 to index
      %get3A_734 = arith.index_cast %get3A_732 : i32 to index
      %get3A_735 = arith.index_cast %scan3A_652 : i32 to index
      %get3A_736 = arith.constant 16 : index
      %get3A_737 = tpu.vector_load %arg6[%get3A_733, %get3A_734, %get3A_735, %get3A_736] {strides = array<i32>} : memref<2x8x128x32xf32, #tpu.memory_space<vmem>>, vector<16xf32>,
      %add3A_738 = arith.addf %add3A_722, %get3A_737 : vector<16xf32>
      %get3A_739 = arith.constant 0 : i32
      %get3A_740 = arith.constant 5 : i32
      %get3A_741 = arith.index_cast %get3A_739 : i32 to index
      %get3A_742 = arith.index_cast %get3A_740 : i32 to index
      %get3A_743 = arith.index_cast %scan3A_652 : i32 to index
      %get3A_744 = arith.constant 0 : index
      %get3A_745 = tpu.vector_load %arg6[%get3A_741, %get3A_742, %get3A_743, %get3A_744] {strides = array<i32>} : memref<2x8x128x32xf32, #tpu.memory_space<vmem>>, vector<16xf32>,
      %add3A_746 = arith.addf %add3A_730, %get3A_745 : vector<16xf32>
      %get3A_747 = arith.constant 0 : i32
      %get3A_748 = arith.constant 5 : i32
      %get3A_749 = arith.index_cast %get3A_747 : i32 to index
      %get3A_750 = arith.index_cast %get3A_748 : i32 to index
      %get3A_751 = arith.index_cast %scan3A_652 : i32 to index
      %get3A_752 = arith.constant 16 : index
      %get3A_753 = tpu.vector_load %arg6[%get3A_749, %get3A_750, %get3A_751, %get3A_752] {strides = array<i32>} : memref<2x8x128x32xf32, #tpu.memory_space<vmem>>, vector<16xf32>,
      %add3A_754 = arith.addf %add3A_738, %get3A_753 : vector<16xf32>
      %get3A_755 = arith.constant 0 : i32
      %get3A_756 = arith.constant 6 : i32
      %get3A_757 = arith.index_cast %get3A_755 : i32 to index
      %get3A_758 = arith.index_cast %get3A_756 : i32 to index
      %get3A_759 = arith.index_cast %scan3A_652 : i32 to index
      %get3A_760 = arith.constant 0 : index
      %get3A_761 = tpu.vector_load %arg6[%get3A_757, %get3A_758, %get3A_759, %get3A_760] {strides = array<i32>} : memref<2x8x128x32xf32, #tpu.memory_space<vmem>>, vector<16xf32>,
      %add3A_762 = arith.addf %add3A_746, %get3A_761 : vector<16xf32>
      %get3A_763 = arith.constant 0 : i32
      %get3A_764 = arith.constant 6 : i32
      %get3A_765 = arith.index_cast %get3A_763 : i32 to index
      %get3A_766 = arith.index_cast %get3A_764 : i32 to index
      %get3A_767 = arith.index_cast %scan3A_652 : i32 to index
      %get3A_768 = arith.constant 16 : index
      %get3A_769 = tpu.vector_load %arg6[%get3A_765, %get3A_766, %get3A_767, %get3A_768] {strides = array<i32>} : memref<2x8x128x32xf32, #tpu.memory_space<vmem>>, vector<16xf32>,
      %add3A_770 = arith.addf %add3A_754, %get3A_769 : vector<16xf32>
      %get3A_771 = arith.constant 0 : i32
      %get3A_772 = arith.constant 7 : i32
      %get3A_773 = arith.index_cast %get3A_771 : i32 to index
      %get3A_774 = arith.index_cast %get3A_772 : i32 to index
      %get3A_775 = arith.index_cast %scan3A_652 : i32 to index
      %get3A_776 = arith.constant 0 : index
      %get3A_777 = tpu.vector_load %arg6[%get3A_773, %get3A_774, %get3A_775, %get3A_776] {strides = array<i32>} : memref<2x8x128x32xf32, #tpu.memory_space<vmem>>, vector<16xf32>,
      %add3A_778 = arith.addf %add3A_762, %get3A_777 : vector<16xf32>
      %get3A_779 = arith.constant 0 : i32
      %get3A_780 = arith.constant 7 : i32
      %get3A_781 = arith.index_cast %get3A_779 : i32 to index
      %get3A_782 = arith.index_cast %get3A_780 : i32 to index
      %get3A_783 = arith.index_cast %scan3A_652 : i32 to index
      %get3A_784 = arith.constant 16 : index
      %get3A_785 = tpu.vector_load %arg6[%get3A_781, %get3A_782, %get3A_783, %get3A_784] {strides = array<i32>} : memref<2x8x128x32xf32, #tpu.memory_space<vmem>>, vector<16xf32>,
      %add3A_786 = arith.addf %add3A_770, %get3A_785 : vector<16xf32>
      %swap3A = arith.index_cast %scan3A_652 : i32 to index
      %swap3A_787 = arith.constant 0 : index
      %swap3A_788 = tpu.vector_load %arg7[%swap3A, %swap3A_787] {strides = array<i32>} : memref<128x32xf32, #tpu.memory_space<vmem>>, vector<16xf32>,
      tpu.vector_store %arg7[%swap3A, %swap3A_787], %add3A_778 {strides = array<i32>} : memref<128x32xf32, #tpu.memory_space<vmem>>, vector<16xf32>,
      %swap3A_789 = arith.index_cast %scan3A_652 : i32 to index
      %swap3A_790 = arith.constant 16 : index
      %swap3A_791 = tpu.vector_load %arg7[%swap3A_789, %swap3A_790] {strides = array<i32>} : memref<128x32xf32, #tpu.memory_space<vmem>>, vector<16xf32>,
      tpu.vector_store %arg7[%swap3A_789, %swap3A_790], %add3A_786 {strides = array<i32>} : memref<128x32xf32, #tpu.memory_space<vmem>>, vector<16xf32>,
      %scan3A_792 = arith.constant 0 : i32
      %scan3A_793 = arith.constant 1 : i32
      %scan3A_794 = arith.addi %scan3A_652, %scan3A_793 : i32
      %get3A_795 = arith.index_cast %scan3A_794 : i32 to index
      %get3A_796 = arith.constant 0 : index
      %get3A_797 = tpu.vector_load %arg7[%get3A_795, %get3A_796] {strides = array<i32>} : memref<128x32xf32, #tpu.memory_space<vmem>>, vector<16xf32>,
      %get3A_798 = arith.index_cast %scan3A_794 : i32 to index
      %get3A_799 = arith.constant 16 : index
      %get3A_800 = tpu.vector_load %arg7[%get3A_798, %get3A_799] {strides = array<i32>} : memref<128x32xf32, #tpu.memory_space<vmem>>, vector<16xf32>,
      %get3A_801 = arith.constant 0 : i32
      %get3A_802 = arith.constant 0 : i32
      %get3A_803 = arith.index_cast %get3A_801 : i32 to index
      %get3A_804 = arith.index_cast %get3A_802 : i32 to index
      %get3A_805 = arith.index_cast %scan3A_794 : i32 to index
      %get3A_806 = arith.constant 0 : index
      %get3A_807 = tpu.vector_load %arg6[%get3A_803, %get3A_804, %get3A_805, %get3A_806] {strides = array<i32>} : memref<2x8x128x32xf32, #tpu.memory_space<vmem>>, vector<16xf32>,
      %add3A_808 = arith.addf %get3A_797, %get3A_807 : vector<16xf32>
      %get3A_809 = arith.constant 0 : i32
      %get3A_810 = arith.constant 0 : i32
      %get3A_811 = arith.index_cast %get3A_809 : i32 to index
      %get3A_812 = arith.index_cast %get3A_810 : i32 to index
      %get3A_813 = arith.index_cast %scan3A_794 : i32 to index
      %get3A_814 = arith.constant 16 : index
      %get3A_815 = tpu.vector_load %arg6[%get3A_811, %get3A_812, %get3A_813, %get3A_814] {strides = array<i32>} : memref<2x8x128x32xf32, #tpu.memory_space<vmem>>, vector<16xf32>,
      %add3A_816 = arith.addf %get3A_800, %get3A_815 : vector<16xf32>
      %get3A_817 = arith.constant 0 : i32
      %get3A_818 = arith.constant 1 : i32
      %get3A_819 = arith.index_cast %get3A_817 : i32 to index
      %get3A_820 = arith.index_cast %get3A_818 : i32 to index
      %get3A_821 = arith.index_cast %scan3A_794 : i32 to index
      %get3A_822 = arith.constant 0 : index
      %get3A_823 = tpu.vector_load %arg6[%get3A_819, %get3A_820, %get3A_821, %get3A_822] {strides = array<i32>} : memref<2x8x128x32xf32, #tpu.memory_space<vmem>>, vector<16xf32>,
      %add3A_824 = arith.addf %add3A_808, %get3A_823 : vector<16xf32>
      %get3A_825 = arith.constant 0 : i32
      %get3A_826 = arith.constant 1 : i32
      %get3A_827 = arith.index_cast %get3A_825 : i32 to index
      %get3A_828 = arith.index_cast %get3A_826 : i32 to index
      %get3A_829 = arith.index_cast %scan3A_794 : i32 to index
      %get3A_830 = arith.constant 16 : index
      %get3A_831 = tpu.vector_load %arg6[%get3A_827, %get3A_828, %get3A_829, %get3A_830] {strides = array<i32>} : memref<2x8x128x32xf32, #tpu.memory_space<vmem>>, vector<16xf32>,
      %add3A_832 = arith.addf %add3A_816, %get3A_831 : vector<16xf32>
      %get3A_833 = arith.constant 0 : i32
      %get3A_834 = arith.constant 2 : i32
      %get3A_835 = arith.index_cast %get3A_833 : i32 to index
      %get3A_836 = arith.index_cast %get3A_834 : i32 to index
      %get3A_837 = arith.index_cast %scan3A_794 : i32 to index
      %get3A_838 = arith.constant 0 : index
      %get3A_839 = tpu.vector_load %arg6[%get3A_835, %get3A_836, %get3A_837, %get3A_838] {strides = array<i32>} : memref<2x8x128x32xf32, #tpu.memory_space<vmem>>, vector<16xf32>,
      %add3A_840 = arith.addf %add3A_824, %get3A_839 : vector<16xf32>
      %get3A_841 = arith.constant 0 : i32
      %get3A_842 = arith.constant 2 : i32
      %get3A_843 = arith.index_cast %get3A_841 : i32 to index
      %get3A_844 = arith.index_cast %get3A_842 : i32 to index
      %get3A_845 = arith.index_cast %scan3A_794 : i32 to index
      %get3A_846 = arith.constant 16 : index
      %get3A_847 = tpu.vector_load %arg6[%get3A_843, %get3A_844, %get3A_845, %get3A_846] {strides = array<i32>} : memref<2x8x128x32xf32, #tpu.memory_space<vmem>>, vector<16xf32>,
      %add3A_848 = arith.addf %add3A_832, %get3A_847 : vector<16xf32>
      %get3A_849 = arith.constant 0 : i32
      %get3A_850 = arith.constant 3 : i32
      %get3A_851 = arith.index_cast %get3A_849 : i32 to index
      %get3A_852 = arith.index_cast %get3A_850 : i32 to index
      %get3A_853 = arith.index_cast %scan3A_794 : i32 to index
      %get3A_854 = arith.constant 0 : index
      %get3A_855 = tpu.vector_load %arg6[%get3A_851, %get3A_852, %get3A_853, %get3A_854] {strides = array<i32>} : memref<2x8x128x32xf32, #tpu.memory_space<vmem>>, vector<16xf32>,
      %add3A_856 = arith.addf %add3A_840, %get3A_855 : vector<16xf32>
      %get3A_857 = arith.constant 0 : i32
      %get3A_858 = arith.constant 3 : i32
      %get3A_859 = arith.index_cast %get3A_857 : i32 to index
      %get3A_860 = arith.index_cast %get3A_858 : i32 to index
      %get3A_861 = arith.index_cast %scan3A_794 : i32 to index
      %get3A_862 = arith.constant 16 : index
      %get3A_863 = tpu.vector_load %arg6[%get3A_859, %get3A_860, %get3A_861, %get3A_862] {strides = array<i32>} : memref<2x8x128x32xf32, #tpu.memory_space<vmem>>, vector<16xf32>,
      %add3A_864 = arith.addf %add3A_848, %get3A_863 : vector<16xf32>
      %get3A_865 = arith.constant 0 : i32
      %get3A_866 = arith.constant 4 : i32
      %get3A_867 = arith.index_cast %get3A_865 : i32 to index
      %get3A_868 = arith.index_cast %get3A_866 : i32 to index
      %get3A_869 = arith.index_cast %scan3A_794 : i32 to index
      %get3A_870 = arith.constant 0 : index
      %get3A_871 = tpu.vector_load %arg6[%get3A_867, %get3A_868, %get3A_869, %get3A_870] {strides = array<i32>} : memref<2x8x128x32xf32, #tpu.memory_space<vmem>>, vector<16xf32>,
      %add3A_872 = arith.addf %add3A_856, %get3A_871 : vector<16xf32>
      %get3A_873 = arith.constant 0 : i32
      %get3A_874 = arith.constant 4 : i32
      %get3A_875 = arith.index_cast %get3A_873 : i32 to index
      %get3A_876 = arith.index_cast %get3A_874 : i32 to index
      %get3A_877 = arith.index_cast %scan3A_794 : i32 to index
      %get3A_878 = arith.constant 16 : index
      %get3A_879 = tpu.vector_load %arg6[%get3A_875, %get3A_876, %get3A_877, %get3A_878] {strides = array<i32>} : memref<2x8x128x32xf32, #tpu.memory_space<vmem>>, vector<16xf32>,
      %add3A_880 = arith.addf %add3A_864, %get3A_879 : vector<16xf32>
      %get3A_881 = arith.constant 0 : i32
      %get3A_882 = arith.constant 5 : i32
      %get3A_883 = arith.index_cast %get3A_881 : i32 to index
      %get3A_884 = arith.index_cast %get3A_882 : i32 to index
      %get3A_885 = arith.index_cast %scan3A_794 : i32 to index
      %get3A_886 = arith.constant 0 : index
      %get3A_887 = tpu.vector_load %arg6[%get3A_883, %get3A_884, %get3A_885, %get3A_886] {strides = array<i32>} : memref<2x8x128x32xf32, #tpu.memory_space<vmem>>, vector<16xf32>,
      %add3A_888 = arith.addf %add3A_872, %get3A_887 : vector<16xf32>
      %get3A_889 = arith.constant 0 : i32
      %get3A_890 = arith.constant 5 : i32
      %get3A_891 = arith.index_cast %get3A_889 : i32 to index
      %get3A_892 = arith.index_cast %get3A_890 : i32 to index
      %get3A_893 = arith.index_cast %scan3A_794 : i32 to index
      %get3A_894 = arith.constant 16 : index
      %get3A_895 = tpu.vector_load %arg6[%get3A_891, %get3A_892, %get3A_893, %get3A_894] {strides = array<i32>} : memref<2x8x128x32xf32, #tpu.memory_space<vmem>>, vector<16xf32>,
      %add3A_896 = arith.addf %add3A_880, %get3A_895 : vector<16xf32>
      %get3A_897 = arith.constant 0 : i32
      %get3A_898 = arith.constant 6 : i32
      %get3A_899 = arith.index_cast %get3A_897 : i32 to index
      %get3A_900 = arith.index_cast %get3A_898 : i32 to index
      %get3A_901 = arith.index_cast %scan3A_794 : i32 to index
      %get3A_902 = arith.constant 0 : index
      %get3A_903 = tpu.vector_load %arg6[%get3A_899, %get3A_900, %get3A_901, %get3A_902] {strides = array<i32>} : memref<2x8x128x32xf32, #tpu.memory_space<vmem>>, vector<16xf32>,
      %add3A_904 = arith.addf %add3A_888, %get3A_903 : vector<16xf32>
      %get3A_905 = arith.constant 0 : i32
      %get3A_906 = arith.constant 6 : i32
      %get3A_907 = arith.index_cast %get3A_905 : i32 to index
      %get3A_908 = arith.index_cast %get3A_906 : i32 to index
      %get3A_909 = arith.index_cast %scan3A_794 : i32 to index
      %get3A_910 = arith.constant 16 : index
      %get3A_911 = tpu.vector_load %arg6[%get3A_907, %get3A_908, %get3A_909, %get3A_910] {strides = array<i32>} : memref<2x8x128x32xf32, #tpu.memory_space<vmem>>, vector<16xf32>,
      %add3A_912 = arith.addf %add3A_896, %get3A_911 : vector<16xf32>
      %get3A_913 = arith.constant 0 : i32
      %get3A_914 = arith.constant 7 : i32
      %get3A_915 = arith.index_cast %get3A_913 : i32 to index
      %get3A_916 = arith.index_cast %get3A_914 : i32 to index
      %get3A_917 = arith.index_cast %scan3A_794 : i32 to index
      %get3A_918 = arith.constant 0 : index
      %get3A_919 = tpu.vector_load %arg6[%get3A_915, %get3A_916, %get3A_917, %get3A_918] {strides = array<i32>} : memref<2x8x128x32xf32, #tpu.memory_space<vmem>>, vector<16xf32>,
      %add3A_920 = arith.addf %add3A_904, %get3A_919 : vector<16xf32>
      %get3A_921 = arith.constant 0 : i32
      %get3A_922 = arith.constant 7 : i32
      %get3A_923 = arith.index_cast %get3A_921 : i32 to index
      %get3A_924 = arith.index_cast %get3A_922 : i32 to index
      %get3A_925 = arith.index_cast %scan3A_794 : i32 to index
      %get3A_926 = arith.constant 16 : index
      %get3A_927 = tpu.vector_load %arg6[%get3A_923, %get3A_924, %get3A_925, %get3A_926] {strides = array<i32>} : memref<2x8x128x32xf32, #tpu.memory_space<vmem>>, vector<16xf32>,
      %add3A_928 = arith.addf %add3A_912, %get3A_927 : vector<16xf32>
      %swap3A_929 = arith.index_cast %scan3A_794 : i32 to index
      %swap3A_930 = arith.constant 0 : index
      %swap3A_931 = tpu.vector_load %arg7[%swap3A_929, %swap3A_930] {strides = array<i32>} : memref<128x32xf32, #tpu.memory_space<vmem>>, vector<16xf32>,
      tpu.vector_store %arg7[%swap3A_929, %swap3A_930], %add3A_920 {strides = array<i32>} : memref<128x32xf32, #tpu.memory_space<vmem>>, vector<16xf32>,
      %swap3A_932 = arith.index_cast %scan3A_794 : i32 to index
      %swap3A_933 = arith.constant 16 : index
      %swap3A_934 = tpu.vector_load %arg7[%swap3A_932, %swap3A_933] {strides = array<i32>} : memref<128x32xf32, #tpu.memory_space<vmem>>, vector<16xf32>,
      tpu.vector_store %arg7[%swap3A_932, %swap3A_933], %add3A_928 {strides = array<i32>} : memref<128x32xf32, #tpu.memory_space<vmem>>, vector<16xf32>,
      %scan3A_935 = arith.constant 0 : i32
      scf.yield %scan3A_935 : i32
    }
    %scan3A_651 = arith.constant 128 : i32
    "tpu.region"() ({
      %run_scoped3A = tpu.sem_alloc : memref<!tpu.dma_semaphore, #tpu.memory_space<semaphore_mem>>
      %dma_start3A_652 = arith.constant 0 : i32
      %dma_start3A_653 = tpu.memref_slice %arg4[%mul3A_2, %dma_start3A_652] : memref<4096x32xf32, #tpu.memory_space<hbm>> -> memref<128x32xf32, #tpu.memory_space<hbm>>
      %dma_start3A_654 = arith.constant 0 : i32
      %dma_start3A_655 = tpu.memref_slice %arg4[%mul3A_2, %dma_start3A_654] : memref<4096x32xf32, #tpu.memory_space<hbm>> -> memref<128x32xf32, #tpu.memory_space<hbm>>
      tpu.enqueue_dma source(%arg7 : memref<128x32xf32, #tpu.memory_space<vmem>>) target(%dma_start3A_655 : memref<128x32xf32, #tpu.memory_space<hbm>>) target_semaphore(%run_scoped3A : memref<!tpu.dma_semaphore, #tpu.memory_space<semaphore_mem>>)
      %dma_wait3A_656 = arith.constant 0 : i32
      %dma_wait3A_657 = tpu.memref_slice %arg4[%mul3A_2, %dma_wait3A_656] : memref<4096x32xf32, #tpu.memory_space<hbm>> -> memref<128x32xf32, #tpu.memory_space<hbm>>
      %dma_wait3A_658 = arith.constant 0 : i32
      %dma_wait3A_659 = tpu.memref_slice %arg4[%mul3A_2, %dma_wait3A_658] : memref<4096x32xf32, #tpu.memory_space<hbm>> -> memref<128x32xf32, #tpu.memory_space<hbm>>
      tpu.wait_dma2 semaphore(%run_scoped3A : memref<!tpu.dma_semaphore, #tpu.memory_space<semaphore_mem>>) src(%arg7 : memref<128x32xf32, #tpu.memory_space<vmem>>) dst(%dma_wait3A_659 : memref<128x32xf32, #tpu.memory_space<hbm>>)
      tpu.yield
    }) : () -> ()
    return
  }
}

module attributes {stable_mosaic.version = 14 : i64} {
  func.func @_proj_body(%arg0: i32, %arg1: memref<300x8192xf32, #tpu.memory_space<vmem>>, %arg2: memref<32x300xf32, #tpu.memory_space<vmem>>, %arg3: memref<1x32xf32, #tpu.memory_space<vmem>>, %arg4: memref<8192x128xf32, #tpu.memory_space<vmem>>) attributes {dimension_semantics = [#tpu.dimension_semantics<arbitrary>], iteration_bounds = array<i64: 13>, scalar_prefetch = 0 : i64, scratch_operands = 0 : i64, tpu.core_type = #tpu.core_type<tc>, window_params = [{transform_indices = @transform_0, window_bounds = array<i64: 300, 8192>}, {pipeline_mode = #tpu.pipeline_mode<synchronous>, transform_indices = @transform_1, window_bounds = array<i64: 32, 300>}, {pipeline_mode = #tpu.pipeline_mode<synchronous>, transform_indices = @transform_2, window_bounds = array<i64: 1, 32>}, {transform_indices = @transform_3, window_bounds = array<i64: 8192, 128>}]} {
    %get3A = arith.constant 0 : index
    %get3A_0 = arith.constant 0 : index
    %get3A_1 = vector.load %arg1[%get3A, %get3A_0] : memref<300x8192xf32, #tpu.memory_space<vmem>>, vector<300x8192xf32>
    %get3A_2 = arith.constant 0 : index
    %get3A_3 = arith.constant 0 : index
    %get3A_4 = vector.load %arg2[%get3A_2, %get3A_3] : memref<32x300xf32, #tpu.memory_space<vmem>>, vector<32x300xf32>
    %dot_general3A = arith.constant dense<0.000000e+00> : vector<8192x32xf32>
    %dot_general3A_5 = tpu.matmul %get3A_1, %get3A_4, %dot_general3A {dimension_numbers = #tpu.dot_dimension_numbers<[0], [1], [1], [0], [0, 1, 1, 0], [], []>, transpose_lhs_hint = false} : vector<300x8192xf32>, vector<32x300xf32>, vector<8192x32xf32> -> vector<8192x32xf32>
    %get3A_6 = arith.constant 0 : index
    %get3A_7 = arith.constant 0 : index
    %get3A_8 = vector.load %arg3[%get3A_6, %get3A_7] : memref<1x32xf32, #tpu.memory_space<vmem>>, vector<1x32xf32>
    %add3A = vector.broadcast %get3A_8 : vector<1x32xf32> to vector<8192x32xf32>
    %add3A_9 = arith.addf %dot_general3A_5, %add3A : vector<8192x32xf32>
    %swap3A = arith.constant 0 : index
    %swap3A_10 = arith.constant 0 : index
    %swap3A_11 = vector.load %arg4[%swap3A, %swap3A_10] : memref<8192x128xf32, #tpu.memory_space<vmem>>, vector<8192x32xf32>
    tpu.vector_store %arg4[%swap3A, %swap3A_10], %add3A_9 {strides = array<i32>} : memref<8192x128xf32, #tpu.memory_space<vmem>>, vector<8192x32xf32>,
    return
  }
  func.func @transform_0(%arg0: i32) -> (i32, i32) {
    %c0_i32 = arith.constant 0 : i32
    %c0_i32_0 = arith.constant 0 : i32
    return %c0_i32, %arg0 : i32, i32
  }
  func.func @transform_1(%arg0: i32) -> (i32, i32) {
    %c0_i32 = arith.constant 0 : i32
    %c0_i32_0 = arith.constant 0 : i32
    %c0_i32_1 = arith.constant 0 : i32
    return %c0_i32, %c0_i32_0 : i32, i32
  }
  func.func @transform_2(%arg0: i32) -> (i32, i32) {
    %c0_i32 = arith.constant 0 : i32
    %c0_i32_0 = arith.constant 0 : i32
    %c0_i32_1 = arith.constant 0 : i32
    return %c0_i32, %c0_i32_0 : i32, i32
  }
  func.func @transform_3(%arg0: i32) -> (i32, i32) {
    %c0_i32 = arith.constant 0 : i32
    %c0_i32_0 = arith.constant 0 : i32
    return %arg0, %c0_i32 : i32, i32
  }
}

</mosaic_0001>

<sc_bundles>
// kernel: kernel.4.cloned.1.call-start
scs
__scs_entry_jumppad:
0x0: {  	(pc) =	sbr.rel $0x88, $3  }
0x1: {  	(tag) =	ssettag $0x0;
	lr =	simm.s32 $0x1  }
0x2: {  	[smem:$0x3F9D] =	sst lr;
	_ =	strace $0xD0000000  }
0x3: {  	_ = 	snop  }
0x4: {  	_ = 	snop  }
0x5: {  	_ = 	snop  }
0x6: {  	_ = 	snop  }
0x7: {  	_ = 	snop  }
__scs_overlays_trampoline_lowered:
0x8: {  	[smem:$0x3FAC] =	sst s0  }
0x9: {  	[smem:$0x3FAD] =	sst s1  }
0xa: {  	[smem:$0x3FAE] =	sst s2  }
0xb: {  	[smem:$0x3FAF] =	sst s3  }
0xc: {  	[smem:$0x3FB0] =	sst s4  }
0xd: {  	[smem:$0x3FB1] =	sst s5  }
0xe: {  	[smem:$0x3FB2] =	sst s6  }
0xf: {  	[smem:$0x3FB3] =	sst s7  }
0x10: {  	[smem:$0x3FB4] =	sst s8  }
0x11: {  	[smem:$0x3FB5] =	sst s9;
	s0 =	simm.s32 @!p0 $0x0  }
0x12: {  	s1 =	sld [smem:$0x3F9B];
	s0 =	simm.s32 @p0 $0x1  }
0x13: {  	[smem:$0x3FB6] =	sst s0;
	s0 =	simm.s32 @!p1 $0x0  }
0x14: {  	s2 =	sld [smem:$0x3F9A];
	s0 =	simm.s32 @p1 $0x1  }
0x15: {  	[smem:$0x3FB7] =	sst s0;
	s0 =	simm.s32 @!p2 $0x0  }
0x16: {  	s3 =	sld [smem:$0x3FDB];
	s0 =	simm.s32 @p2 $0x1  }
0x17: {  	s4 =	simm.s32 $0x1BF5;
	[smem:$0x3FB9] =	sst s0  }
0x18: {  	s0 =	sld [smem:$0x3F9C];
	_ =	swait.ge [sflag:s4], $0x0  }
0x19: {  	s7 =	sld [smem:$0x3F9D]  }
0x1a: {  	s8 =	sadd.s32 $0xFFFFE003, lr  }
0x1b: {  	s9 =	sadd.s32 $0xFFFFFEF7, lr;
	s5 =	simm.s32 $0xFFFFFFFF;
	p2 =	slt.u32 s8, $0xFFFFF086  }
0x1c: {  	p1 =	slt.u32 s9, $0xF7A;
	s5 =	simm.s32 @!p2 $0x0  }
0x1d: {  	s5 =	simm.s32 @p1 $0x1;
	p0 =	seq.s32 s7, s2  }
0x1e: {  	s7 =	smul.u32 @!p0 $0xF7A, s2;
	p2 =	seq.s32 @!p0 s5, $0x0  }
0x1f: {  	s9 =	smul.u32 $0xF7A, s1;
	s8 =	simm.s32 @!p0 $0x1BF5;
	p2 =	por !p2, p0  }
0x20: {  	[sflag:s8] =	ssyncset.s32 @!p0 $0xFFFFF086;
	s6 =	sadd.s32 @!p0 s3, s7;
	s7 =	simm.s32 @!p0 $0x108  }
0x21: {  	s3 =	sadd.s32 s3, s9;
	s6 =	sadd.s32 @!p0 $0x88, s6;
	s7 =	simm.s32 @p2 $0x1082  }
0x22: {  	[simem:s7], [sflag:s8] =	dma.local @!p0 [hbm:s6], $0xF7A  }
0x23: {  	s9 =	sor.u32 $0xD0000000, s2;
	s6 =	simm.s32 $0x108;
	_ =	swait.ge @!p0 [sflag:s8], $0x0  }
0x24: {  	s3 =	sadd.s32 $0x88, s3;
	s6 =	simm.s32 @!p1 $0x1082;
	[sflag:s4] =	ssyncset.s32 $0xFFFFF086  }
0x25: {  	[simem:s6], [sflag:s4] =	dma.local [hbm:s3], $0xF7A  }
0x26: {  	[smem:$0x3F9D] =	sst s1;
	(tag) =	ssettag s2;
	_ =	strace s9  }
0x27: {  	s1 =	sld [smem:$0x3FAD]  }
0x28: {  	s2 =	sld [smem:$0x3FAE]  }
0x29: {  	s4 =	sld [smem:$0x3FB0]  }
0x2a: {  	p0 =	seq.s32 s5, $0x0;
	s5 =	sld [smem:$0x3FB1]  }
0x2b: {  	s6 =	sld [smem:$0x3FB2]  }
0x2c: {  	s7 =	sld [smem:$0x3FB3]  }
0x2d: {  	s3 =	simm.s32 $0x108;
	s8 =	sld [smem:$0x3FB4]  }
0x2e: {  	s3 =	simm.s32 @!p0 $0x1082;
	s9 =	sld [smem:$0x3FB5]  }
0x2f: {  	lr =	sadd.s32 s0, s3;
	s0 =	sld [smem:$0x3FAC]  }
0x30: {  	s3 =	sld [smem:$0x3FAF]  }
0x31: {  	[smem:$0x3FB8] =	sst s10  }
0x32: {  	s10 =	sld [smem:$0x3FB6];
	_ =	sdelay $0x3  }
0x33: {  	p0 =	seq.s32 s10, $0x1;
	s10 =	sld [smem:$0x3FB8];
	_ =	sdelay $0x3  }
0x34: {  	[smem:$0x3FB8] =	sst s10  }
0x35: {  	s10 =	sld [smem:$0x3FB7];
	_ =	sdelay $0x3  }
0x36: {  	p1 =	seq.s32 s10, $0x1;
	s10 =	sld [smem:$0x3FB8];
	_ =	sdelay $0x3  }
0x37: {  	[smem:$0x3FB8] =	sst s10  }
0x38: {  	s10 =	sld [smem:$0x3FB9]  }
0x39: {  	_ = 	snop;
	(pc) =	sbr.ind lr, $3  }
0x3a: {  	_ = 	snop  }
0x3b: {  	_ = 	snop  }
0x3c: {  	p2 =	seq.s32 s10, $0x1;
	s10 =	sld [smem:$0x3FB8]  }
0x3d: {  	_ =	shalt  }
0x3e: {  	_ =	shalt  }
0x3f: {  	_ =	shalt  }
0x40: {  	_ =	shalt  }
0x41: {  	_ =	shalt  }
0x42: {  	_ =	shalt  }
0x43: {  	_ =	shalt  }
0x44: {  	_ =	shalt  }
0x45: {  	_ =	shalt  }
0x46: {  	_ =	shalt  }
0x47: {  	_ =	shalt  }
0x48: {  	_ =	shalt  }
0x49: {  	_ =	shalt  }
0x4a: {  	_ =	shalt  }
0x4b: {  	_ =	shalt  }
0x4c: {  	_ =	shalt  }
0x4d: {  	_ =	shalt  }
0x4e: {  	_ =	shalt  }
0x4f: {  	_ =	shalt  }
0x50: {  	_ =	shalt  }
0x51: {  	_ =	shalt  }
0x52: {  	_ =	shalt  }
0x53: {  	_ =	shalt  }
0x54: {  	_ =	shalt  }
0x55: {  	_ =	shalt  }
0x56: {  	_ =	shalt  }
0x57: {  	_ =	shalt  }
0x58: {  	_ =	shalt  }
0x59: {  	_ =	shalt  }
0x5a: {  	_ =	shalt  }
0x5b: {  	_ =	shalt  }
0x5c: {  	_ =	shalt  }
0x5d: {  	_ =	shalt  }
0x5e: {  	_ =	shalt  }
0x5f: {  	_ =	shalt  }
0x60: {  	_ =	shalt  }
0x61: {  	_ =	shalt  }
0x62: {  	_ =	shalt  }
0x63: {  	_ =	shalt  }
0x64: {  	_ =	shalt  }
0x65: {  	_ =	shalt  }
0x66: {  	_ =	shalt  }
0x67: {  	_ =	shalt  }
0x68: {  	_ =	shalt  }
0x69: {  	_ =	shalt  }
0x6a: {  	_ =	shalt  }
0x6b: {  	_ =	shalt  }
0x6c: {  	_ =	shalt  }
0x6d: {  	_ =	shalt  }
0x6e: {  	_ =	shalt  }
0x6f: {  	_ =	shalt  }
0x70: {  	_ =	shalt  }
0x71: {  	_ =	shalt  }
0x72: {  	_ =	shalt  }
0x73: {  	_ =	shalt  }
0x74: {  	_ =	shalt  }
0x75: {  	_ =	shalt  }
0x76: {  	_ =	shalt  }
0x77: {  	_ =	shalt  }
0x78: {  	_ =	shalt  }
0x79: {  	_ =	shalt  }
0x7a: {  	_ =	shalt  }
0x7b: {  	_ =	shalt  }
0x7c: {  	_ =	shalt  }
0x7d: {  	_ =	shalt  }
0x7e: {  	_ =	shalt  }
0x7f: {  	_ =	shalt  }
0x80: {  	_ =	shalt  }
0x81: {  	_ =	shalt  }
0x82: {  	_ =	shalt  }
0x83: {  	_ =	shalt  }
0x84: {  	_ =	shalt  }
0x85: {  	_ =	shalt  }
0x86: {  	_ =	shalt  }
0x87: {  	_ =	shalt  }
.Lfunc_end0:
.L_simem_size_0:
called_computation_lowered:
.L_overlay_start_0:
0x88: {  	s2 =	sld [smem:$0x3FD9]  }
0x89: {  	s3 =	sld [smem:$0x3FFE];
	_ =	sdelay $0x1  }
0x8a: {  	s1 =	srdreg.scid  }
0x8b: {  	s0 =	sand.u32 $0x1, s1  }
0x8c: {  	s16 =	sshll.u32 s0, $0xA;
	s2 =	sadd.s32 s3, s2  }
0x8d: {  	s2 =	sadd.s32 s2, s16  }
0x8e: {  	[smem:$0x3FC4] =	sst s2  }
0x8f: {  	_ = 	snop  }
0x90: {  	(tm) =	ssettm $0x1  }
0x91: {  	s17 =	sld [smem:$0x3FFB];
	_ =	sdelay $0x3  }
0x92: {  	_ =	strace s17  }
0x93: {  	s2 =	sld [smem:$0x3FFC];
	_ =	sdelay $0x3  }
0x94: {  	_ =	strace s2  }
0x95: {  	s2 =	sld [smem:$0x3FFD];
	_ =	sdelay $0x3  }
0x96: {  	_ =	strace s2  }
0x97: {  	_ =	strace $0x8FFFFFFF  }
0x98: {  	s18 =	sld [smem:$0x3FDB];
	_ =	sdelay $0x1  }
0x99: {  	s19 =	simm.s32 $_scs_section_size  }
0x9a: {  	s4 =	simm.s32 $_size__tile_overlayer_lowered;
	s5 =	simm.s32 $_tile_overlayer_lowered  }
0x9b: {  	s22 =	simm.s32 $0x1BFF;
	s21 =	sshll.u32 s5, $0x1;
	s2 =	sadd.s32 s19, s18  }
0x9c: {  	s6 =	simm.s32 $0x0;
	s20 =	sshll.u32 s4, $0x1;
	s4 =	sadd.s32 s21, s2  }
0x9d: {  	[timem:s6], [sflag:s22] =	dma.local [hbm:s4], s20  }
0x9e: {  	_ =	swait.ge [sflag:s22], s20  }
0x9f: {  	s3 =	ssub.s32 $0x0, s20;
	[sflag:s22] =	ssyncset.done $0x0  }
0xa0: {  	[sflag:s22] =	ssyncadd.s32 s3;
	_ =	sdelay $0x1  }
0xa1: {  	s23 =	simm.s32 $0x1B8B  }
0xa2: {  	_ =	swait.ge [sflag:s23], $0x1  }
0xa3: {  	[sflag:s23] =	ssyncset.done $0x0  }
0xa4: {  	s25 =	simm.s32 $0x1B8E;
	s24 =	sld [smem:$0x3FFE];
	[sflag:s23] =	ssyncadd.s32 $0xFFFFFFFF  }
0xa5: {  	s26 =	simm.s32 $execute0_lowered;
	[smem:$0x3FD2] =	sst s25  }
0xa6: {  	s4 =	sshll.u32 s26, $0x1;
	_ =	strace $0x80000046;
	[dreg:$0x1] =	wrdreg $0xFFFFFFFF  }
0xa7: {  	s28 =	simm.s32 $_size_execute0_lowered;
	s2 =	sadd.s32 s2, s4;
	[dreg:$0x0] =	wrdreg $0x0  }
0xa8: {  	s4 =	sshll.u32 s28, $0x1;
	[dreg:$0x2] =	wrdreg s2  }
0xa9: {  	[dreg:$0x3] =	wrdreg s4  }
0xaa: {  	[dreg:$0x4] =	wrdreg $0xC0  }
0xab: {  	_ =	task [dreg:s6], $0x5FFFF  }
0xac: {  	[dreg:$0x1] =	wrdreg $0xFFFFFFFF  }
0xad: {  	[dreg:$0x0] =	wrdreg $0x60  }
0xae: {  	[dreg:$0x2] =	wrdreg s24  }
0xaf: {  	[dreg:$0x3] =	wrdreg $0x9  }
0xb0: {  	_ =	task.clear_ibuf [dreg:s6], $0x4FFFF;
	_ =	strace $0x90000046  }
0xb1: {  	s29 =	simm.s32 $0x9;
	_ =	strace $0x80000048  }
0xb2: {  	_ =	swait.ge [sflag:s29], $0x1  }
0xb3: {  	[sflag:s29] =	ssyncadd.s32 $0xFFFFFFFF  }
0xb4: {  	_ =	strace $0x90000048  }
0xb5: {  	_ =	sfence  }
0xb6: {  	s30 =	sld [smem:$0x0];
	_ =	sdelay $0x2  }
0xb7: {  	s31 =	sshll.u32 s1, $0xD;
	s1 =	sshrl.u32 s1, $0x2  }
0xb8: {  	s3 =	sand.u32 $0x4000, s31;
	s1 =	sadd.s32 s1, s30  }
0xb9: {  	s0 =	sor.u32 s3, s0;
	s1 =	sshll.u32 s1, $0x11  }
0xba: {  	s0 =	sor.u32 s1, s0  }
0xbb: {  	s0 =	sadd.s32 $0x8F2B, s0  }
0xbc: {  	[sflag:s0] =	ssyncadd.remote.s32 $0x1  }
0xbd: {  	_ =	sfence.sel $0xFFFF  }
0xbe: {  	[dreg:$0x0] =	wrdreg $0xFFFFFFFF;
	(pc) =	sbr.abs _section_cstart, $3  }
0xbf: {  	[dreg:$0x1] =	wrdreg $0xFFFFFFFF  }
0xc0: {  	_ =	task.clear_ibuf [dreg:s6], $0x2FFFF;
	_ =	strace $0x9FFFFFFF  }
0xc1: {  	(tm) =	ssettm $0x7FFFFFFF  }
tec
execute0_lowered:
.L_overlay_start_1:
0x0: {  	(tag) =	ssettag $0x1  }
0x1: {  	s0 =	rddreg [dreg:$0x0]  }
0x2: {  	s1 =	srdreg.scid;
	s3 =	stileid.u32;
	s2 =	simm.s32 $0x0  }
0x3: {  	s7 =	simm.s32 $0x80;
	s9 =	simm.s32 $0x3;
	s10 =	simm.s32 $0x6400  }
0x4: {  	s11 =	simm.s32 $0x7400;
	s13 =	simm.s32 $0x8400;
	s15 =	simm.s32 $0x9400  }
0x5: {  	s17 =	simm.s32 $0xA400;
	s19 =	simm.s32 $0xB400;
	s21 =	simm.s32 $0xC400  }
0x6: {  	s23 =	simm.s32 $0xD400;
	s25 =	simm.s32 $0xE400;
	s28 =	simm.s32 $0xF400  }
0x7: {  	s30 =	simm.s32 $0x10400;
	s8 =	simm.s32 $0x12400;
	s14 =	simm.s32 $0x13400  }
0x8: {  	s18 =	simm.s32 $0x14400;
	s22 =	simm.s32 $0x15400;
	s24 =	simm.s32 $0x1  }
0x9: {  	s26 =	simm.s32 $0x2;
	s12 =	simm.s32 $0x0;
	s1 =	sand.u32 $0x1, s1  }
0xa: {  	s3 =	sshll.u32 s3, $0x8;
	[smem:$0x7FF] =	sst s2;
	s4 =	sshll.u32 s1, $0x7  }
0xb: {  	_ =	strace $0x80000047;
	s1 =	ssub.s32 $0x2, s1;
	s3 =	sor.u32 s4, s3  }
0xc: {  	s6 =	sshrl.u32 s1, $0x1;
	s4 =	sshrl.u32 s3, $0x3;
	s5 =	sshll.u32 s3, $0x2  }
0xd: {  	s3 =	sadd.s32 $0x19200, s0;
	s1 =	ssub.s32 s1, s6;
	s4 =	sadd.s32 s4, s0  }
0xe: {  	s0 =	sadd.s32 s5, s0;
	s6 =	smax.u32 s1, $0x1;
	s4 =	sadd.s32 $0x200, s4  }
0xf: {  	s5 =	sadd.s32 $0x19FC00, s0;
	s0 =	simm.s32 $0x11400;
	[dreg:$0x2] =	wrdreg s4  }
.LBB2_1:
0x10: {  	s1 =	rddreg [dreg:$0x2];
	s4 =	simm.s32 $0x1000  }
0x11: {  	[tilespmem:s2], [sflag:$0x3] =	stream.strided.gather [hbm4b:s1+s7], $0x6400, s4, s7, $0x38;
	[tilespmem:$0x17400] =	vst v63  }
0x12: {  	_ =	swait.ge [sflag:s9], $0x6400  }
0x13: {  	[sflag:s9] =	ssyncset.done $0x0  }
0x14: {  	[sflag:s9] =	ssyncadd.s32 $0xFFFF9C00  }
0x15: {  	[tilespmem:s10], [sflag:$0x1] =	stream.indirect.gather [hbm4b:s3+s7], $0x20, s2, s7, $0xb8;
	[tilespmem:$0x17400] =	vst v63  }
0x16: {  	_ = 	snop  }
0x17: {  	[tilespmem:s11], [sflag:$0x1] =	stream.indirect.gather [hbm4b:s3+s7], $0x20, s7, s7, $0xb8;
	[tilespmem:$0x17400] =	vst v63  }
0x18: {  	s20 =	simm.s32 $0x100  }
0x19: {  	[tilespmem:s13], [sflag:$0x1] =	stream.indirect.gather [hbm4b:s3+s7], $0x20, s20, s7, $0xb8;
	[tilespmem:$0x17400] =	vst v63  }
0x1a: {  	s31 =	simm.s32 $0x180  }
0x1b: {  	[tilespmem:s15], [sflag:$0x1] =	stream.indirect.gather [hbm4b:s3+s7], $0x20, s31, s7, $0xb8;
	[tilespmem:$0x17400] =	vst v63  }
0x1c: {  	s4 =	simm.s32 $0x200  }
0x1d: {  	[tilespmem:s17], [sflag:$0x1] =	stream.indirect.gather [hbm4b:s3+s7], $0x20, s4, s7, $0xb8;
	[tilespmem:$0x17400] =	vst v63  }
0x1e: {  	s16 =	simm.s32 $0x280  }
0x1f: {  	[tilespmem:s19], [sflag:$0x1] =	stream.indirect.gather [hbm4b:s3+s7], $0x20, s16, s7, $0xb8;
	[tilespmem:$0x17400] =	vst v63  }
0x20: {  	s20 =	simm.s32 $0x300  }
0x21: {  	[tilespmem:s21], [sflag:$0x1] =	stream.indirect.gather [hbm4b:s3+s7], $0x20, s20, s7, $0xb8;
	[tilespmem:$0x17400] =	vst v63  }
0x22: {  	s31 =	simm.s32 $0x380  }
0x23: {  	[tilespmem:s23], [sflag:$0x1] =	stream.indirect.gather [hbm4b:s3+s7], $0x20, s31, s7, $0xb8;
	[tilespmem:$0x17400] =	vst v63  }
0x24: {  	s4 =	simm.s32 $0x400  }
0x25: {  	[tilespmem:s25], [sflag:$0x2] =	stream.indirect.gather [hbm4b:s3+s7], $0x20, s4, s7, $0xb8;
	[tilespmem:$0x17400] =	vst v63  }
0x26: {  	s16 =	simm.s32 $0x480  }
0x27: {  	[tilespmem:s28], [sflag:$0x2] =	stream.indirect.gather [hbm4b:s3+s7], $0x20, s16, s7, $0xb8;
	[tilespmem:$0x17400] =	vst v63  }
0x28: {  	s20 =	simm.s32 $0x500  }
0x29: {  	[tilespmem:s30], [sflag:$0x2] =	stream.indirect.gather [hbm4b:s3+s7], $0x20, s20, s7, $0xb8;
	[tilespmem:$0x17400] =	vst v63  }
0x2a: {  	s31 =	simm.s32 $0x580  }
0x2b: {  	[tilespmem:s0], [sflag:$0x2] =	stream.indirect.gather [hbm4b:s3+s7], $0x20, s31, s7, $0xb8;
	[tilespmem:$0x17400] =	vst v63  }
0x2c: {  	s4 =	simm.s32 $0x600  }
0x2d: {  	[tilespmem:s8], [sflag:$0x2] =	stream.indirect.gather [hbm4b:s3+s7], $0x20, s4, s7, $0xb8;
	[tilespmem:$0x17400] =	vst v63  }
0x2e: {  	s16 =	simm.s32 $0x680  }
0x2f: {  	[tilespmem:s14], [sflag:$0x2] =	stream.indirect.gather [hbm4b:s3+s7], $0x20, s16, s7, $0xb8;
	[tilespmem:$0x17400] =	vst v63  }
0x30: {  	s20 =	simm.s32 $0x700  }
0x31: {  	[tilespmem:s18], [sflag:$0x2] =	stream.indirect.gather [hbm4b:s3+s7], $0x20, s20, s7, $0xb8;
	[tilespmem:$0x17400] =	vst v63  }
0x32: {  	s31 =	simm.s32 $0x780  }
0x33: {  	[tilespmem:s22], [sflag:$0x2] =	stream.indirect.gather [hbm4b:s3+s7], $0x20, s31, s7, $0xb8;
	[tilespmem:$0x17400] =	vst v63  }
0x34: {  	_ =	swait.ge [sflag:s24], $0x1000  }
0x35: {  	[sflag:s24] =	ssyncset.done $0x0  }
0x36: {  	[sflag:s24] =	ssyncadd.s32 $0xFFFFF000  }
0x37: {  	_ =	swait.ge [sflag:s24], $0x1000  }
0x38: {  	[sflag:s24] =	ssyncset.done $0x0  }
0x39: {  	[sflag:s24] =	ssyncadd.s32 $0xFFFFF000  }
0x3a: {  	_ =	swait.ge [sflag:s24], $0x1000  }
0x3b: {  	[sflag:s24] =	ssyncset.done $0x0  }
0x3c: {  	[sflag:s24] =	ssyncadd.s32 $0xFFFFF000  }
0x3d: {  	_ =	swait.ge [sflag:s24], $0x1000  }
0x3e: {  	[sflag:s24] =	ssyncset.done $0x0  }
0x3f: {  	[sflag:s24] =	ssyncadd.s32 $0xFFFFF000  }
0x40: {  	_ =	swait.ge [sflag:s24], $0x1000  }
0x41: {  	[sflag:s24] =	ssyncset.done $0x0  }
0x42: {  	[sflag:s24] =	ssyncadd.s32 $0xFFFFF000  }
0x43: {  	_ =	swait.ge [sflag:s24], $0x1000  }
0x44: {  	[sflag:s24] =	ssyncset.done $0x0  }
0x45: {  	[sflag:s24] =	ssyncadd.s32 $0xFFFFF000  }
0x46: {  	_ =	swait.ge [sflag:s24], $0x1000  }
0x47: {  	[sflag:s24] =	ssyncset.done $0x0  }
0x48: {  	[sflag:s24] =	ssyncadd.s32 $0xFFFFF000  }
0x49: {  	_ =	swait.ge [sflag:s24], $0x1000  }
0x4a: {  	[sflag:s24] =	ssyncset.done $0x0  }
0x4b: {  	s20 =	simm.s32 $0x0;
	[sflag:s24] =	ssyncadd.s32 $0xFFFFF000  }
0x4c: {  	v0 =	vld [tilespmem:s20+$0x6430]  }
0x4d: {  	v1 =	vld [tilespmem:s20+$0x7430]  }
0x4e: {  	v2 =	vld [tilespmem:s20+$0x6400]  }
0x4f: {  	v3 =	vld [tilespmem:s20+$0x8430]  }
0x50: {  	v4 =	vld [tilespmem:s20+$0x6410]  }
0x51: {  	v5 =	vld [tilespmem:s20+$0x9430]  }
0x52: {  	v6 =	vld [tilespmem:s20+$0x7400]  }
0x53: {  	v7 =	vld [tilespmem:s20+$0x7410];
	v0 =	vadd.f32 v1, v0  }
0x54: {  	v1 =	vld [tilespmem:s20+$0xA430]  }
0x55: {  	v8 =	vld [tilespmem:s20+$0x6420];
	v0 =	vadd.f32 v3, v0  }
0x56: {  	v3 =	vld [tilespmem:s20+$0xB430]  }
0x57: {  	v9 =	vld [tilespmem:s20+$0x7420];
	v0 =	vadd.f32 v5, v0  }
0x58: {  	v5 =	vld [tilespmem:s20+$0xC430]  }
0x59: {  	v10 =	vld [tilespmem:s20+$0x8400];
	v0 =	vadd.f32 v1, v0  }
0x5a: {  	v1 =	vld [tilespmem:s20+$0xD430]  }
0x5b: {  	v11 =	vld [tilespmem:s20+$0x8420];
	v0 =	vadd.f32 v3, v0  }
0x5c: {  	v12 =	vld [tilespmem:s20+$0x9410]  }
0x5d: {  	v13 =	vld [tilespmem:s20+$0xA400];
	v0 =	vadd.f32 v5, v0  }
0x5e: {  	v62 =	vld [tilespmem:s20+$0xB420]  }
0x5f: {  	v3 =	vld [tilespmem:s20+$0x8410];
	v0 =	vadd.f32 v1, v0  }
0x60: {  	v5 =	vld [tilespmem:s20+$0x9400]  }
0x61: {  	v1 =	vld [tilespmem:s20+$0x9420];
	[tilespmem:s20+$0x16430] =	vst v0;
	v0 =	vadd.f32 v6, v2  }
0x62: {  	v4 =	vadd.f32 v7, v4;
	v7 =	vld [tilespmem:s20+$0xA420];
	v6 =	vadd.f32 v9, v8  }
0x63: {  	v2 =	vld [tilespmem:s20+$0xA410];
	v0 =	vadd.f32 v10, v0  }
0x64: {  	v3 =	vadd.f32 v3, v4;
	v8 =	vld [tilespmem:s20+$0xB400];
	v4 =	vadd.f32 v11, v6  }
0x65: {  	v6 =	vld [tilespmem:s20+$0xB410];
	v0 =	vadd.f32 v5, v0  }
0x66: {  	v3 =	vadd.f32 v12, v3;
	v4 =	vadd.f32 v1, v4;
	v1 =	vld [tilespmem:s20+$0xC400]  }
0x67: {  	v5 =	vadd.f32 v13, v0;
	v0 =	vld [tilespmem:s20+$0xC410]  }
0x68: {  	v63 =	vadd.f32 v2, v3;
	v2 =	vld [tilespmem:s20+$0xC420];
	v7 =	vadd.f32 v7, v4  }
0x69: {  	v3 =	vld [tilespmem:s20+$0xD400];
	v5 =	vadd.f32 v8, v5  }
0x6a: {  	s29 =	simm.s32 $0x100;
	s1 =	simm.s32 $0x0;
	v4 =	vld [tilespmem:s20+$0xD410];
	v6 =	vadd.f32 v6, v63;
	v7 =	vadd.f32 v62, v7  }
.LBB2_2:
0x6b: {  	s16 =	sshra.s32 s29, $0x2;
	v1 =	vadd.f32 v1, v5;
	v5 =	vld [tilespmem:s20+$0xD420]  }
0x6c: {  	s1 =	sadd.s32 $0x2, s1;
	v8 =	vld [tilespmem:s16+$0x6430];
	v0 =	vadd.f32 v0, v6  }
0x6d: {  	p0 =	slt.u32 s1, $0x7E;
	v6 =	vld [tilespmem:s16+$0x7430];
	v2 =	vadd.f32 v2, v7  }
0x6e: {  	v7 =	vld [tilespmem:s16+$0x6400];
	v1 =	vadd.f32 v3, v1  }
0x6f: {  	v3 =	vld [tilespmem:s16+$0x8430];
	v0 =	vadd.f32 v4, v0  }
0x70: {  	v4 =	vld [tilespmem:s16+$0x6410];
	[tilespmem:s20+$0x16400] =	vst v1;
	v1 =	vadd.f32 v5, v2  }
0x71: {  	v2 =	vld [tilespmem:s16+$0x9430];
	[tilespmem:s20+$0x16410] =	vst v0  }
0x72: {  	v0 =	vld [tilespmem:s16+$0x7400];
	v5 =	vadd.f32 v6, v8;
	[tilespmem:s20+$0x16420] =	vst v1;
	s20 =	smov.u32 s16  }
0x73: {  	v1 =	vld [tilespmem:s20+$0xA430]  }
0x74: {  	v6 =	vld [tilespmem:s20+$0x7410];
	v3 =	vadd.f32 v3, v5  }
0x75: {  	v5 =	vld [tilespmem:s20+$0xB430]  }
0x76: {  	v8 =	vld [tilespmem:s20+$0x6420];
	v2 =	vadd.f32 v2, v3  }
0x77: {  	v0 =	vadd.f32 v0, v7;
	v3 =	vld [tilespmem:s20+$0xC430]  }
0x78: {  	v7 =	vld [tilespmem:s20+$0x7420];
	v1 =	vadd.f32 v1, v2  }
0x79: {  	v2 =	vadd.f32 v6, v4;
	v4 =	vld [tilespmem:s20+$0xD430]  }
0x7a: {  	v6 =	vld [tilespmem:s20+$0x8400];
	v1 =	vadd.f32 v5, v1  }
0x7b: {  	v5 =	vld [tilespmem:s20+$0x8410]  }
0x7c: {  	v9 =	vld [tilespmem:s20+$0x8420];
	v1 =	vadd.f32 v3, v1  }
0x7d: {  	v3 =	vld [tilespmem:s20+$0x9400];
	v7 =	vadd.f32 v7, v8  }
0x7e: {  	v8 =	vld [tilespmem:s20+$0x9410];
	v1 =	vadd.f32 v4, v1  }
0x7f: {  	v0 =	vadd.f32 v6, v0;
	v4 =	vld [tilespmem:s20+$0x9420]  }
0x80: {  	s16 =	simm.s32 $0x0;
	v2 =	vadd.f32 v5, v2;
	v5 =	vld [tilespmem:s20+$0xA400];
	[tilespmem:s20+$0x16430] =	vst v1  }
0x81: {  	v1 =	vld [tilespmem:s20+$0xA410];
	v6 =	vadd.f32 v9, v7  }
0x82: {  	v0 =	vadd.f32 v3, v0;
	v3 =	vld [tilespmem:s20+$0xA420]  }
0x83: {  	v2 =	vadd.f32 v8, v2;
	v7 =	vld [tilespmem:s20+$0xB400]  }
0x84: {  	v8 =	vld [tilespmem:s20+$0xB410];
	v4 =	vadd.f32 v4, v6  }
0x85: {  	v5 =	vadd.f32 v5, v0;
	v9 =	vld [tilespmem:s20+$0xB420]  }
.Ltmp0:
0x86: {  	v6 =	vadd.f32 v1, v2;
	v1 =	vld [tilespmem:s20+$0xC400];
	(pc) =	sbr.rel @p0 .LBB2_2-.Ltmp0, $4  }
0x87: {  	v0 =	vld [tilespmem:s20+$0xC410];
	v10 =	vadd.f32 v3, v4  }
0x88: {  	v5 =	vadd.f32 v7, v5;
	v2 =	vld [tilespmem:s20+$0xC420]  }
0x89: {  	v6 =	vadd.f32 v8, v6;
	v3 =	vld [tilespmem:s20+$0xD400]  }
0x8a: {  	s29 =	sadd.s32 $0x100, s29;
	v4 =	vld [tilespmem:s20+$0xD410];
	v7 =	vadd.f32 v9, v10  }
0x8b: {  	v8 =	vld [tilespmem:s20+$0xD420]  }
0x8c: {  	v1 =	vadd.f32 v1, v5  }
0x8d: {  	v0 =	vadd.f32 v0, v6  }
0x8e: {  	v2 =	vadd.f32 v2, v7;
	v1 =	vadd.f32 v3, v1  }
0x8f: {  	v0 =	vadd.f32 v4, v0  }
0x90: {  	[tilespmem:s20+$0x16400] =	vst v1;
	v63 =	vadd.f32 v8, v2  }
0x91: {  	[tilespmem:s20+$0x16410] =	vst v0  }
0x92: {  	[tilespmem:s20+$0x16420] =	vst v63  }
.LBB2_4:
0x93: {  	s1 =	sshll.u32 s16, $0xB  }
0x94: {  	s20 =	sand.u32 $0x3FFFF800, s1  }
0x95: {  	s1 =	sadd.s32 $0x800, s20  }
0x96: {  	[tilespmem:s10], [sflag:$0x1] =	stream.indirect.gather [hbm4b:s3+s7], $0x20, s1, s7, $0xb8;
	[tilespmem:$0x17400] =	vst v63  }
0x97: {  	s4 =	sadd.s32 $0x880, s20  }
0x98: {  	[tilespmem:s11], [sflag:$0x1] =	stream.indirect.gather [hbm4b:s3+s7], $0x20, s4, s7, $0xb8;
	[tilespmem:$0x17400] =	vst v63  }
0x99: {  	s4 =	sadd.s32 $0x900, s20  }
0x9a: {  	[tilespmem:s13], [sflag:$0x1] =	stream.indirect.gather [hbm4b:s3+s7], $0x20, s4, s7, $0xb8;
	[tilespmem:$0x17400] =	vst v63  }
0x9b: {  	s4 =	sadd.s32 $0x980, s20  }
0x9c: {  	[tilespmem:s15], [sflag:$0x1] =	stream.indirect.gather [hbm4b:s3+s7], $0x20, s4, s7, $0xb8;
	[tilespmem:$0x17400] =	vst v63  }
0x9d: {  	s4 =	sadd.s32 $0xA00, s20  }
0x9e: {  	[tilespmem:s17], [sflag:$0x1] =	stream.indirect.gather [hbm4b:s3+s7], $0x20, s4, s7, $0xb8;
	[tilespmem:$0x17400] =	vst v63  }
0x9f: {  	s4 =	sadd.s32 $0xA80, s20  }
0xa0: {  	[tilespmem:s19], [sflag:$0x1] =	stream.indirect.gather [hbm4b:s3+s7], $0x20, s4, s7, $0xb8;
	[tilespmem:$0x17400] =	vst v63  }
0xa1: {  	s4 =	sadd.s32 $0xB00, s20  }
0xa2: {  	[tilespmem:s21], [sflag:$0x1] =	stream.indirect.gather [hbm4b:s3+s7], $0x20, s4, s7, $0xb8;
	[tilespmem:$0x17400] =	vst v63  }
0xa3: {  	s4 =	sadd.s32 $0xB80, s20  }
0xa4: {  	[tilespmem:s23], [sflag:$0x1] =	stream.indirect.gather [hbm4b:s3+s7], $0x20, s4, s7, $0xb8;
	[tilespmem:$0x17400] =	vst v63  }
0xa5: {  	_ =	swait.ge [sflag:s26], $0x1000  }
0xa6: {  	[sflag:s26] =	ssyncset.done $0x0  }
0xa7: {  	[sflag:s26] =	ssyncadd.s32 $0xFFFFF000  }
0xa8: {  	_ =	swait.ge [sflag:s26], $0x1000  }
0xa9: {  	[sflag:s26] =	ssyncset.done $0x0  }
0xaa: {  	[sflag:s26] =	ssyncadd.s32 $0xFFFFF000  }
0xab: {  	_ =	swait.ge [sflag:s26], $0x1000  }
0xac: {  	[sflag:s26] =	ssyncset.done $0x0  }
0xad: {  	[sflag:s26] =	ssyncadd.s32 $0xFFFFF000  }
0xae: {  	_ =	swait.ge [sflag:s26], $0x1000  }
0xaf: {  	[sflag:s26] =	ssyncset.done $0x0  }
0xb0: {  	[sflag:s26] =	ssyncadd.s32 $0xFFFFF000  }
0xb1: {  	_ =	swait.ge [sflag:s26], $0x1000  }
0xb2: {  	[sflag:s26] =	ssyncset.done $0x0  }
0xb3: {  	[sflag:s26] =	ssyncadd.s32 $0xFFFFF000  }
0xb4: {  	_ =	swait.ge [sflag:s26], $0x1000  }
0xb5: {  	[sflag:s26] =	ssyncset.done $0x0  }
0xb6: {  	[sflag:s26] =	ssyncadd.s32 $0xFFFFF000  }
0xb7: {  	_ =	swait.ge [sflag:s26], $0x1000  }
0xb8: {  	[sflag:s26] =	ssyncset.done $0x0  }
0xb9: {  	[sflag:s26] =	ssyncadd.s32 $0xFFFFF000  }
0xba: {  	_ =	swait.ge [sflag:s26], $0x1000  }
0xbb: {  	[sflag:s26] =	ssyncset.done $0x0  }
0xbc: {  	s29 =	simm.s32 $0x0;
	[sflag:s26] =	ssyncadd.s32 $0xFFFFF000  }
0xbd: {  	v2 =	vld [tilespmem:s29+$0x15400]  }
0xbe: {  	v0 =	vld [tilespmem:s29+$0x15410]  }
0xbf: {  	v3 =	vld [tilespmem:s29+$0x14400]  }
0xc0: {  	v1 =	vld [tilespmem:s29+$0x14410]  }
0xc1: {  	v7 =	vld [tilespmem:s29+$0x13400]  }
0xc2: {  	v8 =	vld [tilespmem:s29+$0x13410]  }
0xc3: {  	v4 =	vld [tilespmem:s29+$0x12400]  }
0xc4: {  	v6 =	vld [tilespmem:s29+$0x12410]  }
0xc5: {  	v5 =	vld [tilespmem:s29+$0x11400]  }
0xc6: {  	v9 =	vld [tilespmem:s29+$0x11410]  }
0xc7: {  	v10 =	vld [tilespmem:s29+$0x10400]  }
0xc8: {  	v11 =	vld [tilespmem:s29+$0x10410]  }
0xc9: {  	v12 =	vld [tilespmem:s29+$0xF400]  }
0xca: {  	v13 =	vld [tilespmem:s29+$0xF410]  }
0xcb: {  	v14 =	vld [tilespmem:s29+$0xE400]  }
0xcc: {  	v15 =	vld [tilespmem:s29+$0xE410]  }
0xcd: {  	v16 =	vld [tilespmem:s29+$0xE420]  }
0xce: {  	v17 =	vld [tilespmem:s29+$0xE430]  }
0xcf: {  	v18 =	vld [tilespmem:s29+$0x16400]  }
0xd0: {  	v19 =	vld [tilespmem:s29+$0x16410]  }
0xd1: {  	v20 =	vld [tilespmem:s29+$0x16420]  }
0xd2: {  	v21 =	vld [tilespmem:s29+$0x16430]  }
0xd3: {  	v22 =	vld [tilespmem:s29+$0xF420]  }
0xd4: {  	v59 =	vld [tilespmem:s29+$0xF430];
	v14 =	vadd.f32 v14, v18  }
0xd5: {  	v60 =	vld [tilespmem:s29+$0x10420];
	v15 =	vadd.f32 v15, v19  }
0xd6: {  	v61 =	vld [tilespmem:s29+$0x10430];
	v12 =	vadd.f32 v12, v14;
	v14 =	vadd.f32 v16, v20  }
0xd7: {  	v62 =	vld [tilespmem:s29+$0x11420];
	v13 =	vadd.f32 v13, v15;
	v15 =	vadd.f32 v17, v21  }
0xd8: {  	v10 =	vadd.f32 v10, v12;
	v12 =	vadd.f32 v22, v14;
	v14 =	vld [tilespmem:s29+$0x11430]  }
0xd9: {  	v11 =	vadd.f32 v11, v13;
	v13 =	vadd.f32 v59, v15;
	v15 =	vld [tilespmem:s29+$0x12420]  }
0xda: {  	v63 =	vld [tilespmem:s29+$0x12430];
	v10 =	vadd.f32 v5, v10;
	v12 =	vadd.f32 v60, v12  }
0xdb: {  	v9 =	vadd.f32 v9, v11;
	v11 =	vadd.f32 v61, v13;
	v5 =	vld [tilespmem:s29+$0x13420]  }
0xdc: {  	v10 =	vadd.f32 v4, v10;
	v12 =	vadd.f32 v62, v12;
	v4 =	vld [tilespmem:s29+$0x13430]  }
0xdd: {  	v13 =	vadd.f32 v6, v9;
	v6 =	vld [tilespmem:s29+$0x14420];
	v14 =	vadd.f32 v14, v11  }
0xde: {  	v9 =	vadd.f32 v7, v10;
	v10 =	vadd.f32 v15, v12;
	v7 =	vld [tilespmem:s29+$0x14430]  }
0xdf: {  	s31 =	simm.s32 $0x0;
	s1 =	simm.s32 $0x100;
	v11 =	vadd.f32 v8, v13;
	v8 =	vld [tilespmem:s29+$0x15420];
	v12 =	vadd.f32 v63, v14  }
.LBB2_5:
0xe0: {  	s4 =	sshra.s32 s1, $0x2;
	v3 =	vadd.f32 v3, v9;
	v5 =	vadd.f32 v5, v10;
	v9 =	vld [tilespmem:s29+$0x15430]  }
0xe1: {  	v10 =	vld [tilespmem:s4+$0x15400];
	v1 =	vadd.f32 v1, v11;
	v4 =	vadd.f32 v4, v12  }
0xe2: {  	v11 =	vld [tilespmem:s4+$0x15410];
	v2 =	vadd.f32 v2, v3;
	v5 =	vadd.f32 v6, v5  }
0xe3: {  	v3 =	vld [tilespmem:s4+$0x14400];
	v0 =	vadd.f32 v0, v1;
	v4 =	vadd.f32 v7, v4  }
0xe4: {  	v1 =	vld [tilespmem:s4+$0x14410];
	[tilespmem:s29+$0x16400] =	vst v2;
	v5 =	vadd.f32 v8, v5  }
0xe5: {  	v7 =	vld [tilespmem:s4+$0x13400];
	[tilespmem:s29+$0x16410] =	vst v0;
	v6 =	vadd.f32 v9, v4  }
0xe6: {  	v8 =	vld [tilespmem:s4+$0x13410];
	[tilespmem:s29+$0x16420] =	vst v5;
	v2 =	vmov v10  }
0xe7: {  	v4 =	vld [tilespmem:s4+$0x12400];
	[tilespmem:s29+$0x16430] =	vst v6;
	v0 =	vmov v11;
	s29 =	smov.u32 s4  }
0xe8: {  	v6 =	vld [tilespmem:s29+$0x12410]  }
0xe9: {  	v5 =	vld [tilespmem:s29+$0x11400]  }
0xea: {  	v9 =	vld [tilespmem:s29+$0x11410]  }
0xeb: {  	v10 =	vld [tilespmem:s29+$0x10400]  }
0xec: {  	v11 =	vld [tilespmem:s29+$0x10410]  }
0xed: {  	v12 =	vld [tilespmem:s29+$0xF400]  }
0xee: {  	v13 =	vld [tilespmem:s29+$0xF410]  }
0xef: {  	v14 =	vld [tilespmem:s29+$0xE400]  }
0xf0: {  	v15 =	vld [tilespmem:s29+$0xE410]  }
0xf1: {  	v16 =	vld [tilespmem:s29+$0xE420]  }
0xf2: {  	v17 =	vld [tilespmem:s29+$0xE430]  }
0xf3: {  	v18 =	vld [tilespmem:s29+$0x16400]  }
0xf4: {  	v19 =	vld [tilespmem:s29+$0x16410]  }
0xf5: {  	s31 =	sadd.s32 $0x2, s31;
	v20 =	vld [tilespmem:s29+$0x16420]  }
0xf6: {  	p0 =	slt.u32 s31, $0x7E;
	v21 =	vld [tilespmem:s29+$0x16430]  }
0xf7: {  	v22 =	vld [tilespmem:s29+$0xF420]  }
0xf8: {  	v14 =	vadd.f32 v14, v18;
	v18 =	vld [tilespmem:s29+$0xF430]  }
0xf9: {  	v15 =	vadd.f32 v15, v19;
	v19 =	vld [tilespmem:s29+$0x10420]  }
0xfa: {  	v12 =	vadd.f32 v12, v14;
	v14 =	vadd.f32 v16, v20;
	v16 =	vld [tilespmem:s29+$0x10430]  }
0xfb: {  	v13 =	vadd.f32 v13, v15;
	v15 =	vadd.f32 v17, v21;
	v17 =	vld [tilespmem:s29+$0x11420]  }
0xfc: {  	v10 =	vadd.f32 v10, v12;
	v12 =	vadd.f32 v22, v14;
	v14 =	vld [tilespmem:s29+$0x11430]  }
0xfd: {  	v11 =	vadd.f32 v11, v13;
	v13 =	vadd.f32 v18, v15;
	v15 =	vld [tilespmem:s29+$0x12420]  }
0xfe: {  	v10 =	vadd.f32 v5, v10;
	v12 =	vadd.f32 v19, v12;
	v18 =	vld [tilespmem:s29+$0x12430]  }
.Ltmp1:
0xff: {  	v9 =	vadd.f32 v9, v11;
	v11 =	vadd.f32 v16, v13;
	v5 =	vld [tilespmem:s29+$0x13420];
	(pc) =	sbr.rel @p0 .LBB2_5-.Ltmp1, $4  }
0x100: {  	v10 =	vadd.f32 v4, v10;
	v12 =	vadd.f32 v17, v12;
	v4 =	vld [tilespmem:s29+$0x13430]  }
0x101: {  	v13 =	vadd.f32 v6, v9;
	v14 =	vadd.f32 v14, v11;
	v6 =	vld [tilespmem:s29+$0x14420]  }
0x102: {  	v9 =	vadd.f32 v7, v10;
	v10 =	vadd.f32 v15, v12;
	v7 =	vld [tilespmem:s29+$0x14430]  }
0x103: {  	s1 =	sadd.s32 $0x100, s1;
	v11 =	vadd.f32 v8, v13;
	v12 =	vadd.f32 v18, v14;
	v8 =	vld [tilespmem:s29+$0x15420]  }
0x104: {  	v3 =	vadd.f32 v3, v9;
	v5 =	vadd.f32 v5, v10;
	v9 =	vld [tilespmem:s29+$0x15430]  }
0x105: {  	v1 =	vadd.f32 v1, v11;
	v4 =	vadd.f32 v4, v12  }
0x106: {  	v2 =	vadd.f32 v2, v3;
	v3 =	vadd.f32 v6, v5  }
0x107: {  	v0 =	vadd.f32 v0, v1;
	v1 =	vadd.f32 v7, v4  }
0x108: {  	[tilespmem:s29+$0x16400] =	vst v2;
	v2 =	vadd.f32 v8, v3  }
0x109: {  	[tilespmem:s29+$0x16410] =	vst v0;
	v0 =	vadd.f32 v9, v1  }
0x10a: {  	[tilespmem:s29+$0x16420] =	vst v2  }
0x10b: {  	s1 =	sadd.s32 $0xC00, s20;
	[tilespmem:s29+$0x16430] =	vst v0  }
0x10c: {  	[tilespmem:s25], [sflag:$0x2] =	stream.indirect.gather [hbm4b:s3+s7], $0x20, s1, s7, $0xb8;
	[tilespmem:$0x17400] =	vst v63  }
0x10d: {  	s31 =	sadd.s32 $0xC80, s20  }
0x10e: {  	[tilespmem:s28], [sflag:$0x2] =	stream.indirect.gather [hbm4b:s3+s7], $0x20, s31, s7, $0xb8;
	[tilespmem:$0x17400] =	vst v63  }
0x10f: {  	s4 =	sadd.s32 $0xD00, s20  }
0x110: {  	[tilespmem:s30], [sflag:$0x2] =	stream.indirect.gather [hbm4b:s3+s7], $0x20, s4, s7, $0xb8;
	[tilespmem:$0x17400] =	vst v63  }
0x111: {  	s31 =	sadd.s32 $0xD80, s20  }
0x112: {  	[tilespmem:s0], [sflag:$0x2] =	stream.indirect.gather [hbm4b:s3+s7], $0x20, s31, s7, $0xb8;
	[tilespmem:$0x17400] =	vst v63  }
0x113: {  	s4 =	sadd.s32 $0xE00, s20  }
0x114: {  	[tilespmem:s8], [sflag:$0x2] =	stream.indirect.gather [hbm4b:s3+s7], $0x20, s4, s7, $0xb8;
	[tilespmem:$0x17400] =	vst v63  }
0x115: {  	s31 =	sadd.s32 $0xE80, s20  }
0x116: {  	[tilespmem:s14], [sflag:$0x2] =	stream.indirect.gather [hbm4b:s3+s7], $0x20, s31, s7, $0xb8;
	[tilespmem:$0x17400] =	vst v63  }
0x117: {  	s4 =	sadd.s32 $0xF00, s20  }
0x118: {  	[tilespmem:s18], [sflag:$0x2] =	stream.indirect.gather [hbm4b:s3+s7], $0x20, s4, s7, $0xb8;
	[tilespmem:$0x17400] =	vst v63  }
0x119: {  	s31 =	sadd.s32 $0xF80, s20  }
0x11a: {  	[tilespmem:s22], [sflag:$0x2] =	stream.indirect.gather [hbm4b:s3+s7], $0x20, s31, s7, $0xb8;
	[tilespmem:$0x17400] =	vst v63  }
0x11b: {  	_ =	swait.ge [sflag:s24], $0x1000  }
0x11c: {  	[sflag:s24] =	ssyncset.done $0x0  }
0x11d: {  	[sflag:s24] =	ssyncadd.s32 $0xFFFFF000  }
0x11e: {  	_ =	swait.ge [sflag:s24], $0x1000  }
0x11f: {  	[sflag:s24] =	ssyncset.done $0x0  }
0x120: {  	[sflag:s24] =	ssyncadd.s32 $0xFFFFF000  }
0x121: {  	_ =	swait.ge [sflag:s24], $0x1000  }
0x122: {  	[sflag:s24] =	ssyncset.done $0x0  }
0x123: {  	[sflag:s24] =	ssyncadd.s32 $0xFFFFF000  }
0x124: {  	_ =	swait.ge [sflag:s24], $0x1000  }
0x125: {  	[sflag:s24] =	ssyncset.done $0x0  }
0x126: {  	[sflag:s24] =	ssyncadd.s32 $0xFFFFF000  }
0x127: {  	_ =	swait.ge [sflag:s24], $0x1000  }
0x128: {  	[sflag:s24] =	ssyncset.done $0x0  }
0x129: {  	[sflag:s24] =	ssyncadd.s32 $0xFFFFF000  }
0x12a: {  	_ =	swait.ge [sflag:s24], $0x1000  }
0x12b: {  	[sflag:s24] =	ssyncset.done $0x0  }
0x12c: {  	[sflag:s24] =	ssyncadd.s32 $0xFFFFF000  }
0x12d: {  	_ =	swait.ge [sflag:s24], $0x1000  }
0x12e: {  	[sflag:s24] =	ssyncset.done $0x0  }
0x12f: {  	[sflag:s24] =	ssyncadd.s32 $0xFFFFF000  }
0x130: {  	_ =	swait.ge [sflag:s24], $0x1000  }
0x131: {  	[sflag:s24] =	ssyncset.done $0x0  }
0x132: {  	s20 =	simm.s32 $0x0;
	[sflag:s24] =	ssyncadd.s32 $0xFFFFF000  }
0x133: {  	v2 =	vld [tilespmem:s20+$0xD400]  }
0x134: {  	v0 =	vld [tilespmem:s20+$0xD410]  }
0x135: {  	v3 =	vld [tilespmem:s20+$0xC400]  }
0x136: {  	v1 =	vld [tilespmem:s20+$0xC410]  }
0x137: {  	v7 =	vld [tilespmem:s20+$0xB400]  }
0x138: {  	v8 =	vld [tilespmem:s20+$0xB410]  }
0x139: {  	v4 =	vld [tilespmem:s20+$0xA400]  }
0x13a: {  	v6 =	vld [tilespmem:s20+$0xA410]  }
0x13b: {  	v5 =	vld [tilespmem:s20+$0x9400]  }
0x13c: {  	v9 =	vld [tilespmem:s20+$0x9410]  }
0x13d: {  	v10 =	vld [tilespmem:s20+$0x8400]  }
0x13e: {  	v11 =	vld [tilespmem:s20+$0x8410]  }
0x13f: {  	v12 =	vld [tilespmem:s20+$0x7400]  }
0x140: {  	v13 =	vld [tilespmem:s20+$0x7410]  }
0x141: {  	v14 =	vld [tilespmem:s20+$0x6400]  }
0x142: {  	v15 =	vld [tilespmem:s20+$0x6410]  }
0x143: {  	v16 =	vld [tilespmem:s20+$0x6420]  }
0x144: {  	v17 =	vld [tilespmem:s20+$0x6430]  }
0x145: {  	v18 =	vld [tilespmem:s20+$0x16400]  }
0x146: {  	v19 =	vld [tilespmem:s20+$0x16410]  }
0x147: {  	v20 =	vld [tilespmem:s20+$0x16420]  }
0x148: {  	v21 =	vld [tilespmem:s20+$0x16430]  }
0x149: {  	v22 =	vld [tilespmem:s20+$0x7420]  }
0x14a: {  	v59 =	vld [tilespmem:s20+$0x7430];
	v14 =	vadd.f32 v14, v18  }
0x14b: {  	v60 =	vld [tilespmem:s20+$0x8420];
	v15 =	vadd.f32 v15, v19  }
0x14c: {  	v61 =	vld [tilespmem:s20+$0x8430];
	v12 =	vadd.f32 v12, v14;
	v14 =	vadd.f32 v16, v20  }
0x14d: {  	v62 =	vld [tilespmem:s20+$0x9420];
	v13 =	vadd.f32 v13, v15;
	v15 =	vadd.f32 v17, v21  }
0x14e: {  	v10 =	vadd.f32 v10, v12;
	v12 =	vadd.f32 v22, v14;
	v14 =	vld [tilespmem:s20+$0x9430]  }
0x14f: {  	v11 =	vadd.f32 v11, v13;
	v13 =	vadd.f32 v59, v15;
	v15 =	vld [tilespmem:s20+$0xA420]  }
0x150: {  	v63 =	vld [tilespmem:s20+$0xA430];
	v10 =	vadd.f32 v5, v10;
	v12 =	vadd.f32 v60, v12  }
0x151: {  	v9 =	vadd.f32 v9, v11;
	v11 =	vadd.f32 v61, v13;
	v5 =	vld [tilespmem:s20+$0xB420]  }
0x152: {  	v10 =	vadd.f32 v4, v10;
	v12 =	vadd.f32 v62, v12;
	v4 =	vld [tilespmem:s20+$0xB430]  }
0x153: {  	v13 =	vadd.f32 v6, v9;
	v6 =	vld [tilespmem:s20+$0xC420];
	v14 =	vadd.f32 v14, v11  }
0x154: {  	v9 =	vadd.f32 v7, v10;
	v10 =	vadd.f32 v15, v12;
	v7 =	vld [tilespmem:s20+$0xC430]  }
0x155: {  	s29 =	simm.s32 $0x0;
	s1 =	simm.s32 $0x100;
	v11 =	vadd.f32 v8, v13;
	v8 =	vld [tilespmem:s20+$0xD420];
	v12 =	vadd.f32 v63, v14  }
.LBB2_7:
0x156: {  	s4 =	sshra.s32 s1, $0x2;
	v3 =	vadd.f32 v3, v9;
	v5 =	vadd.f32 v5, v10;
	v9 =	vld [tilespmem:s20+$0xD430]  }
0x157: {  	v10 =	vld [tilespmem:s4+$0xD400];
	v1 =	vadd.f32 v1, v11;
	v4 =	vadd.f32 v4, v12  }
0x158: {  	v11 =	vld [tilespmem:s4+$0xD410];
	v2 =	vadd.f32 v2, v3;
	v5 =	vadd.f32 v6, v5  }
0x159: {  	v3 =	vld [tilespmem:s4+$0xC400];
	v0 =	vadd.f32 v0, v1;
	v4 =	vadd.f32 v7, v4  }
0x15a: {  	v1 =	vld [tilespmem:s4+$0xC410];
	[tilespmem:s20+$0x16400] =	vst v2;
	v5 =	vadd.f32 v8, v5  }
0x15b: {  	v7 =	vld [tilespmem:s4+$0xB400];
	[tilespmem:s20+$0x16410] =	vst v0;
	v6 =	vadd.f32 v9, v4  }
0x15c: {  	v8 =	vld [tilespmem:s4+$0xB410];
	[tilespmem:s20+$0x16420] =	vst v5;
	v2 =	vmov v10  }
0x15d: {  	v4 =	vld [tilespmem:s4+$0xA400];
	[tilespmem:s20+$0x16430] =	vst v6;
	v0 =	vmov v11;
	s20 =	smov.u32 s4  }
0x15e: {  	v6 =	vld [tilespmem:s20+$0xA410]  }
0x15f: {  	v5 =	vld [tilespmem:s20+$0x9400]  }
0x160: {  	v9 =	vld [tilespmem:s20+$0x9410]  }
0x161: {  	v10 =	vld [tilespmem:s20+$0x8400]  }
0x162: {  	v11 =	vld [tilespmem:s20+$0x8410]  }
0x163: {  	v12 =	vld [tilespmem:s20+$0x7400]  }
0x164: {  	v13 =	vld [tilespmem:s20+$0x7410]  }
0x165: {  	v14 =	vld [tilespmem:s20+$0x6400]  }
0x166: {  	v15 =	vld [tilespmem:s20+$0x6410]  }
0x167: {  	v16 =	vld [tilespmem:s20+$0x6420]  }
0x168: {  	v17 =	vld [tilespmem:s20+$0x6430]  }
0x169: {  	v18 =	vld [tilespmem:s20+$0x16400]  }
0x16a: {  	v19 =	vld [tilespmem:s20+$0x16410]  }
0x16b: {  	s29 =	sadd.s32 $0x2, s29;
	v20 =	vld [tilespmem:s20+$0x16420]  }
0x16c: {  	p0 =	slt.u32 s29, $0x7E;
	v21 =	vld [tilespmem:s20+$0x16430]  }
0x16d: {  	v22 =	vld [tilespmem:s20+$0x7420]  }
0x16e: {  	v14 =	vadd.f32 v14, v18;
	v18 =	vld [tilespmem:s20+$0x7430]  }
0x16f: {  	v15 =	vadd.f32 v15, v19;
	v19 =	vld [tilespmem:s20+$0x8420]  }
0x170: {  	v12 =	vadd.f32 v12, v14;
	v14 =	vadd.f32 v16, v20;
	v16 =	vld [tilespmem:s20+$0x8430]  }
0x171: {  	v13 =	vadd.f32 v13, v15;
	v15 =	vadd.f32 v17, v21;
	v17 =	vld [tilespmem:s20+$0x9420]  }
0x172: {  	v10 =	vadd.f32 v10, v12;
	v12 =	vadd.f32 v22, v14;
	v14 =	vld [tilespmem:s20+$0x9430]  }
0x173: {  	v11 =	vadd.f32 v11, v13;
	v13 =	vadd.f32 v18, v15;
	v15 =	vld [tilespmem:s20+$0xA420]  }
0x174: {  	v10 =	vadd.f32 v5, v10;
	v12 =	vadd.f32 v19, v12;
	v18 =	vld [tilespmem:s20+$0xA430]  }
.Ltmp2:
0x175: {  	v9 =	vadd.f32 v9, v11;
	v11 =	vadd.f32 v16, v13;
	v5 =	vld [tilespmem:s20+$0xB420];
	(pc) =	sbr.rel @p0 .LBB2_7-.Ltmp2, $4  }
0x176: {  	v10 =	vadd.f32 v4, v10;
	v12 =	vadd.f32 v17, v12;
	v4 =	vld [tilespmem:s20+$0xB430]  }
0x177: {  	v13 =	vadd.f32 v6, v9;
	v14 =	vadd.f32 v14, v11;
	v6 =	vld [tilespmem:s20+$0xC420]  }
0x178: {  	v9 =	vadd.f32 v7, v10;
	v10 =	vadd.f32 v15, v12;
	v7 =	vld [tilespmem:s20+$0xC430]  }
0x179: {  	s1 =	sadd.s32 $0x100, s1;
	v11 =	vadd.f32 v8, v13;
	v12 =	vadd.f32 v18, v14;
	v8 =	vld [tilespmem:s20+$0xD420]  }
0x17a: {  	v3 =	vadd.f32 v3, v9;
	v5 =	vadd.f32 v5, v10;
	v59 =	vld [tilespmem:s20+$0xD430]  }
0x17b: {  	s16 =	sadd.s32 $0x1, s16;
	v1 =	vadd.f32 v1, v11;
	v4 =	vadd.f32 v4, v12  }
0x17c: {  	p0 =	sne.s32 s16, $0xB;
	v2 =	vadd.f32 v2, v3;
	v60 =	vadd.f32 v6, v5  }
.Ltmp3:
0x17d: {  	v0 =	vadd.f32 v0, v1;
	v61 =	vadd.f32 v7, v4;
	(pc) =	sbr.rel @p0 .LBB2_4-.Ltmp3, $4  }
0x17e: {  	[tilespmem:s20+$0x16400] =	vst v2;
	v62 =	vadd.f32 v8, v60  }
0x17f: {  	[tilespmem:s20+$0x16410] =	vst v0;
	v63 =	vadd.f32 v59, v61  }
0x180: {  	[tilespmem:s20+$0x16420] =	vst v62  }
0x181: {  	[tilespmem:s20+$0x16430] =	vst v63  }
0x182: {  	s1 =	simm.s32 $0x6000  }
0x183: {  	[tilespmem:s10], [sflag:$0x1] =	stream.indirect.gather [hbm4b:s3+s7], $0x20, s1, s7, $0xb8;
	[tilespmem:$0x17400] =	vst v63  }
0x184: {  	s29 =	simm.s32 $0x6080  }
0x185: {  	[tilespmem:s11], [sflag:$0x1] =	stream.indirect.gather [hbm4b:s3+s7], $0x20, s29, s7, $0xb8;
	[tilespmem:$0x17400] =	vst v63  }
0x186: {  	s31 =	simm.s32 $0x6100  }
0x187: {  	[tilespmem:s13], [sflag:$0x1] =	stream.indirect.gather [hbm4b:s3+s7], $0x20, s31, s7, $0xb8;
	[tilespmem:$0x17400] =	vst v63  }
0x188: {  	s4 =	simm.s32 $0x6180  }
0x189: {  	[tilespmem:s15], [sflag:$0x1] =	stream.indirect.gather [hbm4b:s3+s7], $0x20, s4, s7, $0xb8;
	[tilespmem:$0x17400] =	vst v63  }
0x18a: {  	s16 =	simm.s32 $0x6200  }
0x18b: {  	[tilespmem:s17], [sflag:$0x1] =	stream.indirect.gather [hbm4b:s3+s7], $0x20, s16, s7, $0xb8;
	[tilespmem:$0x17400] =	vst v63  }
0x18c: {  	s20 =	simm.s32 $0x6280  }
0x18d: {  	[tilespmem:s19], [sflag:$0x1] =	stream.indirect.gather [hbm4b:s3+s7], $0x20, s20, s7, $0xb8;
	[tilespmem:$0x17400] =	vst v63  }
0x18e: {  	s29 =	simm.s32 $0x6300  }
0x18f: {  	[tilespmem:s21], [sflag:$0x1] =	stream.indirect.gather [hbm4b:s3+s7], $0x20, s29, s7, $0xb8;
	[tilespmem:$0x17400] =	vst v63  }
0x190: {  	s31 =	simm.s32 $0x6380  }
0x191: {  	[tilespmem:s23], [sflag:$0x1] =	stream.indirect.gather [hbm4b:s3+s7], $0x20, s31, s7, $0xb8;
	[tilespmem:$0x17400] =	vst v63  }
0x192: {  	_ =	swait.ge [sflag:s26], $0x1000  }
0x193: {  	[sflag:s26] =	ssyncset.done $0x0  }
0x194: {  	[sflag:s26] =	ssyncadd.s32 $0xFFFFF000  }
0x195: {  	_ =	swait.ge [sflag:s26], $0x1000  }
0x196: {  	[sflag:s26] =	ssyncset.done $0x0  }
0x197: {  	[sflag:s26] =	ssyncadd.s32 $0xFFFFF000  }
0x198: {  	_ =	swait.ge [sflag:s26], $0x1000  }
0x199: {  	[sflag:s26] =	ssyncset.done $0x0  }
0x19a: {  	[sflag:s26] =	ssyncadd.s32 $0xFFFFF000  }
0x19b: {  	_ =	swait.ge [sflag:s26], $0x1000  }
0x19c: {  	[sflag:s26] =	ssyncset.done $0x0  }
0x19d: {  	[sflag:s26] =	ssyncadd.s32 $0xFFFFF000  }
0x19e: {  	_ =	swait.ge [sflag:s26], $0x1000  }
0x19f: {  	[sflag:s26] =	ssyncset.done $0x0  }
0x1a0: {  	[sflag:s26] =	ssyncadd.s32 $0xFFFFF000  }
0x1a1: {  	_ =	swait.ge [sflag:s26], $0x1000  }
0x1a2: {  	[sflag:s26] =	ssyncset.done $0x0  }
0x1a3: {  	[sflag:s26] =	ssyncadd.s32 $0xFFFFF000  }
0x1a4: {  	_ =	swait.ge [sflag:s26], $0x1000  }
0x1a5: {  	[sflag:s26] =	ssyncset.done $0x0  }
0x1a6: {  	[sflag:s26] =	ssyncadd.s32 $0xFFFFF000  }
0x1a7: {  	_ =	swait.ge [sflag:s26], $0x1000  }
0x1a8: {  	[sflag:s26] =	ssyncset.done $0x0  }
0x1a9: {  	s16 =	simm.s32 $0x0;
	[sflag:s26] =	ssyncadd.s32 $0xFFFFF000  }
0x1aa: {  	v2 =	vld [tilespmem:s16+$0x15400]  }
0x1ab: {  	v0 =	vld [tilespmem:s16+$0x15410]  }
0x1ac: {  	v3 =	vld [tilespmem:s16+$0x14400]  }
0x1ad: {  	v1 =	vld [tilespmem:s16+$0x14410]  }
0x1ae: {  	v7 =	vld [tilespmem:s16+$0x13400]  }
0x1af: {  	v8 =	vld [tilespmem:s16+$0x13410]  }
0x1b0: {  	v4 =	vld [tilespmem:s16+$0x12400]  }
0x1b1: {  	v6 =	vld [tilespmem:s16+$0x12410]  }
0x1b2: {  	v5 =	vld [tilespmem:s16+$0x11400]  }
0x1b3: {  	v9 =	vld [tilespmem:s16+$0x11410]  }
0x1b4: {  	v10 =	vld [tilespmem:s16+$0x10400]  }
0x1b5: {  	v11 =	vld [tilespmem:s16+$0x10410]  }
0x1b6: {  	v12 =	vld [tilespmem:s16+$0xF400]  }
0x1b7: {  	v13 =	vld [tilespmem:s16+$0xF410]  }
0x1b8: {  	v14 =	vld [tilespmem:s16+$0xE400]  }
0x1b9: {  	v15 =	vld [tilespmem:s16+$0xE410]  }
0x1ba: {  	v16 =	vld [tilespmem:s16+$0xE420]  }
0x1bb: {  	v17 =	vld [tilespmem:s16+$0xE430]  }
0x1bc: {  	v18 =	vld [tilespmem:s16+$0x16400]  }
0x1bd: {  	v19 =	vld [tilespmem:s16+$0x16410]  }
0x1be: {  	v20 =	vld [tilespmem:s16+$0x16420]  }
0x1bf: {  	v21 =	vld [tilespmem:s16+$0x16430]  }
0x1c0: {  	v22 =	vld [tilespmem:s16+$0xF420]  }
0x1c1: {  	v59 =	vld [tilespmem:s16+$0xF430];
	v14 =	vadd.f32 v14, v18  }
0x1c2: {  	v60 =	vld [tilespmem:s16+$0x10420];
	v15 =	vadd.f32 v15, v19  }
0x1c3: {  	v61 =	vld [tilespmem:s16+$0x10430];
	v12 =	vadd.f32 v12, v14;
	v14 =	vadd.f32 v16, v20  }
0x1c4: {  	v62 =	vld [tilespmem:s16+$0x11420];
	v13 =	vadd.f32 v13, v15;
	v15 =	vadd.f32 v17, v21  }
0x1c5: {  	v10 =	vadd.f32 v10, v12;
	v12 =	vadd.f32 v22, v14;
	v14 =	vld [tilespmem:s16+$0x11430]  }
0x1c6: {  	v11 =	vadd.f32 v11, v13;
	v13 =	vadd.f32 v59, v15;
	v15 =	vld [tilespmem:s16+$0x12420]  }
0x1c7: {  	v63 =	vld [tilespmem:s16+$0x12430];
	v10 =	vadd.f32 v5, v10;
	v12 =	vadd.f32 v60, v12  }
0x1c8: {  	v9 =	vadd.f32 v9, v11;
	v11 =	vadd.f32 v61, v13;
	v5 =	vld [tilespmem:s16+$0x13420]  }
0x1c9: {  	v10 =	vadd.f32 v4, v10;
	v12 =	vadd.f32 v62, v12;
	v4 =	vld [tilespmem:s16+$0x13430]  }
0x1ca: {  	v13 =	vadd.f32 v6, v9;
	v6 =	vld [tilespmem:s16+$0x14420];
	v14 =	vadd.f32 v14, v11  }
0x1cb: {  	v9 =	vadd.f32 v7, v10;
	v10 =	vadd.f32 v15, v12;
	v7 =	vld [tilespmem:s16+$0x14430]  }
0x1cc: {  	s1 =	simm.s32 $0x100;
	s20 =	simm.s32 $0x0;
	v11 =	vadd.f32 v8, v13;
	v8 =	vld [tilespmem:s16+$0x15420];
	v12 =	vadd.f32 v63, v14  }
.LBB2_10:
0x1cd: {  	s4 =	sshra.s32 s1, $0x2;
	v3 =	vadd.f32 v3, v9;
	v5 =	vadd.f32 v5, v10;
	v9 =	vld [tilespmem:s16+$0x15430]  }
0x1ce: {  	v10 =	vld [tilespmem:s4+$0x15400];
	v1 =	vadd.f32 v1, v11;
	v4 =	vadd.f32 v4, v12  }
0x1cf: {  	v11 =	vld [tilespmem:s4+$0x15410];
	v2 =	vadd.f32 v2, v3;
	v5 =	vadd.f32 v6, v5  }
0x1d0: {  	v3 =	vld [tilespmem:s4+$0x14400];
	v0 =	vadd.f32 v0, v1;
	v4 =	vadd.f32 v7, v4  }
0x1d1: {  	v1 =	vld [tilespmem:s4+$0x14410];
	[tilespmem:s16+$0x16400] =	vst v2;
	v5 =	vadd.f32 v8, v5  }
0x1d2: {  	v7 =	vld [tilespmem:s4+$0x13400];
	[tilespmem:s16+$0x16410] =	vst v0;
	v6 =	vadd.f32 v9, v4  }
0x1d3: {  	v8 =	vld [tilespmem:s4+$0x13410];
	[tilespmem:s16+$0x16420] =	vst v5;
	v2 =	vmov v10  }
0x1d4: {  	v4 =	vld [tilespmem:s4+$0x12400];
	[tilespmem:s16+$0x16430] =	vst v6;
	v0 =	vmov v11;
	s16 =	smov.u32 s4  }
0x1d5: {  	v6 =	vld [tilespmem:s16+$0x12410]  }
0x1d6: {  	v5 =	vld [tilespmem:s16+$0x11400]  }
0x1d7: {  	v9 =	vld [tilespmem:s16+$0x11410]  }
0x1d8: {  	v10 =	vld [tilespmem:s16+$0x10400]  }
0x1d9: {  	v11 =	vld [tilespmem:s16+$0x10410]  }
0x1da: {  	v12 =	vld [tilespmem:s16+$0xF400]  }
0x1db: {  	v13 =	vld [tilespmem:s16+$0xF410]  }
0x1dc: {  	v14 =	vld [tilespmem:s16+$0xE400]  }
0x1dd: {  	v15 =	vld [tilespmem:s16+$0xE410]  }
0x1de: {  	v16 =	vld [tilespmem:s16+$0xE420]  }
0x1df: {  	v17 =	vld [tilespmem:s16+$0xE430]  }
0x1e0: {  	v18 =	vld [tilespmem:s16+$0x16400]  }
0x1e1: {  	v19 =	vld [tilespmem:s16+$0x16410]  }
0x1e2: {  	s20 =	sadd.s32 $0x2, s20;
	v20 =	vld [tilespmem:s16+$0x16420]  }
0x1e3: {  	p0 =	slt.u32 s20, $0x7E;
	v21 =	vld [tilespmem:s16+$0x16430]  }
0x1e4: {  	v22 =	vld [tilespmem:s16+$0xF420]  }
0x1e5: {  	v14 =	vadd.f32 v14, v18;
	v18 =	vld [tilespmem:s16+$0xF430]  }
0x1e6: {  	v15 =	vadd.f32 v15, v19;
	v19 =	vld [tilespmem:s16+$0x10420]  }
0x1e7: {  	v12 =	vadd.f32 v12, v14;
	v14 =	vadd.f32 v16, v20;
	v16 =	vld [tilespmem:s16+$0x10430]  }
0x1e8: {  	v13 =	vadd.f32 v13, v15;
	v15 =	vadd.f32 v17, v21;
	v17 =	vld [tilespmem:s16+$0x11420]  }
0x1e9: {  	v10 =	vadd.f32 v10, v12;
	v12 =	vadd.f32 v22, v14;
	v14 =	vld [tilespmem:s16+$0x11430]  }
0x1ea: {  	v11 =	vadd.f32 v11, v13;
	v13 =	vadd.f32 v18, v15;
	v15 =	vld [tilespmem:s16+$0x12420]  }
0x1eb: {  	v10 =	vadd.f32 v5, v10;
	v12 =	vadd.f32 v19, v12;
	v18 =	vld [tilespmem:s16+$0x12430]  }
.Ltmp4:
0x1ec: {  	v9 =	vadd.f32 v9, v11;
	v11 =	vadd.f32 v16, v13;
	v5 =	vld [tilespmem:s16+$0x13420];
	(pc) =	sbr.rel @p0 .LBB2_10-.Ltmp4, $4  }
0x1ed: {  	v10 =	vadd.f32 v4, v10;
	v12 =	vadd.f32 v17, v12;
	v4 =	vld [tilespmem:s16+$0x13430]  }
0x1ee: {  	v13 =	vadd.f32 v6, v9;
	v14 =	vadd.f32 v14, v11;
	v6 =	vld [tilespmem:s16+$0x14420]  }
0x1ef: {  	v9 =	vadd.f32 v7, v10;
	v10 =	vadd.f32 v15, v12;
	v7 =	vld [tilespmem:s16+$0x14430]  }
0x1f0: {  	s1 =	sadd.s32 $0x100, s1;
	v11 =	vadd.f32 v8, v13;
	v12 =	vadd.f32 v18, v14;
	v8 =	vld [tilespmem:s16+$0x15420]  }
0x1f1: {  	v3 =	vadd.f32 v3, v9;
	v5 =	vadd.f32 v5, v10;
	v9 =	vld [tilespmem:s16+$0x15430]  }
0x1f2: {  	v1 =	vadd.f32 v1, v11;
	v4 =	vadd.f32 v4, v12  }
0x1f3: {  	v2 =	vadd.f32 v2, v3;
	v3 =	vadd.f32 v6, v5  }
0x1f4: {  	v0 =	vadd.f32 v0, v1;
	v1 =	vadd.f32 v7, v4  }
0x1f5: {  	[tilespmem:s16+$0x16400] =	vst v2;
	v2 =	vadd.f32 v8, v3  }
0x1f6: {  	[tilespmem:s16+$0x16410] =	vst v0;
	v0 =	vadd.f32 v9, v1  }
0x1f7: {  	[tilespmem:s16+$0x16420] =	vst v2  }
0x1f8: {  	[tilespmem:s16+$0x16430] =	vst v0  }
0x1f9: {  	_ =	swait.ge [sflag:s24], $0x1000  }
0x1fa: {  	[sflag:s24] =	ssyncset.done $0x0  }
0x1fb: {  	[sflag:s24] =	ssyncadd.s32 $0xFFFFF000  }
0x1fc: {  	_ =	swait.ge [sflag:s24], $0x1000  }
0x1fd: {  	[sflag:s24] =	ssyncset.done $0x0  }
0x1fe: {  	[sflag:s24] =	ssyncadd.s32 $0xFFFFF000  }
0x1ff: {  	_ =	swait.ge [sflag:s24], $0x1000  }
0x200: {  	[sflag:s24] =	ssyncset.done $0x0  }
0x201: {  	[sflag:s24] =	ssyncadd.s32 $0xFFFFF000  }
0x202: {  	_ =	swait.ge [sflag:s24], $0x1000  }
0x203: {  	[sflag:s24] =	ssyncset.done $0x0  }
0x204: {  	[sflag:s24] =	ssyncadd.s32 $0xFFFFF000  }
0x205: {  	_ =	swait.ge [sflag:s24], $0x1000  }
0x206: {  	[sflag:s24] =	ssyncset.done $0x0  }
0x207: {  	[sflag:s24] =	ssyncadd.s32 $0xFFFFF000  }
0x208: {  	_ =	swait.ge [sflag:s24], $0x1000  }
0x209: {  	[sflag:s24] =	ssyncset.done $0x0  }
0x20a: {  	[sflag:s24] =	ssyncadd.s32 $0xFFFFF000  }
0x20b: {  	_ =	swait.ge [sflag:s24], $0x1000  }
0x20c: {  	[sflag:s24] =	ssyncset.done $0x0  }
0x20d: {  	[sflag:s24] =	ssyncadd.s32 $0xFFFFF000  }
0x20e: {  	_ =	swait.ge [sflag:s24], $0x1000  }
0x20f: {  	[sflag:s24] =	ssyncset.done $0x0  }
0x210: {  	s16 =	simm.s32 $0x0;
	[sflag:s24] =	ssyncadd.s32 $0xFFFFF000  }
0x211: {  	v2 =	vld [tilespmem:s16+$0xD400]  }
0x212: {  	v0 =	vld [tilespmem:s16+$0xD410]  }
0x213: {  	v3 =	vld [tilespmem:s16+$0xC400]  }
0x214: {  	v1 =	vld [tilespmem:s16+$0xC410]  }
0x215: {  	v7 =	vld [tilespmem:s16+$0xB400]  }
0x216: {  	v8 =	vld [tilespmem:s16+$0xB410]  }
0x217: {  	v4 =	vld [tilespmem:s16+$0xA400]  }
0x218: {  	v6 =	vld [tilespmem:s16+$0xA410]  }
0x219: {  	v5 =	vld [tilespmem:s16+$0x9400]  }
0x21a: {  	v9 =	vld [tilespmem:s16+$0x9410]  }
0x21b: {  	v10 =	vld [tilespmem:s16+$0x8400]  }
0x21c: {  	v11 =	vld [tilespmem:s16+$0x8410]  }
0x21d: {  	v12 =	vld [tilespmem:s16+$0x7400]  }
0x21e: {  	v13 =	vld [tilespmem:s16+$0x7410]  }
0x21f: {  	v14 =	vld [tilespmem:s16+$0x6400]  }
0x220: {  	v15 =	vld [tilespmem:s16+$0x6410]  }
0x221: {  	v16 =	vld [tilespmem:s16+$0x6420]  }
0x222: {  	v17 =	vld [tilespmem:s16+$0x6430]  }
0x223: {  	v18 =	vld [tilespmem:s16+$0x16400]  }
0x224: {  	v19 =	vld [tilespmem:s16+$0x16410]  }
0x225: {  	v20 =	vld [tilespmem:s16+$0x16420]  }
0x226: {  	v21 =	vld [tilespmem:s16+$0x16430]  }
0x227: {  	v22 =	vld [tilespmem:s16+$0x7420]  }
0x228: {  	v59 =	vld [tilespmem:s16+$0x7430];
	v14 =	vadd.f32 v14, v18  }
0x229: {  	v60 =	vld [tilespmem:s16+$0x8420];
	v15 =	vadd.f32 v15, v19  }
0x22a: {  	v61 =	vld [tilespmem:s16+$0x8430];
	v12 =	vadd.f32 v12, v14;
	v14 =	vadd.f32 v16, v20  }
0x22b: {  	v62 =	vld [tilespmem:s16+$0x9420];
	v13 =	vadd.f32 v13, v15;
	v15 =	vadd.f32 v17, v21  }
0x22c: {  	v10 =	vadd.f32 v10, v12;
	v12 =	vadd.f32 v22, v14;
	v14 =	vld [tilespmem:s16+$0x9430]  }
0x22d: {  	v11 =	vadd.f32 v11, v13;
	v13 =	vadd.f32 v59, v15;
	v15 =	vld [tilespmem:s16+$0xA420]  }
0x22e: {  	v63 =	vld [tilespmem:s16+$0xA430];
	v10 =	vadd.f32 v5, v10;
	v12 =	vadd.f32 v60, v12  }
0x22f: {  	v9 =	vadd.f32 v9, v11;
	v11 =	vadd.f32 v61, v13;
	v5 =	vld [tilespmem:s16+$0xB420]  }
0x230: {  	v10 =	vadd.f32 v4, v10;
	v12 =	vadd.f32 v62, v12;
	v4 =	vld [tilespmem:s16+$0xB430]  }
0x231: {  	v13 =	vadd.f32 v6, v9;
	v6 =	vld [tilespmem:s16+$0xC420];
	v14 =	vadd.f32 v14, v11  }
0x232: {  	v9 =	vadd.f32 v7, v10;
	v10 =	vadd.f32 v15, v12;
	v7 =	vld [tilespmem:s16+$0xC430]  }
0x233: {  	s20 =	simm.s32 $0x0;
	s1 =	simm.s32 $0x100;
	v11 =	vadd.f32 v8, v13;
	v8 =	vld [tilespmem:s16+$0xD420];
	v12 =	vadd.f32 v63, v14  }
.LBB2_12:
0x234: {  	s4 =	sshra.s32 s1, $0x2;
	v3 =	vadd.f32 v3, v9;
	v5 =	vadd.f32 v5, v10;
	v9 =	vld [tilespmem:s16+$0xD430]  }
0x235: {  	v10 =	vld [tilespmem:s4+$0xD400];
	v1 =	vadd.f32 v1, v11;
	v4 =	vadd.f32 v4, v12  }
0x236: {  	v11 =	vld [tilespmem:s4+$0xD410];
	v2 =	vadd.f32 v2, v3;
	v5 =	vadd.f32 v6, v5  }
0x237: {  	v3 =	vld [tilespmem:s4+$0xC400];
	v0 =	vadd.f32 v0, v1;
	v4 =	vadd.f32 v7, v4  }
0x238: {  	v1 =	vld [tilespmem:s4+$0xC410];
	[tilespmem:s16+$0x16400] =	vst v2;
	v5 =	vadd.f32 v8, v5  }
0x239: {  	v7 =	vld [tilespmem:s4+$0xB400];
	[tilespmem:s16+$0x16410] =	vst v0;
	v6 =	vadd.f32 v9, v4  }
0x23a: {  	v8 =	vld [tilespmem:s4+$0xB410];
	[tilespmem:s16+$0x16420] =	vst v5;
	v2 =	vmov v10  }
0x23b: {  	v4 =	vld [tilespmem:s4+$0xA400];
	[tilespmem:s16+$0x16430] =	vst v6;
	v0 =	vmov v11;
	s16 =	smov.u32 s4  }
0x23c: {  	v6 =	vld [tilespmem:s16+$0xA410]  }
0x23d: {  	v5 =	vld [tilespmem:s16+$0x9400]  }
0x23e: {  	v9 =	vld [tilespmem:s16+$0x9410]  }
0x23f: {  	v10 =	vld [tilespmem:s16+$0x8400]  }
0x240: {  	v11 =	vld [tilespmem:s16+$0x8410]  }
0x241: {  	v12 =	vld [tilespmem:s16+$0x7400]  }
0x242: {  	v13 =	vld [tilespmem:s16+$0x7410]  }
0x243: {  	v14 =	vld [tilespmem:s16+$0x6400]  }
0x244: {  	v15 =	vld [tilespmem:s16+$0x6410]  }
0x245: {  	v16 =	vld [tilespmem:s16+$0x6420]  }
0x246: {  	v17 =	vld [tilespmem:s16+$0x6430]  }
0x247: {  	v18 =	vld [tilespmem:s16+$0x16400]  }
0x248: {  	v19 =	vld [tilespmem:s16+$0x16410]  }
0x249: {  	s20 =	sadd.s32 $0x2, s20;
	v20 =	vld [tilespmem:s16+$0x16420]  }
0x24a: {  	p0 =	slt.u32 s20, $0x7E;
	v21 =	vld [tilespmem:s16+$0x16430]  }
0x24b: {  	v22 =	vld [tilespmem:s16+$0x7420]  }
0x24c: {  	v14 =	vadd.f32 v14, v18;
	v18 =	vld [tilespmem:s16+$0x7430]  }
0x24d: {  	v15 =	vadd.f32 v15, v19;
	v19 =	vld [tilespmem:s16+$0x8420]  }
0x24e: {  	v12 =	vadd.f32 v12, v14;
	v14 =	vadd.f32 v16, v20;
	v16 =	vld [tilespmem:s16+$0x8430]  }
0x24f: {  	v13 =	vadd.f32 v13, v15;
	v15 =	vadd.f32 v17, v21;
	v17 =	vld [tilespmem:s16+$0x9420]  }
0x250: {  	v10 =	vadd.f32 v10, v12;
	v12 =	vadd.f32 v22, v14;
	v14 =	vld [tilespmem:s16+$0x9430]  }
0x251: {  	v11 =	vadd.f32 v11, v13;
	v13 =	vadd.f32 v18, v15;
	v15 =	vld [tilespmem:s16+$0xA420]  }
0x252: {  	v10 =	vadd.f32 v5, v10;
	v12 =	vadd.f32 v19, v12;
	v18 =	vld [tilespmem:s16+$0xA430]  }
.Ltmp5:
0x253: {  	v9 =	vadd.f32 v9, v11;
	v11 =	vadd.f32 v16, v13;
	v5 =	vld [tilespmem:s16+$0xB420];
	(pc) =	sbr.rel @p0 .LBB2_12-.Ltmp5, $4  }
0x254: {  	v10 =	vadd.f32 v4, v10;
	v12 =	vadd.f32 v17, v12;
	v4 =	vld [tilespmem:s16+$0xB430]  }
0x255: {  	v13 =	vadd.f32 v6, v9;
	v14 =	vadd.f32 v14, v11;
	v6 =	vld [tilespmem:s16+$0xC420]  }
0x256: {  	v9 =	vadd.f32 v7, v10;
	v10 =	vadd.f32 v15, v12;
	v7 =	vld [tilespmem:s16+$0xC430]  }
0x257: {  	s1 =	sadd.s32 $0x100, s1;
	v11 =	vadd.f32 v8, v13;
	v12 =	vadd.f32 v18, v14;
	v8 =	vld [tilespmem:s16+$0xD420]  }
0x258: {  	v3 =	vadd.f32 v3, v9;
	v5 =	vadd.f32 v5, v10;
	v59 =	vld [tilespmem:s16+$0xD430]  }
0x259: {  	v1 =	vadd.f32 v1, v11;
	v4 =	vadd.f32 v4, v12  }
0x25a: {  	v2 =	vadd.f32 v2, v3;
	v60 =	vadd.f32 v6, v5  }
0x25b: {  	v0 =	vadd.f32 v0, v1;
	v61 =	vadd.f32 v7, v4  }
0x25c: {  	[tilespmem:s16+$0x16400] =	vst v2;
	v62 =	vadd.f32 v8, v60  }
0x25d: {  	s12 =	sadd.s32 $0x1, s12;
	[tilespmem:s16+$0x16410] =	vst v0;
	v63 =	vadd.f32 v59, v61  }
0x25e: {  	p0 =	sne.s32 s12, s6;
	[tilespmem:s16+$0x16420] =	vst v62  }
.Ltmp6:
0x25f: {  	s1 =	simm.s32 $0x16400;
	[tilespmem:s16+$0x16430] =	vst v63;
	(pc) =	sbr.rel @p0 .LBB2_1-.Ltmp6, $4  }
0x260: {  	[hbm4b:s5+s2] =	stream.linear.scatter [tilespmem:s1], [sflag:$0x3], $0x1000, $0x38;
	[tilespmem:$0x17400] =	vst v63  }
0x261: {  	_ =	swait.ge [sflag:s9], $0x1000  }
0x262: {  	[sflag:s9] =	ssyncset.done $0x0  }
0x263: {  	[sflag:s9] =	ssyncadd.s32 $0xFFFFF000  }
0x264: {  	_ =	sfence.sel $0x180000  }
0x265: {  	[bflag:$0x0] =	sbarrier.arrive $0xFFFF  }
0x266: {  	_ =	strace $0x90000047  }
0x267: {  	s0 =	stileid.u32;
	[bflag:$0x2] =	sbarrier.arrive $0xFFFF  }
0x268: {  	p0 =	sne.s32 s0, $0x0;
	s0 =	rddreg [dreg:$0x1]  }
0x269: {  	s0 =	sadd.s32 @!p0 $0x100000, s0  }
0x26a: {  	[sflag:s0] =	ssyncadd.tile.s32 @!p0 $0x1;
	_ =	shalt  }
.Lfunc_end2:
_tile_overlayer_lowered:
.L_overlay_start_2:
0x26b: {  	(tag) =	ssettag $0x2  }
0x26c: {  	s0 =	rddreg [dreg:$0x0];
	s2 =	stileid.u32  }
0x26d: {  	s1 =	rddreg [dreg:$0x1];
	p0 =	sne.s32 s2, $0x0  }
0x26e: {  	s3 =	rddreg [dreg:$0x2];
	[bflag:$0x3] =	sbarrier.arrive $0xFFFF;
	s2 =	simm.s32 @!p0 $0x1C03  }
0x26f: {  	[timem:s3], [sflag:s2] =	dma.local @!p0 [hbm:s0], s1  }
0x270: {  	s0 =	simm.s32 @!p0 $0x3  }
0x271: {  	_ =	swait.ge @!p0 [sflag:s0], s1  }
0x272: {  	s1 =	ssub.s32 @!p0 $0x0, s1;
	[sflag:s0] =	ssyncset.done @!p0 $0x0  }
0x273: {  	[sflag:s0] =	ssyncadd.s32 @!p0 s1  }
0x274: {  	[bflag:$0x3] =	sbarrier.arrive $0xFFFF  }
0x275: {  	_ =	shalt  }

</sc_bundles>
